<compile_context>
chip_gen: v7x
topology: tpu7x:2x2x1
jax: 0.10.2.dev20260603
libtpu: 0.0.44.dev20260713+nightly
codegen_flags: <defaults>
</compile_context>

<pallas_src>
import functools

import jax
import jax.numpy as jnp
import numpy as np
from jax import lax
from jax.experimental import pallas as pl
from jax.experimental.pallas import tpu as pltpu
from jax.experimental.pallas import tpu_sc as plsc

B, L = 16, 65536
LROWS = L // 16
P, J = 30, 17
PP = 32
NT = J * PP
KPW = 1088
CHUNKS = [(0, 64, 2), (64, 64, 4), (128, 64, 6), (192, 64, 8),
          (256, 64, 10), (320, 64, 12), (384, 64, 14), (448, 64, 16),
          (512, 32, 17)]

def _recip(x):
    y = plsc.bitcast(jnp.int32(0x7EF311C3) - plsc.bitcast(x, jnp.int32),
                     jnp.float32)
    for _ in range(3):
        y = y * (2.0 - x * y)
    return y


def _aeloss_body(tags_hbm, kp_hbm, out_hbm,
                 kp_v, rows_v, lanes_v, w_v, gath_v, means_v,
                 out_v, asm_v, out2_v, shared_v, sem):
    c = lax.axis_index("c")
    s = lax.axis_index("s")
    iota = lax.iota(jnp.int32, 16)

    @pl.when(s < 8)
    def _():
        b = c * 8 + s
        pltpu.sync_copy(kp_hbm.at[b], kp_v)

        base_a = 34 * iota
        base_b = 34 * (iota + 16)
        copies = []
        tab3 = tags_hbm.at[b]
        ci = 0
        for j in range(J):
            ia = plsc.load_gather(kp_v, [base_a + 2 * j])
            ib = plsc.load_gather(kp_v, [base_b + 2 * j])
            fa = plsc.load_gather(kp_v, [base_a + 2 * j + 1])
            fb = plsc.load_gather(kp_v, [base_b + 2 * j + 1])
            rows_v[pl.ds(j * PP, 16)] = jnp.right_shift(ia, 4)
            rows_v[pl.ds(j * PP + 16, 16)] = jnp.right_shift(ib, 4)
            lanes_v[pl.ds(j * PP, 16)] = jnp.bitwise_and(ia, 15)
            lanes_v[pl.ds(j * PP + 16, 16)] = jnp.bitwise_and(ib, 15)
            w_v[pl.ds(j * PP, 16)] = fa.astype(jnp.float32)
            w_v[pl.ds(j * PP + 16, 16)] = fb.astype(jnp.float32)
            while ci < len(CHUNKS) and CHUNKS[ci][2] == j + 1:
                start, nsl, _ = CHUNKS[ci]
                copies.append(pltpu.async_copy(
                    tab3.at[rows_v.at[pl.ds(start, nsl)]],
                    gath_v.at[pl.ds(start, nsl)], sem))
                ci += 1

        def joint_step(j, carry):
            na, nb, sa, sb, qa, qb = carry
            o = pl.multiple_of(j * PP, 8)
            ta = plsc.load_gather(
                gath_v, [j * PP + iota, lanes_v[pl.ds(o, 16)]])
            tb = plsc.load_gather(
                gath_v, [j * PP + 16 + iota,
                         lanes_v[pl.ds(o + 16, 16)]])
            wa = w_v[pl.ds(o, 16)]
            wb = w_v[pl.ds(o + 16, 16)]
            twa = ta * wa
            twb = tb * wb
            return (na + wa, nb + wb, sa + twa, sb + twb,
                    qa + ta * twa, qb + tb * twb)

        z = jnp.zeros((16,), jnp.float32)
        for cp in copies[:-1]:
            cp.wait()
        na, nb, sa, sb, qa, qb = lax.fori_loop(
            0, 16, joint_step, (z, z, z, z, z, z), unroll=4)
        copies[-1].wait()
        na, nb, sa, sb, qa, qb = joint_step(16, (na, nb, sa, sb, qa, qb))

        nia = na.astype(jnp.int32)
        nib = nb.astype(jnp.int32)
        rna = _recip(jnp.maximum(na, 1.0))
        rnb = _recip(jnp.maximum(nb, 1.0))
        ma = sa * rna
        mb = sb * rnb
        va = qa - 2.0 * ma * sa + ma * ma * na
        vb = qb - 2.0 * mb * sb + mb * mb * nb

        has_a = nia > 0
        has_b = nib > 0
        zero = jnp.zeros((16,), jnp.float32)
        ma = jnp.where(has_a, ma, zero)
        mb = jnp.where(has_b, mb, zero)
        pushv = jnp.where(has_a, va * rna, zero) + jnp.where(has_b, vb * rnb, zero)
        push_acc = jnp.sum(pushv)
        cur = (plsc.all_reduce_population_count(has_a)
               + plsc.all_reduce_population_count(has_b))

        sent_a = (iota + 1).astype(jnp.float32) * 1e4
        sent_b = (iota + 17).astype(jnp.float32) * 1e4
        means_v[pl.ds(0, 16)] = jnp.where(iota < cur, ma, sent_a)
        means_v[pl.ds(16, 16)] = jnp.where(iota + 16 < cur, mb, sent_b)
        ma = means_v[pl.ds(0, 16)]
        mb = means_v[pl.ds(16, 16)]

        def pair_step(j, acc):
            bj = plsc.load_gather(means_v, [jnp.zeros((16,), jnp.int32) + j])
            da = ma - bj
            db = mb - bj
            return acc + jnp.exp(-(da * da)) + jnp.exp(-(db * db))

        acc = lax.fori_loop(0, P, pair_step, zero, unroll=5)
        total = jnp.sum(acc)

        kf = cur.astype(jnp.float32)
        kf1 = jnp.maximum(kf, 1.0)
        rk = _recip(kf1)
        rp = _recip(jnp.maximum(kf1 * (kf1 - 1.0) * 0.5, 1.0))
        pull = (total - jnp.float32(P)) * 0.5
        pull = jnp.where(cur > 1, pull * rp, zero + pull)
        pull = pull * 0.5
        push = jnp.where(cur > 0, push_acc * rk, zero + push_acc)

        out_v[...] = jnp.where(iota == 0, pull,
                               jnp.where(iota == 1, push, 0.0))
        pltpu.sync_copy(out_v, shared_v.at[s])

    plsc.subcore_barrier()

    @pl.when(s == 0)
    def _():
        pltpu.sync_copy(shared_v, asm_v)
        r = plsc.load_gather(
            asm_v, [jnp.bitwise_and(iota, 7), jnp.right_shift(iota, 3)])
        out2_v[...] = r
        pltpu.sync_copy(out2_v.at[pl.ds(0, 8)], out_hbm.at[pl.ds(c * 8, 8)])
        pltpu.sync_copy(out2_v.at[pl.ds(8, 8)],
                        out_hbm.at[pl.ds(B + c * 8, 8)])


_aeloss = functools.partial(
    pl.kernel,
    out_type=jax.ShapeDtypeStruct((2 * B,), jnp.float32),
    mesh=plsc.VectorSubcoreMesh(core_axis_name="c", subcore_axis_name="s"),
    compiler_params=pltpu.CompilerParams(
        needs_layout_passes=False, use_tc_tiling_on_sc=False),
    scratch_types=[
        pltpu.VMEM((KPW,), jnp.int32),
        pltpu.VMEM((NT,), jnp.int32),
        pltpu.VMEM((NT,), jnp.int32),
        pltpu.VMEM((NT,), jnp.float32),
        pltpu.VMEM((NT, 16), jnp.float32),
        pltpu.VMEM((32,), jnp.float32),
        pltpu.VMEM((16,), jnp.float32),
        pltpu.VMEM((8, 16), jnp.float32),
        pltpu.VMEM((16,), jnp.float32),
        pltpu.VMEM_SHARED((8, 16), jnp.float32),
        pltpu.SemaphoreType.DMA,
    ],
)(_aeloss_body)


@jax.jit
def kernel(tags, keypoints):
    tags3 = tags.reshape(B, LROWS, 16)
    kp = jnp.pad(keypoints.reshape(B, P * J * 2), ((0, 0), (0, KPW - P * J * 2)))
    out = _aeloss(tags3, kp)
    return jnp.transpose(out.reshape(2, B), (1, 0))

# --- scband reference (transcript-rebuilt; emitter-appended) ---
"""Pipeline reference for scband-aeloss-89215060672742 (READ-ONLY COPY).

The authoritative reference and input builder live on the scoring server;
editing this copy changes nothing except your own understanding.
"""

import jax, jax.numpy as jnp
import numpy as np

B, L, D = 16, 65536, 1
P, J = 30, 17

def setup_inputs(seed: int = 0) -> dict:
    key = jax.random.key(seed)
    k1, k2, k3 = jax.random.split(key, 3)
    tags = jax.random.normal(k1, (B, L, D), dtype=jnp.float32)
    idx = jax.random.randint(k2, (B, P, J, 1), 0, L, dtype=jnp.int32)
    flag = jax.random.randint(k3, (B, P, J, 1), 0, 2, dtype=jnp.int32)
    keypoints = jnp.concatenate([idx, flag], axis=-1)
    return {"tags": tags, "keypoints": keypoints}

def reference(tags, keypoints):
    kp = keypoints
    B_ = tags.shape[0]
    D_ = tags.shape[2]
    P_ = kp.shape[1]
    outputs = []
    for b in range(B_):
        mean_list = []
        push = jnp.float32(0.0)              # output[b, 1]
        cur = jnp.int32(0)
        for p in range(P_):
            mask = kp[b, p, :, -1] == 1
            idxs = kp[b, p, :, 0]
            w = mask.astype(tags.dtype)[:, None]
            n = jnp.sum(mask.astype(jnp.int32))
            has = n > 0
            vt = tags[b, idxs]               # gather [J, D], invalid rows zero-weighted
            nf = jnp.where(has, n, 1).astype(tags.dtype)
            m = jnp.sum(vt * w) / (nf * D_)
            mean_list.append(jnp.where(has, m, jnp.float32(0.0)))
            push = push + jnp.where(has, jnp.sum(jnp.square(vt - m) * w) / nf, jnp.float32(0.0))
            cur = cur + has.astype(jnp.int32)
        pull = jnp.float32(0.0)
        push = jnp.where(cur > 0, push / jnp.where(cur > 0, cur, 1).astype(jnp.float32), push)
        for p1 in range(P_ - 1):
            for p2 in range(p1 + 1, P_):
                term = jnp.exp(-jnp.square(mean_list[p1] - mean_list[p2]))
                pull = pull + jnp.where(cur > p2, term, jnp.float32(0.0))
        pair_denom = (cur * (cur - 1)).astype(jnp.float32) / 2
        pull = jnp.where(cur > 1, pull / jnp.where(cur > 1, pair_denom, 1.0), pull)
        pull = pull * 0.5
        outputs.append(jnp.stack([pull, push]))
    return jnp.stack(outputs)

if __name__ == "__main__":
    import jax
    _d = setup_inputs()
    print(jax.jit(kernel)(*tuple(_d.values())))

</pallas_src>

<mosaic_0001>
#map = affine_map<(d0, d1) -> (0, 0, 0)>
#map1 = affine_map<(d0, d1) -> (0, 0)>
#map2 = affine_map<(d0, d1) -> (0)>
module attributes {stable_mosaic.version = 14 : i64} {
  func.func @_aeloss_body(%arg0: i32, %arg1: i32, %arg2: memref<16x4096x16xf32, #tpu.memory_space<hbm>>, %arg3: memref<16x1088xi32, #tpu.memory_space<hbm>>, %arg4: memref<32xf32, #tpu.memory_space<hbm>>, %arg5: memref<1088xi32, #tpu.memory_space<vmem>>, %arg6: memref<544xi32, #tpu.memory_space<vmem>>, %arg7: memref<544xi32, #tpu.memory_space<vmem>>, %arg8: memref<544xf32, #tpu.memory_space<vmem>>, %arg9: memref<544x16xf32, #tpu.memory_space<vmem>>, %arg10: memref<32xf32, #tpu.memory_space<vmem>>, %arg11: memref<16xf32, #tpu.memory_space<vmem>>, %arg12: memref<8x16xf32, #tpu.memory_space<vmem>>, %arg13: memref<16xf32, #tpu.memory_space<vmem>>, %arg14: memref<8x16xf32, #tpu.memory_space<vmem_shared>>, %arg15: memref<!tpu.dma_semaphore, #tpu.memory_space<semaphore_mem>>) attributes {dimension_semantics = [#tpu.dimension_semantics<core_parallel>, #tpu.dimension_semantics<subcore_parallel>], iteration_bounds = array<i64: 2, 16>, scalar_prefetch = 0 : i64, scratch_operands = 11 : i64, tpu.core_type = #tpu.core_type<sc_vector_subcore>, window_params = [{transform_indices = #map}, {transform_indices = #map1}, {transform_indices = #map2}]} {
    %iota3A = tpu.iota {dimensions = array<i32: 0>} : vector<16xi32>
    %lt3A = arith.constant 8 : i32
    %lt3A_0 = arith.cmpi slt, %arg1, %lt3A : i32
    %convert_element_type3A = arith.extui %lt3A_0 : i1 to i32
    %cond3A = arith.constant 0 : i32
    %cond3A_1 = arith.cmpi ne, %convert_element_type3A, %cond3A : i32
    scf.if %cond3A_1 {
      %mul3A = arith.constant 8 : i32
      %mul3A_6 = arith.muli %arg0, %mul3A : i32
      %add3A = arith.addi %mul3A_6, %arg1 : i32
      "tpu.region"() ({
        %run_scoped3A = tpu.sem_alloc : memref<!tpu.dma_semaphore, #tpu.memory_space<semaphore_mem>>
        %dma_start3A_1286 = arith.constant 0 : i32
        %dma_start3A_1287 = tpu.memref_slice %arg3[%add3A, %dma_start3A_1286] : memref<16x1088xi32, #tpu.memory_space<hbm>> -> memref<1x1088xi32, #tpu.memory_space<hbm>>
        %dma_start3A_1288 = tpu.memref_squeeze %dma_start3A_1287 : memref<1x1088xi32, #tpu.memory_space<hbm>> -> memref<1088xi32, #tpu.memory_space<hbm>>
        %dma_start3A_1289 = arith.constant 0 : i32
        %dma_start3A_1290 = tpu.memref_slice %arg3[%add3A, %dma_start3A_1289] : memref<16x1088xi32, #tpu.memory_space<hbm>> -> memref<1x1088xi32, #tpu.memory_space<hbm>>
        %dma_start3A_1291 = tpu.memref_squeeze %dma_start3A_1290 : memref<1x1088xi32, #tpu.memory_space<hbm>> -> memref<1088xi32, #tpu.memory_space<hbm>>
        tpu.enqueue_dma source(%dma_start3A_1291 : memref<1088xi32, #tpu.memory_space<hbm>>) target(%arg5 : memref<1088xi32, #tpu.memory_space<vmem>>) target_semaphore(%run_scoped3A : memref<!tpu.dma_semaphore, #tpu.memory_space<semaphore_mem>>)
        %dma_wait3A_1292 = arith.constant 0 : i32
        %dma_wait3A_1293 = tpu.memref_slice %arg3[%add3A, %dma_wait3A_1292] : memref<16x1088xi32, #tpu.memory_space<hbm>> -> memref<1x1088xi32, #tpu.memory_space<hbm>>
        %dma_wait3A_1294 = tpu.memref_squeeze %dma_wait3A_1293 : memref<1x1088xi32, #tpu.memory_space<hbm>> -> memref<1088xi32, #tpu.memory_space<hbm>>
        %dma_wait3A_1295 = arith.constant 0 : i32
        %dma_wait3A_1296 = tpu.memref_slice %arg3[%add3A, %dma_wait3A_1295] : memref<16x1088xi32, #tpu.memory_space<hbm>> -> memref<1x1088xi32, #tpu.memory_space<hbm>>
        %dma_wait3A_1297 = tpu.memref_squeeze %dma_wait3A_1296 : memref<1x1088xi32, #tpu.memory_space<hbm>> -> memref<1088xi32, #tpu.memory_space<hbm>>
        tpu.wait_dma2 semaphore(%run_scoped3A : memref<!tpu.dma_semaphore, #tpu.memory_space<semaphore_mem>>) src(%dma_wait3A_1297 : memref<1088xi32, #tpu.memory_space<hbm>>) dst(%arg5 : memref<1088xi32, #tpu.memory_space<vmem>>)
        tpu.yield
      }) : () -> ()
      %mul3A_7 = arith.constant 34 : i32
      %mul3A_8 = vector.broadcast %mul3A_7 : i32 to vector<16xi32>
      %mul3A_9 = arith.muli %mul3A_8, %iota3A : vector<16xi32>
      %add3A_10 = arith.constant 16 : i32
      %add3A_11 = vector.broadcast %add3A_10 : i32 to vector<16xi32>
      %add3A_12 = arith.addi %iota3A, %add3A_11 : vector<16xi32>
      %mul3A_13 = arith.constant 34 : i32
      %mul3A_14 = vector.broadcast %mul3A_13 : i32 to vector<16xi32>
      %mul3A_15 = arith.muli %mul3A_14, %add3A_12 : vector<16xi32>
      %add3A_16 = arith.constant 0 : i32
      %add3A_17 = vector.broadcast %add3A_16 : i32 to vector<16xi32>
      %add3A_18 = arith.addi %mul3A_9, %add3A_17 : vector<16xi32>
      %gather3A = tpu.vector_load_idx %arg5[%add3A_18] : memref<1088xi32, #tpu.memory_space<vmem>>[vector<16xi32>], vector<16xi32>,
      %add3A_19 = arith.constant 0 : i32
      %add3A_20 = vector.broadcast %add3A_19 : i32 to vector<16xi32>
      %add3A_21 = arith.addi %mul3A_15, %add3A_20 : vector<16xi32>
      %gather3A_22 = tpu.vector_load_idx %arg5[%add3A_21] : memref<1088xi32, #tpu.memory_space<vmem>>[vector<16xi32>], vector<16xi32>,
      %add3A_23 = arith.constant 0 : i32
      %add3A_24 = vector.broadcast %add3A_23 : i32 to vector<16xi32>
      %add3A_25 = arith.addi %mul3A_9, %add3A_24 : vector<16xi32>
      %add3A_26 = arith.constant 1 : i32
      %add3A_27 = vector.broadcast %add3A_26 : i32 to vector<16xi32>
      %add3A_28 = arith.addi %add3A_25, %add3A_27 : vector<16xi32>
      %gather3A_29 = tpu.vector_load_idx %arg5[%add3A_28] : memref<1088xi32, #tpu.memory_space<vmem>>[vector<16xi32>], vector<16xi32>,
      %add3A_30 = arith.constant 0 : i32
      %add3A_31 = vector.broadcast %add3A_30 : i32 to vector<16xi32>
      %add3A_32 = arith.addi %mul3A_15, %add3A_31 : vector<16xi32>
      %add3A_33 = arith.constant 1 : i32
      %add3A_34 = vector.broadcast %add3A_33 : i32 to vector<16xi32>
      %add3A_35 = arith.addi %add3A_32, %add3A_34 : vector<16xi32>
      %gather3A_36 = tpu.vector_load_idx %arg5[%add3A_35] : memref<1088xi32, #tpu.memory_space<vmem>>[vector<16xi32>], vector<16xi32>,
      %shift_right_arithmetic3A = arith.constant 4 : i32
      %shift_right_arithmetic3A_37 = vector.broadcast %shift_right_arithmetic3A : i32 to vector<16xi32>
      %shift_right_arithmetic3A_38 = arith.shrsi %gather3A, %shift_right_arithmetic3A_37 : vector<16xi32>
      %swap3A = arith.constant 0 : index
      %swap3A_39 = tpu.vector_load %arg6[%swap3A] {strides = array<i32>} : memref<544xi32, #tpu.memory_space<vmem>>, vector<16xi32>,
      tpu.vector_store %arg6[%swap3A], %shift_right_arithmetic3A_38 {strides = array<i32>} : memref<544xi32, #tpu.memory_space<vmem>>, vector<16xi32>,
      %shift_right_arithmetic3A_40 = arith.constant 4 : i32
      %shift_right_arithmetic3A_41 = vector.broadcast %shift_right_arithmetic3A_40 : i32 to vector<16xi32>
      %shift_right_arithmetic3A_42 = arith.shrsi %gather3A_22, %shift_right_arithmetic3A_41 : vector<16xi32>
      %swap3A_43 = arith.constant 16 : index
      %swap3A_44 = tpu.vector_load %arg6[%swap3A_43] {strides = array<i32>} : memref<544xi32, #tpu.memory_space<vmem>>, vector<16xi32>,
      tpu.vector_store %arg6[%swap3A_43], %shift_right_arithmetic3A_42 {strides = array<i32>} : memref<544xi32, #tpu.memory_space<vmem>>, vector<16xi32>,
      %and3A = arith.constant 15 : i32
      %and3A_45 = vector.broadcast %and3A : i32 to vector<16xi32>
      %and3A_46 = arith.andi %gather3A, %and3A_45 : vector<16xi32>
      %swap3A_47 = arith.constant 0 : index
      %swap3A_48 = tpu.vector_load %arg7[%swap3A_47] {strides = array<i32>} : memref<544xi32, #tpu.memory_space<vmem>>, vector<16xi32>,
      tpu.vector_store %arg7[%swap3A_47], %and3A_46 {strides = array<i32>} : memref<544xi32, #tpu.memory_space<vmem>>, vector<16xi32>,
      %and3A_49 = arith.constant 15 : i32
      %and3A_50 = vector.broadcast %and3A_49 : i32 to vector<16xi32>
      %and3A_51 = arith.andi %gather3A_22, %and3A_50 : vector<16xi32>
      %swap3A_52 = arith.constant 16 : index
      %swap3A_53 = tpu.vector_load %arg7[%swap3A_52] {strides = array<i32>} : memref<544xi32, #tpu.memory_space<vmem>>, vector<16xi32>,
      tpu.vector_store %arg7[%swap3A_52], %and3A_51 {strides = array<i32>} : memref<544xi32, #tpu.memory_space<vmem>>, vector<16xi32>,
      %convert_element_type3A_54 = arith.sitofp %gather3A_29 : vector<16xi32> to vector<16xf32>
      %swap3A_55 = arith.constant 0 : index
      %swap3A_56 = tpu.vector_load %arg8[%swap3A_55] {strides = array<i32>} : memref<544xf32, #tpu.memory_space<vmem>>, vector<16xf32>,
      tpu.vector_store %arg8[%swap3A_55], %convert_element_type3A_54 {strides = array<i32>} : memref<544xf32, #tpu.memory_space<vmem>>, vector<16xf32>,
      %convert_element_type3A_57 = arith.sitofp %gather3A_36 : vector<16xi32> to vector<16xf32>
      %swap3A_58 = arith.constant 16 : index
      %swap3A_59 = tpu.vector_load %arg8[%swap3A_58] {strides = array<i32>} : memref<544xf32, #tpu.memory_space<vmem>>, vector<16xf32>,
      tpu.vector_store %arg8[%swap3A_58], %convert_element_type3A_57 {strides = array<i32>} : memref<544xf32, #tpu.memory_space<vmem>>, vector<16xf32>,
      %add3A_60 = arith.constant 2 : i32
      %add3A_61 = vector.broadcast %add3A_60 : i32 to vector<16xi32>
      %add3A_62 = arith.addi %mul3A_9, %add3A_61 : vector<16xi32>
      %gather3A_63 = tpu.vector_load_idx %arg5[%add3A_62] : memref<1088xi32, #tpu.memory_space<vmem>>[vector<16xi32>], vector<16xi32>,
      %add3A_64 = arith.constant 2 : i32
      %add3A_65 = vector.broadcast %add3A_64 : i32 to vector<16xi32>
      %add3A_66 = arith.addi %mul3A_15, %add3A_65 : vector<16xi32>
      %gather3A_67 = tpu.vector_load_idx %arg5[%add3A_66] : memref<1088xi32, #tpu.memory_space<vmem>>[vector<16xi32>], vector<16xi32>,
      %add3A_68 = arith.constant 2 : i32
      %add3A_69 = vector.broadcast %add3A_68 : i32 to vector<16xi32>
      %add3A_70 = arith.addi %mul3A_9, %add3A_69 : vector<16xi32>
      %add3A_71 = arith.constant 1 : i32
      %add3A_72 = vector.broadcast %add3A_71 : i32 to vector<16xi32>
      %add3A_73 = arith.addi %add3A_70, %add3A_72 : vector<16xi32>
      %gather3A_74 = tpu.vector_load_idx %arg5[%add3A_73] : memref<1088xi32, #tpu.memory_space<vmem>>[vector<16xi32>], vector<16xi32>,
      %add3A_75 = arith.constant 2 : i32
      %add3A_76 = vector.broadcast %add3A_75 : i32 to vector<16xi32>
      %add3A_77 = arith.addi %mul3A_15, %add3A_76 : vector<16xi32>
      %add3A_78 = arith.constant 1 : i32
      %add3A_79 = vector.broadcast %add3A_78 : i32 to vector<16xi32>
      %add3A_80 = arith.addi %add3A_77, %add3A_79 : vector<16xi32>
      %gather3A_81 = tpu.vector_load_idx %arg5[%add3A_80] : memref<1088xi32, #tpu.memory_space<vmem>>[vector<16xi32>], vector<16xi32>,
      %shift_right_arithmetic3A_82 = arith.constant 4 : i32
      %shift_right_arithmetic3A_83 = vector.broadcast %shift_right_arithmetic3A_82 : i32 to vector<16xi32>
      %shift_right_arithmetic3A_84 = arith.shrsi %gather3A_63, %shift_right_arithmetic3A_83 : vector<16xi32>
      %swap3A_85 = arith.constant 32 : index
      %swap3A_86 = tpu.vector_load %arg6[%swap3A_85] {strides = array<i32>} : memref<544xi32, #tpu.memory_space<vmem>>, vector<16xi32>,
      tpu.vector_store %arg6[%swap3A_85], %shift_right_arithmetic3A_84 {strides = array<i32>} : memref<544xi32, #tpu.memory_space<vmem>>, vector<16xi32>,
      %shift_right_arithmetic3A_87 = arith.constant 4 : i32
      %shift_right_arithmetic3A_88 = vector.broadcast %shift_right_arithmetic3A_87 : i32 to vector<16xi32>
      %shift_right_arithmetic3A_89 = arith.shrsi %gather3A_67, %shift_right_arithmetic3A_88 : vector<16xi32>
      %swap3A_90 = arith.constant 48 : index
      %swap3A_91 = tpu.vector_load %arg6[%swap3A_90] {strides = array<i32>} : memref<544xi32, #tpu.memory_space<vmem>>, vector<16xi32>,
      tpu.vector_store %arg6[%swap3A_90], %shift_right_arithmetic3A_89 {strides = array<i32>} : memref<544xi32, #tpu.memory_space<vmem>>, vector<16xi32>,
      %and3A_92 = arith.constant 15 : i32
      %and3A_93 = vector.broadcast %and3A_92 : i32 to vector<16xi32>
      %and3A_94 = arith.andi %gather3A_63, %and3A_93 : vector<16xi32>
      %swap3A_95 = arith.constant 32 : index
      %swap3A_96 = tpu.vector_load %arg7[%swap3A_95] {strides = array<i32>} : memref<544xi32, #tpu.memory_space<vmem>>, vector<16xi32>,
      tpu.vector_store %arg7[%swap3A_95], %and3A_94 {strides = array<i32>} : memref<544xi32, #tpu.memory_space<vmem>>, vector<16xi32>,
      %and3A_97 = arith.constant 15 : i32
      %and3A_98 = vector.broadcast %and3A_97 : i32 to vector<16xi32>
      %and3A_99 = arith.andi %gather3A_67, %and3A_98 : vector<16xi32>
      %swap3A_100 = arith.constant 48 : index
      %swap3A_101 = tpu.vector_load %arg7[%swap3A_100] {strides = array<i32>} : memref<544xi32, #tpu.memory_space<vmem>>, vector<16xi32>,
      tpu.vector_store %arg7[%swap3A_100], %and3A_99 {strides = array<i32>} : memref<544xi32, #tpu.memory_space<vmem>>, vector<16xi32>,
      %convert_element_type3A_102 = arith.sitofp %gather3A_74 : vector<16xi32> to vector<16xf32>
      %swap3A_103 = arith.constant 32 : index
      %swap3A_104 = tpu.vector_load %arg8[%swap3A_103] {strides = array<i32>} : memref<544xf32, #tpu.memory_space<vmem>>, vector<16xf32>,
      tpu.vector_store %arg8[%swap3A_103], %convert_element_type3A_102 {strides = array<i32>} : memref<544xf32, #tpu.memory_space<vmem>>, vector<16xf32>,
      %convert_element_type3A_105 = arith.sitofp %gather3A_81 : vector<16xi32> to vector<16xf32>
      %swap3A_106 = arith.constant 48 : index
      %swap3A_107 = tpu.vector_load %arg8[%swap3A_106] {strides = array<i32>} : memref<544xf32, #tpu.memory_space<vmem>>, vector<16xf32>,
      tpu.vector_store %arg8[%swap3A_106], %convert_element_type3A_105 {strides = array<i32>} : memref<544xf32, #tpu.memory_space<vmem>>, vector<16xf32>,
      %dma_start3A = arith.constant 0 : i32
      %dma_start3A_108 = arith.constant 0 : i32
      %dma_start3A_109 = tpu.memref_slice %arg9[%dma_start3A, %dma_start3A_108] : memref<544x16xf32, #tpu.memory_space<vmem>> -> memref<64x16xf32, #tpu.memory_space<vmem>>
      %dma_start3A_110 = arith.constant 0 : i32
      %dma_start3A_111 = tpu.memref_slice %arg6[%dma_start3A_110] : memref<544xi32, #tpu.memory_space<vmem>> -> memref<64xi32, #tpu.memory_space<vmem>>
      %dma_start3A_112 = arith.constant 0 : i32
      %dma_start3A_113 = arith.constant 0 : i32
      %dma_start3A_114 = tpu.memref_slice %arg2[%add3A, %dma_start3A_112, %dma_start3A_113] : memref<16x4096x16xf32, #tpu.memory_space<hbm>> -> memref<1x4096x16xf32, #tpu.memory_space<hbm>>
      %dma_start3A_115 = tpu.memref_squeeze %dma_start3A_114 : memref<1x4096x16xf32, #tpu.memory_space<hbm>> -> memref<4096x16xf32, #tpu.memory_space<hbm>>
      %dma_start3A_116 = arith.constant 0 : i32
      %dma_start3A_117 = arith.constant 0 : i32
      %dma_start3A_118 = tpu.memref_slice %dma_start3A_115[%dma_start3A_116, %dma_start3A_117] : memref<4096x16xf32, #tpu.memory_space<hbm>> -> memref<4096x16xf32, #tpu.memory_space<hbm>>
      tpu.enqueue_indirect_dma source(%dma_start3A_118 : memref<4096x16xf32, #tpu.memory_space<hbm>>) target(%dma_start3A_109 : memref<64x16xf32, #tpu.memory_space<vmem>>) offsets(%dma_start3A_111 : memref<64xi32, #tpu.memory_space<vmem>>) semaphore(%arg15 : memref<!tpu.dma_semaphore, #tpu.memory_space<semaphore_mem>>)
      %add3A_119 = arith.constant 4 : i32
      %add3A_120 = vector.broadcast %add3A_119 : i32 to vector<16xi32>
      %add3A_121 = arith.addi %mul3A_9, %add3A_120 : vector<16xi32>
      %gather3A_122 = tpu.vector_load_idx %arg5[%add3A_121] : memref<1088xi32, #tpu.memory_space<vmem>>[vector<16xi32>], vector<16xi32>,
      %add3A_123 = arith.constant 4 : i32
      %add3A_124 = vector.broadcast %add3A_123 : i32 to vector<16xi32>
      %add3A_125 = arith.addi %mul3A_15, %add3A_124 : vector<16xi32>
      %gather3A_126 = tpu.vector_load_idx %arg5[%add3A_125] : memref<1088xi32, #tpu.memory_space<vmem>>[vector<16xi32>], vector<16xi32>,
      %add3A_127 = arith.constant 4 : i32
      %add3A_128 = vector.broadcast %add3A_127 : i32 to vector<16xi32>
      %add3A_129 = arith.addi %mul3A_9, %add3A_128 : vector<16xi32>
      %add3A_130 = arith.constant 1 : i32
      %add3A_131 = vector.broadcast %add3A_130 : i32 to vector<16xi32>
      %add3A_132 = arith.addi %add3A_129, %add3A_131 : vector<16xi32>
      %gather3A_133 = tpu.vector_load_idx %arg5[%add3A_132] : memref<1088xi32, #tpu.memory_space<vmem>>[vector<16xi32>], vector<16xi32>,
      %add3A_134 = arith.constant 4 : i32
      %add3A_135 = vector.broadcast %add3A_134 : i32 to vector<16xi32>
      %add3A_136 = arith.addi %mul3A_15, %add3A_135 : vector<16xi32>
      %add3A_137 = arith.constant 1 : i32
      %add3A_138 = vector.broadcast %add3A_137 : i32 to vector<16xi32>
      %add3A_139 = arith.addi %add3A_136, %add3A_138 : vector<16xi32>
      %gather3A_140 = tpu.vector_load_idx %arg5[%add3A_139] : memref<1088xi32, #tpu.memory_space<vmem>>[vector<16xi32>], vector<16xi32>,
      %shift_right_arithmetic3A_141 = arith.constant 4 : i32
      %shift_right_arithmetic3A_142 = vector.broadcast %shift_right_arithmetic3A_141 : i32 to vector<16xi32>
      %shift_right_arithmetic3A_143 = arith.shrsi %gather3A_122, %shift_right_arithmetic3A_142 : vector<16xi32>
      %swap3A_144 = arith.constant 64 : index
      %swap3A_145 = tpu.vector_load %arg6[%swap3A_144] {strides = array<i32>} : memref<544xi32, #tpu.memory_space<vmem>>, vector<16xi32>,
      tpu.vector_store %arg6[%swap3A_144], %shift_right_arithmetic3A_143 {strides = array<i32>} : memref<544xi32, #tpu.memory_space<vmem>>, vector<16xi32>,
      %shift_right_arithmetic3A_146 = arith.constant 4 : i32
      %shift_right_arithmetic3A_147 = vector.broadcast %shift_right_arithmetic3A_146 : i32 to vector<16xi32>
      %shift_right_arithmetic3A_148 = arith.shrsi %gather3A_126, %shift_right_arithmetic3A_147 : vector<16xi32>
      %swap3A_149 = arith.constant 80 : index
      %swap3A_150 = tpu.vector_load %arg6[%swap3A_149] {strides = array<i32>} : memref<544xi32, #tpu.memory_space<vmem>>, vector<16xi32>,
      tpu.vector_store %arg6[%swap3A_149], %shift_right_arithmetic3A_148 {strides = array<i32>} : memref<544xi32, #tpu.memory_space<vmem>>, vector<16xi32>,
      %and3A_151 = arith.constant 15 : i32
      %and3A_152 = vector.broadcast %and3A_151 : i32 to vector<16xi32>
      %and3A_153 = arith.andi %gather3A_122, %and3A_152 : vector<16xi32>
      %swap3A_154 = arith.constant 64 : index
      %swap3A_155 = tpu.vector_load %arg7[%swap3A_154] {strides = array<i32>} : memref<544xi32, #tpu.memory_space<vmem>>, vector<16xi32>,
      tpu.vector_store %arg7[%swap3A_154], %and3A_153 {strides = array<i32>} : memref<544xi32, #tpu.memory_space<vmem>>, vector<16xi32>,
      %and3A_156 = arith.constant 15 : i32
      %and3A_157 = vector.broadcast %and3A_156 : i32 to vector<16xi32>
      %and3A_158 = arith.andi %gather3A_126, %and3A_157 : vector<16xi32>
      %swap3A_159 = arith.constant 80 : index
      %swap3A_160 = tpu.vector_load %arg7[%swap3A_159] {strides = array<i32>} : memref<544xi32, #tpu.memory_space<vmem>>, vector<16xi32>,
      tpu.vector_store %arg7[%swap3A_159], %and3A_158 {strides = array<i32>} : memref<544xi32, #tpu.memory_space<vmem>>, vector<16xi32>,
      %convert_element_type3A_161 = arith.sitofp %gather3A_133 : vector<16xi32> to vector<16xf32>
      %swap3A_162 = arith.constant 64 : index
      %swap3A_163 = tpu.vector_load %arg8[%swap3A_162] {strides = array<i32>} : memref<544xf32, #tpu.memory_space<vmem>>, vector<16xf32>,
      tpu.vector_store %arg8[%swap3A_162], %convert_element_type3A_161 {strides = array<i32>} : memref<544xf32, #tpu.memory_space<vmem>>, vector<16xf32>,
      %convert_element_type3A_164 = arith.sitofp %gather3A_140 : vector<16xi32> to vector<16xf32>
      %swap3A_165 = arith.constant 80 : index
      %swap3A_166 = tpu.vector_load %arg8[%swap3A_165] {strides = array<i32>} : memref<544xf32, #tpu.memory_space<vmem>>, vector<16xf32>,
      tpu.vector_store %arg8[%swap3A_165], %convert_element_type3A_164 {strides = array<i32>} : memref<544xf32, #tpu.memory_space<vmem>>, vector<16xf32>,
      %add3A_167 = arith.constant 6 : i32
      %add3A_168 = vector.broadcast %add3A_167 : i32 to vector<16xi32>
      %add3A_169 = arith.addi %mul3A_9, %add3A_168 : vector<16xi32>
      %gather3A_170 = tpu.vector_load_idx %arg5[%add3A_169] : memref<1088xi32, #tpu.memory_space<vmem>>[vector<16xi32>], vector<16xi32>,
      %add3A_171 = arith.constant 6 : i32
      %add3A_172 = vector.broadcast %add3A_171 : i32 to vector<16xi32>
      %add3A_173 = arith.addi %mul3A_15, %add3A_172 : vector<16xi32>
      %gather3A_174 = tpu.vector_load_idx %arg5[%add3A_173] : memref<1088xi32, #tpu.memory_space<vmem>>[vector<16xi32>], vector<16xi32>,
      %add3A_175 = arith.constant 6 : i32
      %add3A_176 = vector.broadcast %add3A_175 : i32 to vector<16xi32>
      %add3A_177 = arith.addi %mul3A_9, %add3A_176 : vector<16xi32>
      %add3A_178 = arith.constant 1 : i32
      %add3A_179 = vector.broadcast %add3A_178 : i32 to vector<16xi32>
      %add3A_180 = arith.addi %add3A_177, %add3A_179 : vector<16xi32>
      %gather3A_181 = tpu.vector_load_idx %arg5[%add3A_180] : memref<1088xi32, #tpu.memory_space<vmem>>[vector<16xi32>], vector<16xi32>,
      %add3A_182 = arith.constant 6 : i32
      %add3A_183 = vector.broadcast %add3A_182 : i32 to vector<16xi32>
      %add3A_184 = arith.addi %mul3A_15, %add3A_183 : vector<16xi32>
      %add3A_185 = arith.constant 1 : i32
      %add3A_186 = vector.broadcast %add3A_185 : i32 to vector<16xi32>
      %add3A_187 = arith.addi %add3A_184, %add3A_186 : vector<16xi32>
      %gather3A_188 = tpu.vector_load_idx %arg5[%add3A_187] : memref<1088xi32, #tpu.memory_space<vmem>>[vector<16xi32>], vector<16xi32>,
      %shift_right_arithmetic3A_189 = arith.constant 4 : i32
      %shift_right_arithmetic3A_190 = vector.broadcast %shift_right_arithmetic3A_189 : i32 to vector<16xi32>
      %shift_right_arithmetic3A_191 = arith.shrsi %gather3A_170, %shift_right_arithmetic3A_190 : vector<16xi32>
      %swap3A_192 = arith.constant 96 : index
      %swap3A_193 = tpu.vector_load %arg6[%swap3A_192] {strides = array<i32>} : memref<544xi32, #tpu.memory_space<vmem>>, vector<16xi32>,
      tpu.vector_store %arg6[%swap3A_192], %shift_right_arithmetic3A_191 {strides = array<i32>} : memref<544xi32, #tpu.memory_space<vmem>>, vector<16xi32>,
      %shift_right_arithmetic3A_194 = arith.constant 4 : i32
      %shift_right_arithmetic3A_195 = vector.broadcast %shift_right_arithmetic3A_194 : i32 to vector<16xi32>
      %shift_right_arithmetic3A_196 = arith.shrsi %gather3A_174, %shift_right_arithmetic3A_195 : vector<16xi32>
      %swap3A_197 = arith.constant 112 : index
      %swap3A_198 = tpu.vector_load %arg6[%swap3A_197] {strides = array<i32>} : memref<544xi32, #tpu.memory_space<vmem>>, vector<16xi32>,
      tpu.vector_store %arg6[%swap3A_197], %shift_right_arithmetic3A_196 {strides = array<i32>} : memref<544xi32, #tpu.memory_space<vmem>>, vector<16xi32>,
      %and3A_199 = arith.constant 15 : i32
      %and3A_200 = vector.broadcast %and3A_199 : i32 to vector<16xi32>
      %and3A_201 = arith.andi %gather3A_170, %and3A_200 : vector<16xi32>
      %swap3A_202 = arith.constant 96 : index
      %swap3A_203 = tpu.vector_load %arg7[%swap3A_202] {strides = array<i32>} : memref<544xi32, #tpu.memory_space<vmem>>, vector<16xi32>,
      tpu.vector_store %arg7[%swap3A_202], %and3A_201 {strides = array<i32>} : memref<544xi32, #tpu.memory_space<vmem>>, vector<16xi32>,
      %and3A_204 = arith.constant 15 : i32
      %and3A_205 = vector.broadcast %and3A_204 : i32 to vector<16xi32>
      %and3A_206 = arith.andi %gather3A_174, %and3A_205 : vector<16xi32>
      %swap3A_207 = arith.constant 112 : index
      %swap3A_208 = tpu.vector_load %arg7[%swap3A_207] {strides = array<i32>} : memref<544xi32, #tpu.memory_space<vmem>>, vector<16xi32>,
      tpu.vector_store %arg7[%swap3A_207], %and3A_206 {strides = array<i32>} : memref<544xi32, #tpu.memory_space<vmem>>, vector<16xi32>,
      %convert_element_type3A_209 = arith.sitofp %gather3A_181 : vector<16xi32> to vector<16xf32>
      %swap3A_210 = arith.constant 96 : index
      %swap3A_211 = tpu.vector_load %arg8[%swap3A_210] {strides = array<i32>} : memref<544xf32, #tpu.memory_space<vmem>>, vector<16xf32>,
      tpu.vector_store %arg8[%swap3A_210], %convert_element_type3A_209 {strides = array<i32>} : memref<544xf32, #tpu.memory_space<vmem>>, vector<16xf32>,
      %convert_element_type3A_212 = arith.sitofp %gather3A_188 : vector<16xi32> to vector<16xf32>
      %swap3A_213 = arith.constant 112 : index
      %swap3A_214 = tpu.vector_load %arg8[%swap3A_213] {strides = array<i32>} : memref<544xf32, #tpu.memory_space<vmem>>, vector<16xf32>,
      tpu.vector_store %arg8[%swap3A_213], %convert_element_type3A_212 {strides = array<i32>} : memref<544xf32, #tpu.memory_space<vmem>>, vector<16xf32>,
      %dma_start3A_215 = arith.constant 64 : i32
      %dma_start3A_216 = arith.constant 0 : i32
      %dma_start3A_217 = tpu.memref_slice %arg9[%dma_start3A_215, %dma_start3A_216] : memref<544x16xf32, #tpu.memory_space<vmem>> -> memref<64x16xf32, #tpu.memory_space<vmem>>
      %dma_start3A_218 = arith.constant 64 : i32
      %dma_start3A_219 = tpu.memref_slice %arg6[%dma_start3A_218] : memref<544xi32, #tpu.memory_space<vmem>> -> memref<64xi32, #tpu.memory_space<vmem>>
      %dma_start3A_220 = arith.constant 0 : i32
      %dma_start3A_221 = arith.constant 0 : i32
      %dma_start3A_222 = tpu.memref_slice %arg2[%add3A, %dma_start3A_220, %dma_start3A_221] : memref<16x4096x16xf32, #tpu.memory_space<hbm>> -> memref<1x4096x16xf32, #tpu.memory_space<hbm>>
      %dma_start3A_223 = tpu.memref_squeeze %dma_start3A_222 : memref<1x4096x16xf32, #tpu.memory_space<hbm>> -> memref<4096x16xf32, #tpu.memory_space<hbm>>
      %dma_start3A_224 = arith.constant 0 : i32
      %dma_start3A_225 = arith.constant 0 : i32
      %dma_start3A_226 = tpu.memref_slice %dma_start3A_223[%dma_start3A_224, %dma_start3A_225] : memref<4096x16xf32, #tpu.memory_space<hbm>> -> memref<4096x16xf32, #tpu.memory_space<hbm>>
      tpu.enqueue_indirect_dma source(%dma_start3A_226 : memref<4096x16xf32, #tpu.memory_space<hbm>>) target(%dma_start3A_217 : memref<64x16xf32, #tpu.memory_space<vmem>>) offsets(%dma_start3A_219 : memref<64xi32, #tpu.memory_space<vmem>>) semaphore(%arg15 : memref<!tpu.dma_semaphore, #tpu.memory_space<semaphore_mem>>)
      %add3A_227 = arith.constant 8 : i32
      %add3A_228 = vector.broadcast %add3A_227 : i32 to vector<16xi32>
      %add3A_229 = arith.addi %mul3A_9, %add3A_228 : vector<16xi32>
      %gather3A_230 = tpu.vector_load_idx %arg5[%add3A_229] : memref<1088xi32, #tpu.memory_space<vmem>>[vector<16xi32>], vector<16xi32>,
      %add3A_231 = arith.constant 8 : i32
      %add3A_232 = vector.broadcast %add3A_231 : i32 to vector<16xi32>
      %add3A_233 = arith.addi %mul3A_15, %add3A_232 : vector<16xi32>
      %gather3A_234 = tpu.vector_load_idx %arg5[%add3A_233] : memref<1088xi32, #tpu.memory_space<vmem>>[vector<16xi32>], vector<16xi32>,
      %add3A_235 = arith.constant 8 : i32
      %add3A_236 = vector.broadcast %add3A_235 : i32 to vector<16xi32>
      %add3A_237 = arith.addi %mul3A_9, %add3A_236 : vector<16xi32>
      %add3A_238 = arith.constant 1 : i32
      %add3A_239 = vector.broadcast %add3A_238 : i32 to vector<16xi32>
      %add3A_240 = arith.addi %add3A_237, %add3A_239 : vector<16xi32>
      %gather3A_241 = tpu.vector_load_idx %arg5[%add3A_240] : memref<1088xi32, #tpu.memory_space<vmem>>[vector<16xi32>], vector<16xi32>,
      %add3A_242 = arith.constant 8 : i32
      %add3A_243 = vector.broadcast %add3A_242 : i32 to vector<16xi32>
      %add3A_244 = arith.addi %mul3A_15, %add3A_243 : vector<16xi32>
      %add3A_245 = arith.constant 1 : i32
      %add3A_246 = vector.broadcast %add3A_245 : i32 to vector<16xi32>
      %add3A_247 = arith.addi %add3A_244, %add3A_246 : vector<16xi32>
      %gather3A_248 = tpu.vector_load_idx %arg5[%add3A_247] : memref<1088xi32, #tpu.memory_space<vmem>>[vector<16xi32>], vector<16xi32>,
      %shift_right_arithmetic3A_249 = arith.constant 4 : i32
      %shift_right_arithmetic3A_250 = vector.broadcast %shift_right_arithmetic3A_249 : i32 to vector<16xi32>
      %shift_right_arithmetic3A_251 = arith.shrsi %gather3A_230, %shift_right_arithmetic3A_250 : vector<16xi32>
      %swap3A_252 = arith.constant 128 : index
      %swap3A_253 = tpu.vector_load %arg6[%swap3A_252] {strides = array<i32>} : memref<544xi32, #tpu.memory_space<vmem>>, vector<16xi32>,
      tpu.vector_store %arg6[%swap3A_252], %shift_right_arithmetic3A_251 {strides = array<i32>} : memref<544xi32, #tpu.memory_space<vmem>>, vector<16xi32>,
      %shift_right_arithmetic3A_254 = arith.constant 4 : i32
      %shift_right_arithmetic3A_255 = vector.broadcast %shift_right_arithmetic3A_254 : i32 to vector<16xi32>
      %shift_right_arithmetic3A_256 = arith.shrsi %gather3A_234, %shift_right_arithmetic3A_255 : vector<16xi32>
      %swap3A_257 = arith.constant 144 : index
      %swap3A_258 = tpu.vector_load %arg6[%swap3A_257] {strides = array<i32>} : memref<544xi32, #tpu.memory_space<vmem>>, vector<16xi32>,
      tpu.vector_store %arg6[%swap3A_257], %shift_right_arithmetic3A_256 {strides = array<i32>} : memref<544xi32, #tpu.memory_space<vmem>>, vector<16xi32>,
      %and3A_259 = arith.constant 15 : i32
      %and3A_260 = vector.broadcast %and3A_259 : i32 to vector<16xi32>
      %and3A_261 = arith.andi %gather3A_230, %and3A_260 : vector<16xi32>
      %swap3A_262 = arith.constant 128 : index
      %swap3A_263 = tpu.vector_load %arg7[%swap3A_262] {strides = array<i32>} : memref<544xi32, #tpu.memory_space<vmem>>, vector<16xi32>,
      tpu.vector_store %arg7[%swap3A_262], %and3A_261 {strides = array<i32>} : memref<544xi32, #tpu.memory_space<vmem>>, vector<16xi32>,
      %and3A_264 = arith.constant 15 : i32
      %and3A_265 = vector.broadcast %and3A_264 : i32 to vector<16xi32>
      %and3A_266 = arith.andi %gather3A_234, %and3A_265 : vector<16xi32>
      %swap3A_267 = arith.constant 144 : index
      %swap3A_268 = tpu.vector_load %arg7[%swap3A_267] {strides = array<i32>} : memref<544xi32, #tpu.memory_space<vmem>>, vector<16xi32>,
      tpu.vector_store %arg7[%swap3A_267], %and3A_266 {strides = array<i32>} : memref<544xi32, #tpu.memory_space<vmem>>, vector<16xi32>,
      %convert_element_type3A_269 = arith.sitofp %gather3A_241 : vector<16xi32> to vector<16xf32>
      %swap3A_270 = arith.constant 128 : index
      %swap3A_271 = tpu.vector_load %arg8[%swap3A_270] {strides = array<i32>} : memref<544xf32, #tpu.memory_space<vmem>>, vector<16xf32>,
      tpu.vector_store %arg8[%swap3A_270], %convert_element_type3A_269 {strides = array<i32>} : memref<544xf32, #tpu.memory_space<vmem>>, vector<16xf32>,
      %convert_element_type3A_272 = arith.sitofp %gather3A_248 : vector<16xi32> to vector<16xf32>
      %swap3A_273 = arith.constant 144 : index
      %swap3A_274 = tpu.vector_load %arg8[%swap3A_273] {strides = array<i32>} : memref<544xf32, #tpu.memory_space<vmem>>, vector<16xf32>,
      tpu.vector_store %arg8[%swap3A_273], %convert_element_type3A_272 {strides = array<i32>} : memref<544xf32, #tpu.memory_space<vmem>>, vector<16xf32>,
      %add3A_275 = arith.constant 10 : i32
      %add3A_276 = vector.broadcast %add3A_275 : i32 to vector<16xi32>
      %add3A_277 = arith.addi %mul3A_9, %add3A_276 : vector<16xi32>
      %gather3A_278 = tpu.vector_load_idx %arg5[%add3A_277] : memref<1088xi32, #tpu.memory_space<vmem>>[vector<16xi32>], vector<16xi32>,
      %add3A_279 = arith.constant 10 : i32
      %add3A_280 = vector.broadcast %add3A_279 : i32 to vector<16xi32>
      %add3A_281 = arith.addi %mul3A_15, %add3A_280 : vector<16xi32>
      %gather3A_282 = tpu.vector_load_idx %arg5[%add3A_281] : memref<1088xi32, #tpu.memory_space<vmem>>[vector<16xi32>], vector<16xi32>,
      %add3A_283 = arith.constant 10 : i32
      %add3A_284 = vector.broadcast %add3A_283 : i32 to vector<16xi32>
      %add3A_285 = arith.addi %mul3A_9, %add3A_284 : vector<16xi32>
      %add3A_286 = arith.constant 1 : i32
      %add3A_287 = vector.broadcast %add3A_286 : i32 to vector<16xi32>
      %add3A_288 = arith.addi %add3A_285, %add3A_287 : vector<16xi32>
      %gather3A_289 = tpu.vector_load_idx %arg5[%add3A_288] : memref<1088xi32, #tpu.memory_space<vmem>>[vector<16xi32>], vector<16xi32>,
      %add3A_290 = arith.constant 10 : i32
      %add3A_291 = vector.broadcast %add3A_290 : i32 to vector<16xi32>
      %add3A_292 = arith.addi %mul3A_15, %add3A_291 : vector<16xi32>
      %add3A_293 = arith.constant 1 : i32
      %add3A_294 = vector.broadcast %add3A_293 : i32 to vector<16xi32>
      %add3A_295 = arith.addi %add3A_292, %add3A_294 : vector<16xi32>
      %gather3A_296 = tpu.vector_load_idx %arg5[%add3A_295] : memref<1088xi32, #tpu.memory_space<vmem>>[vector<16xi32>], vector<16xi32>,
      %shift_right_arithmetic3A_297 = arith.constant 4 : i32
      %shift_right_arithmetic3A_298 = vector.broadcast %shift_right_arithmetic3A_297 : i32 to vector<16xi32>
      %shift_right_arithmetic3A_299 = arith.shrsi %gather3A_278, %shift_right_arithmetic3A_298 : vector<16xi32>
      %swap3A_300 = arith.constant 160 : index
      %swap3A_301 = tpu.vector_load %arg6[%swap3A_300] {strides = array<i32>} : memref<544xi32, #tpu.memory_space<vmem>>, vector<16xi32>,
      tpu.vector_store %arg6[%swap3A_300], %shift_right_arithmetic3A_299 {strides = array<i32>} : memref<544xi32, #tpu.memory_space<vmem>>, vector<16xi32>,
      %shift_right_arithmetic3A_302 = arith.constant 4 : i32
      %shift_right_arithmetic3A_303 = vector.broadcast %shift_right_arithmetic3A_302 : i32 to vector<16xi32>
      %shift_right_arithmetic3A_304 = arith.shrsi %gather3A_282, %shift_right_arithmetic3A_303 : vector<16xi32>
      %swap3A_305 = arith.constant 176 : index
      %swap3A_306 = tpu.vector_load %arg6[%swap3A_305] {strides = array<i32>} : memref<544xi32, #tpu.memory_space<vmem>>, vector<16xi32>,
      tpu.vector_store %arg6[%swap3A_305], %shift_right_arithmetic3A_304 {strides = array<i32>} : memref<544xi32, #tpu.memory_space<vmem>>, vector<16xi32>,
      %and3A_307 = arith.constant 15 : i32
      %and3A_308 = vector.broadcast %and3A_307 : i32 to vector<16xi32>
      %and3A_309 = arith.andi %gather3A_278, %and3A_308 : vector<16xi32>
      %swap3A_310 = arith.constant 160 : index
      %swap3A_311 = tpu.vector_load %arg7[%swap3A_310] {strides = array<i32>} : memref<544xi32, #tpu.memory_space<vmem>>, vector<16xi32>,
      tpu.vector_store %arg7[%swap3A_310], %and3A_309 {strides = array<i32>} : memref<544xi32, #tpu.memory_space<vmem>>, vector<16xi32>,
      %and3A_312 = arith.constant 15 : i32
      %and3A_313 = vector.broadcast %and3A_312 : i32 to vector<16xi32>
      %and3A_314 = arith.andi %gather3A_282, %and3A_313 : vector<16xi32>
      %swap3A_315 = arith.constant 176 : index
      %swap3A_316 = tpu.vector_load %arg7[%swap3A_315] {strides = array<i32>} : memref<544xi32, #tpu.memory_space<vmem>>, vector<16xi32>,
      tpu.vector_store %arg7[%swap3A_315], %and3A_314 {strides = array<i32>} : memref<544xi32, #tpu.memory_space<vmem>>, vector<16xi32>,
      %convert_element_type3A_317 = arith.sitofp %gather3A_289 : vector<16xi32> to vector<16xf32>
      %swap3A_318 = arith.constant 160 : index
      %swap3A_319 = tpu.vector_load %arg8[%swap3A_318] {strides = array<i32>} : memref<544xf32, #tpu.memory_space<vmem>>, vector<16xf32>,
      tpu.vector_store %arg8[%swap3A_318], %convert_element_type3A_317 {strides = array<i32>} : memref<544xf32, #tpu.memory_space<vmem>>, vector<16xf32>,
      %convert_element_type3A_320 = arith.sitofp %gather3A_296 : vector<16xi32> to vector<16xf32>
      %swap3A_321 = arith.constant 176 : index
      %swap3A_322 = tpu.vector_load %arg8[%swap3A_321] {strides = array<i32>} : memref<544xf32, #tpu.memory_space<vmem>>, vector<16xf32>,
      tpu.vector_store %arg8[%swap3A_321], %convert_element_type3A_320 {strides = array<i32>} : memref<544xf32, #tpu.memory_space<vmem>>, vector<16xf32>,
      %dma_start3A_323 = arith.constant 128 : i32
      %dma_start3A_324 = arith.constant 0 : i32
      %dma_start3A_325 = tpu.memref_slice %arg9[%dma_start3A_323, %dma_start3A_324] : memref<544x16xf32, #tpu.memory_space<vmem>> -> memref<64x16xf32, #tpu.memory_space<vmem>>
      %dma_start3A_326 = arith.constant 128 : i32
      %dma_start3A_327 = tpu.memref_slice %arg6[%dma_start3A_326] : memref<544xi32, #tpu.memory_space<vmem>> -> memref<64xi32, #tpu.memory_space<vmem>>
      %dma_start3A_328 = arith.constant 0 : i32
      %dma_start3A_329 = arith.constant 0 : i32
      %dma_start3A_330 = tpu.memref_slice %arg2[%add3A, %dma_start3A_328, %dma_start3A_329] : memref<16x4096x16xf32, #tpu.memory_space<hbm>> -> memref<1x4096x16xf32, #tpu.memory_space<hbm>>
      %dma_start3A_331 = tpu.memref_squeeze %dma_start3A_330 : memref<1x4096x16xf32, #tpu.memory_space<hbm>> -> memref<4096x16xf32, #tpu.memory_space<hbm>>
      %dma_start3A_332 = arith.constant 0 : i32
      %dma_start3A_333 = arith.constant 0 : i32
      %dma_start3A_334 = tpu.memref_slice %dma_start3A_331[%dma_start3A_332, %dma_start3A_333] : memref<4096x16xf32, #tpu.memory_space<hbm>> -> memref<4096x16xf32, #tpu.memory_space<hbm>>
      tpu.enqueue_indirect_dma source(%dma_start3A_334 : memref<4096x16xf32, #tpu.memory_space<hbm>>) target(%dma_start3A_325 : memref<64x16xf32, #tpu.memory_space<vmem>>) offsets(%dma_start3A_327 : memref<64xi32, #tpu.memory_space<vmem>>) semaphore(%arg15 : memref<!tpu.dma_semaphore, #tpu.memory_space<semaphore_mem>>)
      %add3A_335 = arith.constant 12 : i32
      %add3A_336 = vector.broadcast %add3A_335 : i32 to vector<16xi32>
      %add3A_337 = arith.addi %mul3A_9, %add3A_336 : vector<16xi32>
      %gather3A_338 = tpu.vector_load_idx %arg5[%add3A_337] : memref<1088xi32, #tpu.memory_space<vmem>>[vector<16xi32>], vector<16xi32>,
      %add3A_339 = arith.constant 12 : i32
      %add3A_340 = vector.broadcast %add3A_339 : i32 to vector<16xi32>
      %add3A_341 = arith.addi %mul3A_15, %add3A_340 : vector<16xi32>
      %gather3A_342 = tpu.vector_load_idx %arg5[%add3A_341] : memref<1088xi32, #tpu.memory_space<vmem>>[vector<16xi32>], vector<16xi32>,
      %add3A_343 = arith.constant 12 : i32
      %add3A_344 = vector.broadcast %add3A_343 : i32 to vector<16xi32>
      %add3A_345 = arith.addi %mul3A_9, %add3A_344 : vector<16xi32>
      %add3A_346 = arith.constant 1 : i32
      %add3A_347 = vector.broadcast %add3A_346 : i32 to vector<16xi32>
      %add3A_348 = arith.addi %add3A_345, %add3A_347 : vector<16xi32>
      %gather3A_349 = tpu.vector_load_idx %arg5[%add3A_348] : memref<1088xi32, #tpu.memory_space<vmem>>[vector<16xi32>], vector<16xi32>,
      %add3A_350 = arith.constant 12 : i32
      %add3A_351 = vector.broadcast %add3A_350 : i32 to vector<16xi32>
      %add3A_352 = arith.addi %mul3A_15, %add3A_351 : vector<16xi32>
      %add3A_353 = arith.constant 1 : i32
      %add3A_354 = vector.broadcast %add3A_353 : i32 to vector<16xi32>
      %add3A_355 = arith.addi %add3A_352, %add3A_354 : vector<16xi32>
      %gather3A_356 = tpu.vector_load_idx %arg5[%add3A_355] : memref<1088xi32, #tpu.memory_space<vmem>>[vector<16xi32>], vector<16xi32>,
      %shift_right_arithmetic3A_357 = arith.constant 4 : i32
      %shift_right_arithmetic3A_358 = vector.broadcast %shift_right_arithmetic3A_357 : i32 to vector<16xi32>
      %shift_right_arithmetic3A_359 = arith.shrsi %gather3A_338, %shift_right_arithmetic3A_358 : vector<16xi32>
      %swap3A_360 = arith.constant 192 : index
      %swap3A_361 = tpu.vector_load %arg6[%swap3A_360] {strides = array<i32>} : memref<544xi32, #tpu.memory_space<vmem>>, vector<16xi32>,
      tpu.vector_store %arg6[%swap3A_360], %shift_right_arithmetic3A_359 {strides = array<i32>} : memref<544xi32, #tpu.memory_space<vmem>>, vector<16xi32>,
      %shift_right_arithmetic3A_362 = arith.constant 4 : i32
      %shift_right_arithmetic3A_363 = vector.broadcast %shift_right_arithmetic3A_362 : i32 to vector<16xi32>
      %shift_right_arithmetic3A_364 = arith.shrsi %gather3A_342, %shift_right_arithmetic3A_363 : vector<16xi32>
      %swap3A_365 = arith.constant 208 : index
      %swap3A_366 = tpu.vector_load %arg6[%swap3A_365] {strides = array<i32>} : memref<544xi32, #tpu.memory_space<vmem>>, vector<16xi32>,
      tpu.vector_store %arg6[%swap3A_365], %shift_right_arithmetic3A_364 {strides = array<i32>} : memref<544xi32, #tpu.memory_space<vmem>>, vector<16xi32>,
      %and3A_367 = arith.constant 15 : i32
      %and3A_368 = vector.broadcast %and3A_367 : i32 to vector<16xi32>
      %and3A_369 = arith.andi %gather3A_338, %and3A_368 : vector<16xi32>
      %swap3A_370 = arith.constant 192 : index
      %swap3A_371 = tpu.vector_load %arg7[%swap3A_370] {strides = array<i32>} : memref<544xi32, #tpu.memory_space<vmem>>, vector<16xi32>,
      tpu.vector_store %arg7[%swap3A_370], %and3A_369 {strides = array<i32>} : memref<544xi32, #tpu.memory_space<vmem>>, vector<16xi32>,
      %and3A_372 = arith.constant 15 : i32
      %and3A_373 = vector.broadcast %and3A_372 : i32 to vector<16xi32>
      %and3A_374 = arith.andi %gather3A_342, %and3A_373 : vector<16xi32>
      %swap3A_375 = arith.constant 208 : index
      %swap3A_376 = tpu.vector_load %arg7[%swap3A_375] {strides = array<i32>} : memref<544xi32, #tpu.memory_space<vmem>>, vector<16xi32>,
      tpu.vector_store %arg7[%swap3A_375], %and3A_374 {strides = array<i32>} : memref<544xi32, #tpu.memory_space<vmem>>, vector<16xi32>,
      %convert_element_type3A_377 = arith.sitofp %gather3A_349 : vector<16xi32> to vector<16xf32>
      %swap3A_378 = arith.constant 192 : index
      %swap3A_379 = tpu.vector_load %arg8[%swap3A_378] {strides = array<i32>} : memref<544xf32, #tpu.memory_space<vmem>>, vector<16xf32>,
      tpu.vector_store %arg8[%swap3A_378], %convert_element_type3A_377 {strides = array<i32>} : memref<544xf32, #tpu.memory_space<vmem>>, vector<16xf32>,
      %convert_element_type3A_380 = arith.sitofp %gather3A_356 : vector<16xi32> to vector<16xf32>
      %swap3A_381 = arith.constant 208 : index
      %swap3A_382 = tpu.vector_load %arg8[%swap3A_381] {strides = array<i32>} : memref<544xf32, #tpu.memory_space<vmem>>, vector<16xf32>,
      tpu.vector_store %arg8[%swap3A_381], %convert_element_type3A_380 {strides = array<i32>} : memref<544xf32, #tpu.memory_space<vmem>>, vector<16xf32>,
      %add3A_383 = arith.constant 14 : i32
      %add3A_384 = vector.broadcast %add3A_383 : i32 to vector<16xi32>
      %add3A_385 = arith.addi %mul3A_9, %add3A_384 : vector<16xi32>
      %gather3A_386 = tpu.vector_load_idx %arg5[%add3A_385] : memref<1088xi32, #tpu.memory_space<vmem>>[vector<16xi32>], vector<16xi32>,
      %add3A_387 = arith.constant 14 : i32
      %add3A_388 = vector.broadcast %add3A_387 : i32 to vector<16xi32>
      %add3A_389 = arith.addi %mul3A_15, %add3A_388 : vector<16xi32>
      %gather3A_390 = tpu.vector_load_idx %arg5[%add3A_389] : memref<1088xi32, #tpu.memory_space<vmem>>[vector<16xi32>], vector<16xi32>,
      %add3A_391 = arith.constant 14 : i32
      %add3A_392 = vector.broadcast %add3A_391 : i32 to vector<16xi32>
      %add3A_393 = arith.addi %mul3A_9, %add3A_392 : vector<16xi32>
      %add3A_394 = arith.constant 1 : i32
      %add3A_395 = vector.broadcast %add3A_394 : i32 to vector<16xi32>
      %add3A_396 = arith.addi %add3A_393, %add3A_395 : vector<16xi32>
      %gather3A_397 = tpu.vector_load_idx %arg5[%add3A_396] : memref<1088xi32, #tpu.memory_space<vmem>>[vector<16xi32>], vector<16xi32>,
      %add3A_398 = arith.constant 14 : i32
      %add3A_399 = vector.broadcast %add3A_398 : i32 to vector<16xi32>
      %add3A_400 = arith.addi %mul3A_15, %add3A_399 : vector<16xi32>
      %add3A_401 = arith.constant 1 : i32
      %add3A_402 = vector.broadcast %add3A_401 : i32 to vector<16xi32>
      %add3A_403 = arith.addi %add3A_400, %add3A_402 : vector<16xi32>
      %gather3A_404 = tpu.vector_load_idx %arg5[%add3A_403] : memref<1088xi32, #tpu.memory_space<vmem>>[vector<16xi32>], vector<16xi32>,
      %shift_right_arithmetic3A_405 = arith.constant 4 : i32
      %shift_right_arithmetic3A_406 = vector.broadcast %shift_right_arithmetic3A_405 : i32 to vector<16xi32>
      %shift_right_arithmetic3A_407 = arith.shrsi %gather3A_386, %shift_right_arithmetic3A_406 : vector<16xi32>
      %swap3A_408 = arith.constant 224 : index
      %swap3A_409 = tpu.vector_load %arg6[%swap3A_408] {strides = array<i32>} : memref<544xi32, #tpu.memory_space<vmem>>, vector<16xi32>,
      tpu.vector_store %arg6[%swap3A_408], %shift_right_arithmetic3A_407 {strides = array<i32>} : memref<544xi32, #tpu.memory_space<vmem>>, vector<16xi32>,
      %shift_right_arithmetic3A_410 = arith.constant 4 : i32
      %shift_right_arithmetic3A_411 = vector.broadcast %shift_right_arithmetic3A_410 : i32 to vector<16xi32>
      %shift_right_arithmetic3A_412 = arith.shrsi %gather3A_390, %shift_right_arithmetic3A_411 : vector<16xi32>
      %swap3A_413 = arith.constant 240 : index
      %swap3A_414 = tpu.vector_load %arg6[%swap3A_413] {strides = array<i32>} : memref<544xi32, #tpu.memory_space<vmem>>, vector<16xi32>,
      tpu.vector_store %arg6[%swap3A_413], %shift_right_arithmetic3A_412 {strides = array<i32>} : memref<544xi32, #tpu.memory_space<vmem>>, vector<16xi32>,
      %and3A_415 = arith.constant 15 : i32
      %and3A_416 = vector.broadcast %and3A_415 : i32 to vector<16xi32>
      %and3A_417 = arith.andi %gather3A_386, %and3A_416 : vector<16xi32>
      %swap3A_418 = arith.constant 224 : index
      %swap3A_419 = tpu.vector_load %arg7[%swap3A_418] {strides = array<i32>} : memref<544xi32, #tpu.memory_space<vmem>>, vector<16xi32>,
      tpu.vector_store %arg7[%swap3A_418], %and3A_417 {strides = array<i32>} : memref<544xi32, #tpu.memory_space<vmem>>, vector<16xi32>,
      %and3A_420 = arith.constant 15 : i32
      %and3A_421 = vector.broadcast %and3A_420 : i32 to vector<16xi32>
      %and3A_422 = arith.andi %gather3A_390, %and3A_421 : vector<16xi32>
      %swap3A_423 = arith.constant 240 : index
      %swap3A_424 = tpu.vector_load %arg7[%swap3A_423] {strides = array<i32>} : memref<544xi32, #tpu.memory_space<vmem>>, vector<16xi32>,
      tpu.vector_store %arg7[%swap3A_423], %and3A_422 {strides = array<i32>} : memref<544xi32, #tpu.memory_space<vmem>>, vector<16xi32>,
      %convert_element_type3A_425 = arith.sitofp %gather3A_397 : vector<16xi32> to vector<16xf32>
      %swap3A_426 = arith.constant 224 : index
      %swap3A_427 = tpu.vector_load %arg8[%swap3A_426] {strides = array<i32>} : memref<544xf32, #tpu.memory_space<vmem>>, vector<16xf32>,
      tpu.vector_store %arg8[%swap3A_426], %convert_element_type3A_425 {strides = array<i32>} : memref<544xf32, #tpu.memory_space<vmem>>, vector<16xf32>,
      %convert_element_type3A_428 = arith.sitofp %gather3A_404 : vector<16xi32> to vector<16xf32>
      %swap3A_429 = arith.constant 240 : index
      %swap3A_430 = tpu.vector_load %arg8[%swap3A_429] {strides = array<i32>} : memref<544xf32, #tpu.memory_space<vmem>>, vector<16xf32>,
      tpu.vector_store %arg8[%swap3A_429], %convert_element_type3A_428 {strides = array<i32>} : memref<544xf32, #tpu.memory_space<vmem>>, vector<16xf32>,
      %dma_start3A_431 = arith.constant 192 : i32
      %dma_start3A_432 = arith.constant 0 : i32
      %dma_start3A_433 = tpu.memref_slice %arg9[%dma_start3A_431, %dma_start3A_432] : memref<544x16xf32, #tpu.memory_space<vmem>> -> memref<64x16xf32, #tpu.memory_space<vmem>>
      %dma_start3A_434 = arith.constant 192 : i32
      %dma_start3A_435 = tpu.memref_slice %arg6[%dma_start3A_434] : memref<544xi32, #tpu.memory_space<vmem>> -> memref<64xi32, #tpu.memory_space<vmem>>
      %dma_start3A_436 = arith.constant 0 : i32
      %dma_start3A_437 = arith.constant 0 : i32
      %dma_start3A_438 = tpu.memref_slice %arg2[%add3A, %dma_start3A_436, %dma_start3A_437] : memref<16x4096x16xf32, #tpu.memory_space<hbm>> -> memref<1x4096x16xf32, #tpu.memory_space<hbm>>
      %dma_start3A_439 = tpu.memref_squeeze %dma_start3A_438 : memref<1x4096x16xf32, #tpu.memory_space<hbm>> -> memref<4096x16xf32, #tpu.memory_space<hbm>>
      %dma_start3A_440 = arith.constant 0 : i32
      %dma_start3A_441 = arith.constant 0 : i32
      %dma_start3A_442 = tpu.memref_slice %dma_start3A_439[%dma_start3A_440, %dma_start3A_441] : memref<4096x16xf32, #tpu.memory_space<hbm>> -> memref<4096x16xf32, #tpu.memory_space<hbm>>
      tpu.enqueue_indirect_dma source(%dma_start3A_442 : memref<4096x16xf32, #tpu.memory_space<hbm>>) target(%dma_start3A_433 : memref<64x16xf32, #tpu.memory_space<vmem>>) offsets(%dma_start3A_435 : memref<64xi32, #tpu.memory_space<vmem>>) semaphore(%arg15 : memref<!tpu.dma_semaphore, #tpu.memory_space<semaphore_mem>>)
      %add3A_443 = arith.constant 16 : i32
      %add3A_444 = vector.broadcast %add3A_443 : i32 to vector<16xi32>
      %add3A_445 = arith.addi %mul3A_9, %add3A_444 : vector<16xi32>
      %gather3A_446 = tpu.vector_load_idx %arg5[%add3A_445] : memref<1088xi32, #tpu.memory_space<vmem>>[vector<16xi32>], vector<16xi32>,
      %add3A_447 = arith.constant 16 : i32
      %add3A_448 = vector.broadcast %add3A_447 : i32 to vector<16xi32>
      %add3A_449 = arith.addi %mul3A_15, %add3A_448 : vector<16xi32>
      %gather3A_450 = tpu.vector_load_idx %arg5[%add3A_449] : memref<1088xi32, #tpu.memory_space<vmem>>[vector<16xi32>], vector<16xi32>,
      %add3A_451 = arith.constant 16 : i32
      %add3A_452 = vector.broadcast %add3A_451 : i32 to vector<16xi32>
      %add3A_453 = arith.addi %mul3A_9, %add3A_452 : vector<16xi32>
      %add3A_454 = arith.constant 1 : i32
      %add3A_455 = vector.broadcast %add3A_454 : i32 to vector<16xi32>
      %add3A_456 = arith.addi %add3A_453, %add3A_455 : vector<16xi32>
      %gather3A_457 = tpu.vector_load_idx %arg5[%add3A_456] : memref<1088xi32, #tpu.memory_space<vmem>>[vector<16xi32>], vector<16xi32>,
      %add3A_458 = arith.constant 16 : i32
      %add3A_459 = vector.broadcast %add3A_458 : i32 to vector<16xi32>
      %add3A_460 = arith.addi %mul3A_15, %add3A_459 : vector<16xi32>
      %add3A_461 = arith.constant 1 : i32
      %add3A_462 = vector.broadcast %add3A_461 : i32 to vector<16xi32>
      %add3A_463 = arith.addi %add3A_460, %add3A_462 : vector<16xi32>
      %gather3A_464 = tpu.vector_load_idx %arg5[%add3A_463] : memref<1088xi32, #tpu.memory_space<vmem>>[vector<16xi32>], vector<16xi32>,
      %shift_right_arithmetic3A_465 = arith.constant 4 : i32
      %shift_right_arithmetic3A_466 = vector.broadcast %shift_right_arithmetic3A_465 : i32 to vector<16xi32>
      %shift_right_arithmetic3A_467 = arith.shrsi %gather3A_446, %shift_right_arithmetic3A_466 : vector<16xi32>
      %swap3A_468 = arith.constant 256 : index
      %swap3A_469 = tpu.vector_load %arg6[%swap3A_468] {strides = array<i32>} : memref<544xi32, #tpu.memory_space<vmem>>, vector<16xi32>,
      tpu.vector_store %arg6[%swap3A_468], %shift_right_arithmetic3A_467 {strides = array<i32>} : memref<544xi32, #tpu.memory_space<vmem>>, vector<16xi32>,
      %shift_right_arithmetic3A_470 = arith.constant 4 : i32
      %shift_right_arithmetic3A_471 = vector.broadcast %shift_right_arithmetic3A_470 : i32 to vector<16xi32>
      %shift_right_arithmetic3A_472 = arith.shrsi %gather3A_450, %shift_right_arithmetic3A_471 : vector<16xi32>
      %swap3A_473 = arith.constant 272 : index
      %swap3A_474 = tpu.vector_load %arg6[%swap3A_473] {strides = array<i32>} : memref<544xi32, #tpu.memory_space<vmem>>, vector<16xi32>,
      tpu.vector_store %arg6[%swap3A_473], %shift_right_arithmetic3A_472 {strides = array<i32>} : memref<544xi32, #tpu.memory_space<vmem>>, vector<16xi32>,
      %and3A_475 = arith.constant 15 : i32
      %and3A_476 = vector.broadcast %and3A_475 : i32 to vector<16xi32>
      %and3A_477 = arith.andi %gather3A_446, %and3A_476 : vector<16xi32>
      %swap3A_478 = arith.constant 256 : index
      %swap3A_479 = tpu.vector_load %arg7[%swap3A_478] {strides = array<i32>} : memref<544xi32, #tpu.memory_space<vmem>>, vector<16xi32>,
      tpu.vector_store %arg7[%swap3A_478], %and3A_477 {strides = array<i32>} : memref<544xi32, #tpu.memory_space<vmem>>, vector<16xi32>,
      %and3A_480 = arith.constant 15 : i32
      %and3A_481 = vector.broadcast %and3A_480 : i32 to vector<16xi32>
      %and3A_482 = arith.andi %gather3A_450, %and3A_481 : vector<16xi32>
      %swap3A_483 = arith.constant 272 : index
      %swap3A_484 = tpu.vector_load %arg7[%swap3A_483] {strides = array<i32>} : memref<544xi32, #tpu.memory_space<vmem>>, vector<16xi32>,
      tpu.vector_store %arg7[%swap3A_483], %and3A_482 {strides = array<i32>} : memref<544xi32, #tpu.memory_space<vmem>>, vector<16xi32>,
      %convert_element_type3A_485 = arith.sitofp %gather3A_457 : vector<16xi32> to vector<16xf32>
      %swap3A_486 = arith.constant 256 : index
      %swap3A_487 = tpu.vector_load %arg8[%swap3A_486] {strides = array<i32>} : memref<544xf32, #tpu.memory_space<vmem>>, vector<16xf32>,
      tpu.vector_store %arg8[%swap3A_486], %convert_element_type3A_485 {strides = array<i32>} : memref<544xf32, #tpu.memory_space<vmem>>, vector<16xf32>,
      %convert_element_type3A_488 = arith.sitofp %gather3A_464 : vector<16xi32> to vector<16xf32>
      %swap3A_489 = arith.constant 272 : index
      %swap3A_490 = tpu.vector_load %arg8[%swap3A_489] {strides = array<i32>} : memref<544xf32, #tpu.memory_space<vmem>>, vector<16xf32>,
      tpu.vector_store %arg8[%swap3A_489], %convert_element_type3A_488 {strides = array<i32>} : memref<544xf32, #tpu.memory_space<vmem>>, vector<16xf32>,
      %add3A_491 = arith.constant 18 : i32
      %add3A_492 = vector.broadcast %add3A_491 : i32 to vector<16xi32>
      %add3A_493 = arith.addi %mul3A_9, %add3A_492 : vector<16xi32>
      %gather3A_494 = tpu.vector_load_idx %arg5[%add3A_493] : memref<1088xi32, #tpu.memory_space<vmem>>[vector<16xi32>], vector<16xi32>,
      %add3A_495 = arith.constant 18 : i32
      %add3A_496 = vector.broadcast %add3A_495 : i32 to vector<16xi32>
      %add3A_497 = arith.addi %mul3A_15, %add3A_496 : vector<16xi32>
      %gather3A_498 = tpu.vector_load_idx %arg5[%add3A_497] : memref<1088xi32, #tpu.memory_space<vmem>>[vector<16xi32>], vector<16xi32>,
      %add3A_499 = arith.constant 18 : i32
      %add3A_500 = vector.broadcast %add3A_499 : i32 to vector<16xi32>
      %add3A_501 = arith.addi %mul3A_9, %add3A_500 : vector<16xi32>
      %add3A_502 = arith.constant 1 : i32
      %add3A_503 = vector.broadcast %add3A_502 : i32 to vector<16xi32>
      %add3A_504 = arith.addi %add3A_501, %add3A_503 : vector<16xi32>
      %gather3A_505 = tpu.vector_load_idx %arg5[%add3A_504] : memref<1088xi32, #tpu.memory_space<vmem>>[vector<16xi32>], vector<16xi32>,
      %add3A_506 = arith.constant 18 : i32
      %add3A_507 = vector.broadcast %add3A_506 : i32 to vector<16xi32>
      %add3A_508 = arith.addi %mul3A_15, %add3A_507 : vector<16xi32>
      %add3A_509 = arith.constant 1 : i32
      %add3A_510 = vector.broadcast %add3A_509 : i32 to vector<16xi32>
      %add3A_511 = arith.addi %add3A_508, %add3A_510 : vector<16xi32>
      %gather3A_512 = tpu.vector_load_idx %arg5[%add3A_511] : memref<1088xi32, #tpu.memory_space<vmem>>[vector<16xi32>], vector<16xi32>,
      %shift_right_arithmetic3A_513 = arith.constant 4 : i32
      %shift_right_arithmetic3A_514 = vector.broadcast %shift_right_arithmetic3A_513 : i32 to vector<16xi32>
      %shift_right_arithmetic3A_515 = arith.shrsi %gather3A_494, %shift_right_arithmetic3A_514 : vector<16xi32>
      %swap3A_516 = arith.constant 288 : index
      %swap3A_517 = tpu.vector_load %arg6[%swap3A_516] {strides = array<i32>} : memref<544xi32, #tpu.memory_space<vmem>>, vector<16xi32>,
      tpu.vector_store %arg6[%swap3A_516], %shift_right_arithmetic3A_515 {strides = array<i32>} : memref<544xi32, #tpu.memory_space<vmem>>, vector<16xi32>,
      %shift_right_arithmetic3A_518 = arith.constant 4 : i32
      %shift_right_arithmetic3A_519 = vector.broadcast %shift_right_arithmetic3A_518 : i32 to vector<16xi32>
      %shift_right_arithmetic3A_520 = arith.shrsi %gather3A_498, %shift_right_arithmetic3A_519 : vector<16xi32>
      %swap3A_521 = arith.constant 304 : index
      %swap3A_522 = tpu.vector_load %arg6[%swap3A_521] {strides = array<i32>} : memref<544xi32, #tpu.memory_space<vmem>>, vector<16xi32>,
      tpu.vector_store %arg6[%swap3A_521], %shift_right_arithmetic3A_520 {strides = array<i32>} : memref<544xi32, #tpu.memory_space<vmem>>, vector<16xi32>,
      %and3A_523 = arith.constant 15 : i32
      %and3A_524 = vector.broadcast %and3A_523 : i32 to vector<16xi32>
      %and3A_525 = arith.andi %gather3A_494, %and3A_524 : vector<16xi32>
      %swap3A_526 = arith.constant 288 : index
      %swap3A_527 = tpu.vector_load %arg7[%swap3A_526] {strides = array<i32>} : memref<544xi32, #tpu.memory_space<vmem>>, vector<16xi32>,
      tpu.vector_store %arg7[%swap3A_526], %and3A_525 {strides = array<i32>} : memref<544xi32, #tpu.memory_space<vmem>>, vector<16xi32>,
      %and3A_528 = arith.constant 15 : i32
      %and3A_529 = vector.broadcast %and3A_528 : i32 to vector<16xi32>
      %and3A_530 = arith.andi %gather3A_498, %and3A_529 : vector<16xi32>
      %swap3A_531 = arith.constant 304 : index
      %swap3A_532 = tpu.vector_load %arg7[%swap3A_531] {strides = array<i32>} : memref<544xi32, #tpu.memory_space<vmem>>, vector<16xi32>,
      tpu.vector_store %arg7[%swap3A_531], %and3A_530 {strides = array<i32>} : memref<544xi32, #tpu.memory_space<vmem>>, vector<16xi32>,
      %convert_element_type3A_533 = arith.sitofp %gather3A_505 : vector<16xi32> to vector<16xf32>
      %swap3A_534 = arith.constant 288 : index
      %swap3A_535 = tpu.vector_load %arg8[%swap3A_534] {strides = array<i32>} : memref<544xf32, #tpu.memory_space<vmem>>, vector<16xf32>,
      tpu.vector_store %arg8[%swap3A_534], %convert_element_type3A_533 {strides = array<i32>} : memref<544xf32, #tpu.memory_space<vmem>>, vector<16xf32>,
      %convert_element_type3A_536 = arith.sitofp %gather3A_512 : vector<16xi32> to vector<16xf32>
      %swap3A_537 = arith.constant 304 : index
      %swap3A_538 = tpu.vector_load %arg8[%swap3A_537] {strides = array<i32>} : memref<544xf32, #tpu.memory_space<vmem>>, vector<16xf32>,
      tpu.vector_store %arg8[%swap3A_537], %convert_element_type3A_536 {strides = array<i32>} : memref<544xf32, #tpu.memory_space<vmem>>, vector<16xf32>,
      %dma_start3A_539 = arith.constant 256 : i32
      %dma_start3A_540 = arith.constant 0 : i32
      %dma_start3A_541 = tpu.memref_slice %arg9[%dma_start3A_539, %dma_start3A_540] : memref<544x16xf32, #tpu.memory_space<vmem>> -> memref<64x16xf32, #tpu.memory_space<vmem>>
      %dma_start3A_542 = arith.constant 256 : i32
      %dma_start3A_543 = tpu.memref_slice %arg6[%dma_start3A_542] : memref<544xi32, #tpu.memory_space<vmem>> -> memref<64xi32, #tpu.memory_space<vmem>>
      %dma_start3A_544 = arith.constant 0 : i32
      %dma_start3A_545 = arith.constant 0 : i32
      %dma_start3A_546 = tpu.memref_slice %arg2[%add3A, %dma_start3A_544, %dma_start3A_545] : memref<16x4096x16xf32, #tpu.memory_space<hbm>> -> memref<1x4096x16xf32, #tpu.memory_space<hbm>>
      %dma_start3A_547 = tpu.memref_squeeze %dma_start3A_546 : memref<1x4096x16xf32, #tpu.memory_space<hbm>> -> memref<4096x16xf32, #tpu.memory_space<hbm>>
      %dma_start3A_548 = arith.constant 0 : i32
      %dma_start3A_549 = arith.constant 0 : i32
      %dma_start3A_550 = tpu.memref_slice %dma_start3A_547[%dma_start3A_548, %dma_start3A_549] : memref<4096x16xf32, #tpu.memory_space<hbm>> -> memref<4096x16xf32, #tpu.memory_space<hbm>>
      tpu.enqueue_indirect_dma source(%dma_start3A_550 : memref<4096x16xf32, #tpu.memory_space<hbm>>) target(%dma_start3A_541 : memref<64x16xf32, #tpu.memory_space<vmem>>) offsets(%dma_start3A_543 : memref<64xi32, #tpu.memory_space<vmem>>) semaphore(%arg15 : memref<!tpu.dma_semaphore, #tpu.memory_space<semaphore_mem>>)
      %add3A_551 = arith.constant 20 : i32
      %add3A_552 = vector.broadcast %add3A_551 : i32 to vector<16xi32>
      %add3A_553 = arith.addi %mul3A_9, %add3A_552 : vector<16xi32>
      %gather3A_554 = tpu.vector_load_idx %arg5[%add3A_553] : memref<1088xi32, #tpu.memory_space<vmem>>[vector<16xi32>], vector<16xi32>,
      %add3A_555 = arith.constant 20 : i32
      %add3A_556 = vector.broadcast %add3A_555 : i32 to vector<16xi32>
      %add3A_557 = arith.addi %mul3A_15, %add3A_556 : vector<16xi32>
      %gather3A_558 = tpu.vector_load_idx %arg5[%add3A_557] : memref<1088xi32, #tpu.memory_space<vmem>>[vector<16xi32>], vector<16xi32>,
      %add3A_559 = arith.constant 20 : i32
      %add3A_560 = vector.broadcast %add3A_559 : i32 to vector<16xi32>
      %add3A_561 = arith.addi %mul3A_9, %add3A_560 : vector<16xi32>
      %add3A_562 = arith.constant 1 : i32
      %add3A_563 = vector.broadcast %add3A_562 : i32 to vector<16xi32>
      %add3A_564 = arith.addi %add3A_561, %add3A_563 : vector<16xi32>
      %gather3A_565 = tpu.vector_load_idx %arg5[%add3A_564] : memref<1088xi32, #tpu.memory_space<vmem>>[vector<16xi32>], vector<16xi32>,
      %add3A_566 = arith.constant 20 : i32
      %add3A_567 = vector.broadcast %add3A_566 : i32 to vector<16xi32>
      %add3A_568 = arith.addi %mul3A_15, %add3A_567 : vector<16xi32>
      %add3A_569 = arith.constant 1 : i32
      %add3A_570 = vector.broadcast %add3A_569 : i32 to vector<16xi32>
      %add3A_571 = arith.addi %add3A_568, %add3A_570 : vector<16xi32>
      %gather3A_572 = tpu.vector_load_idx %arg5[%add3A_571] : memref<1088xi32, #tpu.memory_space<vmem>>[vector<16xi32>], vector<16xi32>,
      %shift_right_arithmetic3A_573 = arith.constant 4 : i32
      %shift_right_arithmetic3A_574 = vector.broadcast %shift_right_arithmetic3A_573 : i32 to vector<16xi32>
      %shift_right_arithmetic3A_575 = arith.shrsi %gather3A_554, %shift_right_arithmetic3A_574 : vector<16xi32>
      %swap3A_576 = arith.constant 320 : index
      %swap3A_577 = tpu.vector_load %arg6[%swap3A_576] {strides = array<i32>} : memref<544xi32, #tpu.memory_space<vmem>>, vector<16xi32>,
      tpu.vector_store %arg6[%swap3A_576], %shift_right_arithmetic3A_575 {strides = array<i32>} : memref<544xi32, #tpu.memory_space<vmem>>, vector<16xi32>,
      %shift_right_arithmetic3A_578 = arith.constant 4 : i32
      %shift_right_arithmetic3A_579 = vector.broadcast %shift_right_arithmetic3A_578 : i32 to vector<16xi32>
      %shift_right_arithmetic3A_580 = arith.shrsi %gather3A_558, %shift_right_arithmetic3A_579 : vector<16xi32>
      %swap3A_581 = arith.constant 336 : index
      %swap3A_582 = tpu.vector_load %arg6[%swap3A_581] {strides = array<i32>} : memref<544xi32, #tpu.memory_space<vmem>>, vector<16xi32>,
      tpu.vector_store %arg6[%swap3A_581], %shift_right_arithmetic3A_580 {strides = array<i32>} : memref<544xi32, #tpu.memory_space<vmem>>, vector<16xi32>,
      %and3A_583 = arith.constant 15 : i32
      %and3A_584 = vector.broadcast %and3A_583 : i32 to vector<16xi32>
      %and3A_585 = arith.andi %gather3A_554, %and3A_584 : vector<16xi32>
      %swap3A_586 = arith.constant 320 : index
      %swap3A_587 = tpu.vector_load %arg7[%swap3A_586] {strides = array<i32>} : memref<544xi32, #tpu.memory_space<vmem>>, vector<16xi32>,
      tpu.vector_store %arg7[%swap3A_586], %and3A_585 {strides = array<i32>} : memref<544xi32, #tpu.memory_space<vmem>>, vector<16xi32>,
      %and3A_588 = arith.constant 15 : i32
      %and3A_589 = vector.broadcast %and3A_588 : i32 to vector<16xi32>
      %and3A_590 = arith.andi %gather3A_558, %and3A_589 : vector<16xi32>
      %swap3A_591 = arith.constant 336 : index
      %swap3A_592 = tpu.vector_load %arg7[%swap3A_591] {strides = array<i32>} : memref<544xi32, #tpu.memory_space<vmem>>, vector<16xi32>,
      tpu.vector_store %arg7[%swap3A_591], %and3A_590 {strides = array<i32>} : memref<544xi32, #tpu.memory_space<vmem>>, vector<16xi32>,
      %convert_element_type3A_593 = arith.sitofp %gather3A_565 : vector<16xi32> to vector<16xf32>
      %swap3A_594 = arith.constant 320 : index
      %swap3A_595 = tpu.vector_load %arg8[%swap3A_594] {strides = array<i32>} : memref<544xf32, #tpu.memory_space<vmem>>, vector<16xf32>,
      tpu.vector_store %arg8[%swap3A_594], %convert_element_type3A_593 {strides = array<i32>} : memref<544xf32, #tpu.memory_space<vmem>>, vector<16xf32>,
      %convert_element_type3A_596 = arith.sitofp %gather3A_572 : vector<16xi32> to vector<16xf32>
      %swap3A_597 = arith.constant 336 : index
      %swap3A_598 = tpu.vector_load %arg8[%swap3A_597] {strides = array<i32>} : memref<544xf32, #tpu.memory_space<vmem>>, vector<16xf32>,
      tpu.vector_store %arg8[%swap3A_597], %convert_element_type3A_596 {strides = array<i32>} : memref<544xf32, #tpu.memory_space<vmem>>, vector<16xf32>,
      %add3A_599 = arith.constant 22 : i32
      %add3A_600 = vector.broadcast %add3A_599 : i32 to vector<16xi32>
      %add3A_601 = arith.addi %mul3A_9, %add3A_600 : vector<16xi32>
      %gather3A_602 = tpu.vector_load_idx %arg5[%add3A_601] : memref<1088xi32, #tpu.memory_space<vmem>>[vector<16xi32>], vector<16xi32>,
      %add3A_603 = arith.constant 22 : i32
      %add3A_604 = vector.broadcast %add3A_603 : i32 to vector<16xi32>
      %add3A_605 = arith.addi %mul3A_15, %add3A_604 : vector<16xi32>
      %gather3A_606 = tpu.vector_load_idx %arg5[%add3A_605] : memref<1088xi32, #tpu.memory_space<vmem>>[vector<16xi32>], vector<16xi32>,
      %add3A_607 = arith.constant 22 : i32
      %add3A_608 = vector.broadcast %add3A_607 : i32 to vector<16xi32>
      %add3A_609 = arith.addi %mul3A_9, %add3A_608 : vector<16xi32>
      %add3A_610 = arith.constant 1 : i32
      %add3A_611 = vector.broadcast %add3A_610 : i32 to vector<16xi32>
      %add3A_612 = arith.addi %add3A_609, %add3A_611 : vector<16xi32>
      %gather3A_613 = tpu.vector_load_idx %arg5[%add3A_612] : memref<1088xi32, #tpu.memory_space<vmem>>[vector<16xi32>], vector<16xi32>,
      %add3A_614 = arith.constant 22 : i32
      %add3A_615 = vector.broadcast %add3A_614 : i32 to vector<16xi32>
      %add3A_616 = arith.addi %mul3A_15, %add3A_615 : vector<16xi32>
      %add3A_617 = arith.constant 1 : i32
      %add3A_618 = vector.broadcast %add3A_617 : i32 to vector<16xi32>
      %add3A_619 = arith.addi %add3A_616, %add3A_618 : vector<16xi32>
      %gather3A_620 = tpu.vector_load_idx %arg5[%add3A_619] : memref<1088xi32, #tpu.memory_space<vmem>>[vector<16xi32>], vector<16xi32>,
      %shift_right_arithmetic3A_621 = arith.constant 4 : i32
      %shift_right_arithmetic3A_622 = vector.broadcast %shift_right_arithmetic3A_621 : i32 to vector<16xi32>
      %shift_right_arithmetic3A_623 = arith.shrsi %gather3A_602, %shift_right_arithmetic3A_622 : vector<16xi32>
      %swap3A_624 = arith.constant 352 : index
      %swap3A_625 = tpu.vector_load %arg6[%swap3A_624] {strides = array<i32>} : memref<544xi32, #tpu.memory_space<vmem>>, vector<16xi32>,
      tpu.vector_store %arg6[%swap3A_624], %shift_right_arithmetic3A_623 {strides = array<i32>} : memref<544xi32, #tpu.memory_space<vmem>>, vector<16xi32>,
      %shift_right_arithmetic3A_626 = arith.constant 4 : i32
      %shift_right_arithmetic3A_627 = vector.broadcast %shift_right_arithmetic3A_626 : i32 to vector<16xi32>
      %shift_right_arithmetic3A_628 = arith.shrsi %gather3A_606, %shift_right_arithmetic3A_627 : vector<16xi32>
      %swap3A_629 = arith.constant 368 : index
      %swap3A_630 = tpu.vector_load %arg6[%swap3A_629] {strides = array<i32>} : memref<544xi32, #tpu.memory_space<vmem>>, vector<16xi32>,
      tpu.vector_store %arg6[%swap3A_629], %shift_right_arithmetic3A_628 {strides = array<i32>} : memref<544xi32, #tpu.memory_space<vmem>>, vector<16xi32>,
      %and3A_631 = arith.constant 15 : i32
      %and3A_632 = vector.broadcast %and3A_631 : i32 to vector<16xi32>
      %and3A_633 = arith.andi %gather3A_602, %and3A_632 : vector<16xi32>
      %swap3A_634 = arith.constant 352 : index
      %swap3A_635 = tpu.vector_load %arg7[%swap3A_634] {strides = array<i32>} : memref<544xi32, #tpu.memory_space<vmem>>, vector<16xi32>,
      tpu.vector_store %arg7[%swap3A_634], %and3A_633 {strides = array<i32>} : memref<544xi32, #tpu.memory_space<vmem>>, vector<16xi32>,
      %and3A_636 = arith.constant 15 : i32
      %and3A_637 = vector.broadcast %and3A_636 : i32 to vector<16xi32>
      %and3A_638 = arith.andi %gather3A_606, %and3A_637 : vector<16xi32>
      %swap3A_639 = arith.constant 368 : index
      %swap3A_640 = tpu.vector_load %arg7[%swap3A_639] {strides = array<i32>} : memref<544xi32, #tpu.memory_space<vmem>>, vector<16xi32>,
      tpu.vector_store %arg7[%swap3A_639], %and3A_638 {strides = array<i32>} : memref<544xi32, #tpu.memory_space<vmem>>, vector<16xi32>,
      %convert_element_type3A_641 = arith.sitofp %gather3A_613 : vector<16xi32> to vector<16xf32>
      %swap3A_642 = arith.constant 352 : index
      %swap3A_643 = tpu.vector_load %arg8[%swap3A_642] {strides = array<i32>} : memref<544xf32, #tpu.memory_space<vmem>>, vector<16xf32>,
      tpu.vector_store %arg8[%swap3A_642], %convert_element_type3A_641 {strides = array<i32>} : memref<544xf32, #tpu.memory_space<vmem>>, vector<16xf32>,
      %convert_element_type3A_644 = arith.sitofp %gather3A_620 : vector<16xi32> to vector<16xf32>
      %swap3A_645 = arith.constant 368 : index
      %swap3A_646 = tpu.vector_load %arg8[%swap3A_645] {strides = array<i32>} : memref<544xf32, #tpu.memory_space<vmem>>, vector<16xf32>,
      tpu.vector_store %arg8[%swap3A_645], %convert_element_type3A_644 {strides = array<i32>} : memref<544xf32, #tpu.memory_space<vmem>>, vector<16xf32>,
      %dma_start3A_647 = arith.constant 320 : i32
      %dma_start3A_648 = arith.constant 0 : i32
      %dma_start3A_649 = tpu.memref_slice %arg9[%dma_start3A_647, %dma_start3A_648] : memref<544x16xf32, #tpu.memory_space<vmem>> -> memref<64x16xf32, #tpu.memory_space<vmem>>
      %dma_start3A_650 = arith.constant 320 : i32
      %dma_start3A_651 = tpu.memref_slice %arg6[%dma_start3A_650] : memref<544xi32, #tpu.memory_space<vmem>> -> memref<64xi32, #tpu.memory_space<vmem>>
      %dma_start3A_652 = arith.constant 0 : i32
      %dma_start3A_653 = arith.constant 0 : i32
      %dma_start3A_654 = tpu.memref_slice %arg2[%add3A, %dma_start3A_652, %dma_start3A_653] : memref<16x4096x16xf32, #tpu.memory_space<hbm>> -> memref<1x4096x16xf32, #tpu.memory_space<hbm>>
      %dma_start3A_655 = tpu.memref_squeeze %dma_start3A_654 : memref<1x4096x16xf32, #tpu.memory_space<hbm>> -> memref<4096x16xf32, #tpu.memory_space<hbm>>
      %dma_start3A_656 = arith.constant 0 : i32
      %dma_start3A_657 = arith.constant 0 : i32
      %dma_start3A_658 = tpu.memref_slice %dma_start3A_655[%dma_start3A_656, %dma_start3A_657] : memref<4096x16xf32, #tpu.memory_space<hbm>> -> memref<4096x16xf32, #tpu.memory_space<hbm>>
      tpu.enqueue_indirect_dma source(%dma_start3A_658 : memref<4096x16xf32, #tpu.memory_space<hbm>>) target(%dma_start3A_649 : memref<64x16xf32, #tpu.memory_space<vmem>>) offsets(%dma_start3A_651 : memref<64xi32, #tpu.memory_space<vmem>>) semaphore(%arg15 : memref<!tpu.dma_semaphore, #tpu.memory_space<semaphore_mem>>)
      %add3A_659 = arith.constant 24 : i32
      %add3A_660 = vector.broadcast %add3A_659 : i32 to vector<16xi32>
      %add3A_661 = arith.addi %mul3A_9, %add3A_660 : vector<16xi32>
      %gather3A_662 = tpu.vector_load_idx %arg5[%add3A_661] : memref<1088xi32, #tpu.memory_space<vmem>>[vector<16xi32>], vector<16xi32>,
      %add3A_663 = arith.constant 24 : i32
      %add3A_664 = vector.broadcast %add3A_663 : i32 to vector<16xi32>
      %add3A_665 = arith.addi %mul3A_15, %add3A_664 : vector<16xi32>
      %gather3A_666 = tpu.vector_load_idx %arg5[%add3A_665] : memref<1088xi32, #tpu.memory_space<vmem>>[vector<16xi32>], vector<16xi32>,
      %add3A_667 = arith.constant 24 : i32
      %add3A_668 = vector.broadcast %add3A_667 : i32 to vector<16xi32>
      %add3A_669 = arith.addi %mul3A_9, %add3A_668 : vector<16xi32>
      %add3A_670 = arith.constant 1 : i32
      %add3A_671 = vector.broadcast %add3A_670 : i32 to vector<16xi32>
      %add3A_672 = arith.addi %add3A_669, %add3A_671 : vector<16xi32>
      %gather3A_673 = tpu.vector_load_idx %arg5[%add3A_672] : memref<1088xi32, #tpu.memory_space<vmem>>[vector<16xi32>], vector<16xi32>,
      %add3A_674 = arith.constant 24 : i32
      %add3A_675 = vector.broadcast %add3A_674 : i32 to vector<16xi32>
      %add3A_676 = arith.addi %mul3A_15, %add3A_675 : vector<16xi32>
      %add3A_677 = arith.constant 1 : i32
      %add3A_678 = vector.broadcast %add3A_677 : i32 to vector<16xi32>
      %add3A_679 = arith.addi %add3A_676, %add3A_678 : vector<16xi32>
      %gather3A_680 = tpu.vector_load_idx %arg5[%add3A_679] : memref<1088xi32, #tpu.memory_space<vmem>>[vector<16xi32>], vector<16xi32>,
      %shift_right_arithmetic3A_681 = arith.constant 4 : i32
      %shift_right_arithmetic3A_682 = vector.broadcast %shift_right_arithmetic3A_681 : i32 to vector<16xi32>
      %shift_right_arithmetic3A_683 = arith.shrsi %gather3A_662, %shift_right_arithmetic3A_682 : vector<16xi32>
      %swap3A_684 = arith.constant 384 : index
      %swap3A_685 = tpu.vector_load %arg6[%swap3A_684] {strides = array<i32>} : memref<544xi32, #tpu.memory_space<vmem>>, vector<16xi32>,
      tpu.vector_store %arg6[%swap3A_684], %shift_right_arithmetic3A_683 {strides = array<i32>} : memref<544xi32, #tpu.memory_space<vmem>>, vector<16xi32>,
      %shift_right_arithmetic3A_686 = arith.constant 4 : i32
      %shift_right_arithmetic3A_687 = vector.broadcast %shift_right_arithmetic3A_686 : i32 to vector<16xi32>
      %shift_right_arithmetic3A_688 = arith.shrsi %gather3A_666, %shift_right_arithmetic3A_687 : vector<16xi32>
      %swap3A_689 = arith.constant 400 : index
      %swap3A_690 = tpu.vector_load %arg6[%swap3A_689] {strides = array<i32>} : memref<544xi32, #tpu.memory_space<vmem>>, vector<16xi32>,
      tpu.vector_store %arg6[%swap3A_689], %shift_right_arithmetic3A_688 {strides = array<i32>} : memref<544xi32, #tpu.memory_space<vmem>>, vector<16xi32>,
      %and3A_691 = arith.constant 15 : i32
      %and3A_692 = vector.broadcast %and3A_691 : i32 to vector<16xi32>
      %and3A_693 = arith.andi %gather3A_662, %and3A_692 : vector<16xi32>
      %swap3A_694 = arith.constant 384 : index
      %swap3A_695 = tpu.vector_load %arg7[%swap3A_694] {strides = array<i32>} : memref<544xi32, #tpu.memory_space<vmem>>, vector<16xi32>,
      tpu.vector_store %arg7[%swap3A_694], %and3A_693 {strides = array<i32>} : memref<544xi32, #tpu.memory_space<vmem>>, vector<16xi32>,
      %and3A_696 = arith.constant 15 : i32
      %and3A_697 = vector.broadcast %and3A_696 : i32 to vector<16xi32>
      %and3A_698 = arith.andi %gather3A_666, %and3A_697 : vector<16xi32>
      %swap3A_699 = arith.constant 400 : index
      %swap3A_700 = tpu.vector_load %arg7[%swap3A_699] {strides = array<i32>} : memref<544xi32, #tpu.memory_space<vmem>>, vector<16xi32>,
      tpu.vector_store %arg7[%swap3A_699], %and3A_698 {strides = array<i32>} : memref<544xi32, #tpu.memory_space<vmem>>, vector<16xi32>,
      %convert_element_type3A_701 = arith.sitofp %gather3A_673 : vector<16xi32> to vector<16xf32>
      %swap3A_702 = arith.constant 384 : index
      %swap3A_703 = tpu.vector_load %arg8[%swap3A_702] {strides = array<i32>} : memref<544xf32, #tpu.memory_space<vmem>>, vector<16xf32>,
      tpu.vector_store %arg8[%swap3A_702], %convert_element_type3A_701 {strides = array<i32>} : memref<544xf32, #tpu.memory_space<vmem>>, vector<16xf32>,
      %convert_element_type3A_704 = arith.sitofp %gather3A_680 : vector<16xi32> to vector<16xf32>
      %swap3A_705 = arith.constant 400 : index
      %swap3A_706 = tpu.vector_load %arg8[%swap3A_705] {strides = array<i32>} : memref<544xf32, #tpu.memory_space<vmem>>, vector<16xf32>,
      tpu.vector_store %arg8[%swap3A_705], %convert_element_type3A_704 {strides = array<i32>} : memref<544xf32, #tpu.memory_space<vmem>>, vector<16xf32>,
      %add3A_707 = arith.constant 26 : i32
      %add3A_708 = vector.broadcast %add3A_707 : i32 to vector<16xi32>
      %add3A_709 = arith.addi %mul3A_9, %add3A_708 : vector<16xi32>
      %gather3A_710 = tpu.vector_load_idx %arg5[%add3A_709] : memref<1088xi32, #tpu.memory_space<vmem>>[vector<16xi32>], vector<16xi32>,
      %add3A_711 = arith.constant 26 : i32
      %add3A_712 = vector.broadcast %add3A_711 : i32 to vector<16xi32>
      %add3A_713 = arith.addi %mul3A_15, %add3A_712 : vector<16xi32>
      %gather3A_714 = tpu.vector_load_idx %arg5[%add3A_713] : memref<1088xi32, #tpu.memory_space<vmem>>[vector<16xi32>], vector<16xi32>,
      %add3A_715 = arith.constant 26 : i32
      %add3A_716 = vector.broadcast %add3A_715 : i32 to vector<16xi32>
      %add3A_717 = arith.addi %mul3A_9, %add3A_716 : vector<16xi32>
      %add3A_718 = arith.constant 1 : i32
      %add3A_719 = vector.broadcast %add3A_718 : i32 to vector<16xi32>
      %add3A_720 = arith.addi %add3A_717, %add3A_719 : vector<16xi32>
      %gather3A_721 = tpu.vector_load_idx %arg5[%add3A_720] : memref<1088xi32, #tpu.memory_space<vmem>>[vector<16xi32>], vector<16xi32>,
      %add3A_722 = arith.constant 26 : i32
      %add3A_723 = vector.broadcast %add3A_722 : i32 to vector<16xi32>
      %add3A_724 = arith.addi %mul3A_15, %add3A_723 : vector<16xi32>
      %add3A_725 = arith.constant 1 : i32
      %add3A_726 = vector.broadcast %add3A_725 : i32 to vector<16xi32>
      %add3A_727 = arith.addi %add3A_724, %add3A_726 : vector<16xi32>
      %gather3A_728 = tpu.vector_load_idx %arg5[%add3A_727] : memref<1088xi32, #tpu.memory_space<vmem>>[vector<16xi32>], vector<16xi32>,
      %shift_right_arithmetic3A_729 = arith.constant 4 : i32
      %shift_right_arithmetic3A_730 = vector.broadcast %shift_right_arithmetic3A_729 : i32 to vector<16xi32>
      %shift_right_arithmetic3A_731 = arith.shrsi %gather3A_710, %shift_right_arithmetic3A_730 : vector<16xi32>
      %swap3A_732 = arith.constant 416 : index
      %swap3A_733 = tpu.vector_load %arg6[%swap3A_732] {strides = array<i32>} : memref<544xi32, #tpu.memory_space<vmem>>, vector<16xi32>,
      tpu.vector_store %arg6[%swap3A_732], %shift_right_arithmetic3A_731 {strides = array<i32>} : memref<544xi32, #tpu.memory_space<vmem>>, vector<16xi32>,
      %shift_right_arithmetic3A_734 = arith.constant 4 : i32
      %shift_right_arithmetic3A_735 = vector.broadcast %shift_right_arithmetic3A_734 : i32 to vector<16xi32>
      %shift_right_arithmetic3A_736 = arith.shrsi %gather3A_714, %shift_right_arithmetic3A_735 : vector<16xi32>
      %swap3A_737 = arith.constant 432 : index
      %swap3A_738 = tpu.vector_load %arg6[%swap3A_737] {strides = array<i32>} : memref<544xi32, #tpu.memory_space<vmem>>, vector<16xi32>,
      tpu.vector_store %arg6[%swap3A_737], %shift_right_arithmetic3A_736 {strides = array<i32>} : memref<544xi32, #tpu.memory_space<vmem>>, vector<16xi32>,
      %and3A_739 = arith.constant 15 : i32
      %and3A_740 = vector.broadcast %and3A_739 : i32 to vector<16xi32>
      %and3A_741 = arith.andi %gather3A_710, %and3A_740 : vector<16xi32>
      %swap3A_742 = arith.constant 416 : index
      %swap3A_743 = tpu.vector_load %arg7[%swap3A_742] {strides = array<i32>} : memref<544xi32, #tpu.memory_space<vmem>>, vector<16xi32>,
      tpu.vector_store %arg7[%swap3A_742], %and3A_741 {strides = array<i32>} : memref<544xi32, #tpu.memory_space<vmem>>, vector<16xi32>,
      %and3A_744 = arith.constant 15 : i32
      %and3A_745 = vector.broadcast %and3A_744 : i32 to vector<16xi32>
      %and3A_746 = arith.andi %gather3A_714, %and3A_745 : vector<16xi32>
      %swap3A_747 = arith.constant 432 : index
      %swap3A_748 = tpu.vector_load %arg7[%swap3A_747] {strides = array<i32>} : memref<544xi32, #tpu.memory_space<vmem>>, vector<16xi32>,
      tpu.vector_store %arg7[%swap3A_747], %and3A_746 {strides = array<i32>} : memref<544xi32, #tpu.memory_space<vmem>>, vector<16xi32>,
      %convert_element_type3A_749 = arith.sitofp %gather3A_721 : vector<16xi32> to vector<16xf32>
      %swap3A_750 = arith.constant 416 : index
      %swap3A_751 = tpu.vector_load %arg8[%swap3A_750] {strides = array<i32>} : memref<544xf32, #tpu.memory_space<vmem>>, vector<16xf32>,
      tpu.vector_store %arg8[%swap3A_750], %convert_element_type3A_749 {strides = array<i32>} : memref<544xf32, #tpu.memory_space<vmem>>, vector<16xf32>,
      %convert_element_type3A_752 = arith.sitofp %gather3A_728 : vector<16xi32> to vector<16xf32>
      %swap3A_753 = arith.constant 432 : index
      %swap3A_754 = tpu.vector_load %arg8[%swap3A_753] {strides = array<i32>} : memref<544xf32, #tpu.memory_space<vmem>>, vector<16xf32>,
      tpu.vector_store %arg8[%swap3A_753], %convert_element_type3A_752 {strides = array<i32>} : memref<544xf32, #tpu.memory_space<vmem>>, vector<16xf32>,
      %dma_start3A_755 = arith.constant 384 : i32
      %dma_start3A_756 = arith.constant 0 : i32
      %dma_start3A_757 = tpu.memref_slice %arg9[%dma_start3A_755, %dma_start3A_756] : memref<544x16xf32, #tpu.memory_space<vmem>> -> memref<64x16xf32, #tpu.memory_space<vmem>>
      %dma_start3A_758 = arith.constant 384 : i32
      %dma_start3A_759 = tpu.memref_slice %arg6[%dma_start3A_758] : memref<544xi32, #tpu.memory_space<vmem>> -> memref<64xi32, #tpu.memory_space<vmem>>
      %dma_start3A_760 = arith.constant 0 : i32
      %dma_start3A_761 = arith.constant 0 : i32
      %dma_start3A_762 = tpu.memref_slice %arg2[%add3A, %dma_start3A_760, %dma_start3A_761] : memref<16x4096x16xf32, #tpu.memory_space<hbm>> -> memref<1x4096x16xf32, #tpu.memory_space<hbm>>
      %dma_start3A_763 = tpu.memref_squeeze %dma_start3A_762 : memref<1x4096x16xf32, #tpu.memory_space<hbm>> -> memref<4096x16xf32, #tpu.memory_space<hbm>>
      %dma_start3A_764 = arith.constant 0 : i32
      %dma_start3A_765 = arith.constant 0 : i32
      %dma_start3A_766 = tpu.memref_slice %dma_start3A_763[%dma_start3A_764, %dma_start3A_765] : memref<4096x16xf32, #tpu.memory_space<hbm>> -> memref<4096x16xf32, #tpu.memory_space<hbm>>
      tpu.enqueue_indirect_dma source(%dma_start3A_766 : memref<4096x16xf32, #tpu.memory_space<hbm>>) target(%dma_start3A_757 : memref<64x16xf32, #tpu.memory_space<vmem>>) offsets(%dma_start3A_759 : memref<64xi32, #tpu.memory_space<vmem>>) semaphore(%arg15 : memref<!tpu.dma_semaphore, #tpu.memory_space<semaphore_mem>>)
      %add3A_767 = arith.constant 28 : i32
      %add3A_768 = vector.broadcast %add3A_767 : i32 to vector<16xi32>
      %add3A_769 = arith.addi %mul3A_9, %add3A_768 : vector<16xi32>
      %gather3A_770 = tpu.vector_load_idx %arg5[%add3A_769] : memref<1088xi32, #tpu.memory_space<vmem>>[vector<16xi32>], vector<16xi32>,
      %add3A_771 = arith.constant 28 : i32
      %add3A_772 = vector.broadcast %add3A_771 : i32 to vector<16xi32>
      %add3A_773 = arith.addi %mul3A_15, %add3A_772 : vector<16xi32>
      %gather3A_774 = tpu.vector_load_idx %arg5[%add3A_773] : memref<1088xi32, #tpu.memory_space<vmem>>[vector<16xi32>], vector<16xi32>,
      %add3A_775 = arith.constant 28 : i32
      %add3A_776 = vector.broadcast %add3A_775 : i32 to vector<16xi32>
      %add3A_777 = arith.addi %mul3A_9, %add3A_776 : vector<16xi32>
      %add3A_778 = arith.constant 1 : i32
      %add3A_779 = vector.broadcast %add3A_778 : i32 to vector<16xi32>
      %add3A_780 = arith.addi %add3A_777, %add3A_779 : vector<16xi32>
      %gather3A_781 = tpu.vector_load_idx %arg5[%add3A_780] : memref<1088xi32, #tpu.memory_space<vmem>>[vector<16xi32>], vector<16xi32>,
      %add3A_782 = arith.constant 28 : i32
      %add3A_783 = vector.broadcast %add3A_782 : i32 to vector<16xi32>
      %add3A_784 = arith.addi %mul3A_15, %add3A_783 : vector<16xi32>
      %add3A_785 = arith.constant 1 : i32
      %add3A_786 = vector.broadcast %add3A_785 : i32 to vector<16xi32>
      %add3A_787 = arith.addi %add3A_784, %add3A_786 : vector<16xi32>
      %gather3A_788 = tpu.vector_load_idx %arg5[%add3A_787] : memref<1088xi32, #tpu.memory_space<vmem>>[vector<16xi32>], vector<16xi32>,
      %shift_right_arithmetic3A_789 = arith.constant 4 : i32
      %shift_right_arithmetic3A_790 = vector.broadcast %shift_right_arithmetic3A_789 : i32 to vector<16xi32>
      %shift_right_arithmetic3A_791 = arith.shrsi %gather3A_770, %shift_right_arithmetic3A_790 : vector<16xi32>
      %swap3A_792 = arith.constant 448 : index
      %swap3A_793 = tpu.vector_load %arg6[%swap3A_792] {strides = array<i32>} : memref<544xi32, #tpu.memory_space<vmem>>, vector<16xi32>,
      tpu.vector_store %arg6[%swap3A_792], %shift_right_arithmetic3A_791 {strides = array<i32>} : memref<544xi32, #tpu.memory_space<vmem>>, vector<16xi32>,
      %shift_right_arithmetic3A_794 = arith.constant 4 : i32
      %shift_right_arithmetic3A_795 = vector.broadcast %shift_right_arithmetic3A_794 : i32 to vector<16xi32>
      %shift_right_arithmetic3A_796 = arith.shrsi %gather3A_774, %shift_right_arithmetic3A_795 : vector<16xi32>
      %swap3A_797 = arith.constant 464 : index
      %swap3A_798 = tpu.vector_load %arg6[%swap3A_797] {strides = array<i32>} : memref<544xi32, #tpu.memory_space<vmem>>, vector<16xi32>,
      tpu.vector_store %arg6[%swap3A_797], %shift_right_arithmetic3A_796 {strides = array<i32>} : memref<544xi32, #tpu.memory_space<vmem>>, vector<16xi32>,
      %and3A_799 = arith.constant 15 : i32
      %and3A_800 = vector.broadcast %and3A_799 : i32 to vector<16xi32>
      %and3A_801 = arith.andi %gather3A_770, %and3A_800 : vector<16xi32>
      %swap3A_802 = arith.constant 448 : index
      %swap3A_803 = tpu.vector_load %arg7[%swap3A_802] {strides = array<i32>} : memref<544xi32, #tpu.memory_space<vmem>>, vector<16xi32>,
      tpu.vector_store %arg7[%swap3A_802], %and3A_801 {strides = array<i32>} : memref<544xi32, #tpu.memory_space<vmem>>, vector<16xi32>,
      %and3A_804 = arith.constant 15 : i32
      %and3A_805 = vector.broadcast %and3A_804 : i32 to vector<16xi32>
      %and3A_806 = arith.andi %gather3A_774, %and3A_805 : vector<16xi32>
      %swap3A_807 = arith.constant 464 : index
      %swap3A_808 = tpu.vector_load %arg7[%swap3A_807] {strides = array<i32>} : memref<544xi32, #tpu.memory_space<vmem>>, vector<16xi32>,
      tpu.vector_store %arg7[%swap3A_807], %and3A_806 {strides = array<i32>} : memref<544xi32, #tpu.memory_space<vmem>>, vector<16xi32>,
      %convert_element_type3A_809 = arith.sitofp %gather3A_781 : vector<16xi32> to vector<16xf32>
      %swap3A_810 = arith.constant 448 : index
      %swap3A_811 = tpu.vector_load %arg8[%swap3A_810] {strides = array<i32>} : memref<544xf32, #tpu.memory_space<vmem>>, vector<16xf32>,
      tpu.vector_store %arg8[%swap3A_810], %convert_element_type3A_809 {strides = array<i32>} : memref<544xf32, #tpu.memory_space<vmem>>, vector<16xf32>,
      %convert_element_type3A_812 = arith.sitofp %gather3A_788 : vector<16xi32> to vector<16xf32>
      %swap3A_813 = arith.constant 464 : index
      %swap3A_814 = tpu.vector_load %arg8[%swap3A_813] {strides = array<i32>} : memref<544xf32, #tpu.memory_space<vmem>>, vector<16xf32>,
      tpu.vector_store %arg8[%swap3A_813], %convert_element_type3A_812 {strides = array<i32>} : memref<544xf32, #tpu.memory_space<vmem>>, vector<16xf32>,
      %add3A_815 = arith.constant 30 : i32
      %add3A_816 = vector.broadcast %add3A_815 : i32 to vector<16xi32>
      %add3A_817 = arith.addi %mul3A_9, %add3A_816 : vector<16xi32>
      %gather3A_818 = tpu.vector_load_idx %arg5[%add3A_817] : memref<1088xi32, #tpu.memory_space<vmem>>[vector<16xi32>], vector<16xi32>,
      %add3A_819 = arith.constant 30 : i32
      %add3A_820 = vector.broadcast %add3A_819 : i32 to vector<16xi32>
      %add3A_821 = arith.addi %mul3A_15, %add3A_820 : vector<16xi32>
      %gather3A_822 = tpu.vector_load_idx %arg5[%add3A_821] : memref<1088xi32, #tpu.memory_space<vmem>>[vector<16xi32>], vector<16xi32>,
      %add3A_823 = arith.constant 30 : i32
      %add3A_824 = vector.broadcast %add3A_823 : i32 to vector<16xi32>
      %add3A_825 = arith.addi %mul3A_9, %add3A_824 : vector<16xi32>
      %add3A_826 = arith.constant 1 : i32
      %add3A_827 = vector.broadcast %add3A_826 : i32 to vector<16xi32>
      %add3A_828 = arith.addi %add3A_825, %add3A_827 : vector<16xi32>
      %gather3A_829 = tpu.vector_load_idx %arg5[%add3A_828] : memref<1088xi32, #tpu.memory_space<vmem>>[vector<16xi32>], vector<16xi32>,
      %add3A_830 = arith.constant 30 : i32
      %add3A_831 = vector.broadcast %add3A_830 : i32 to vector<16xi32>
      %add3A_832 = arith.addi %mul3A_15, %add3A_831 : vector<16xi32>
      %add3A_833 = arith.constant 1 : i32
      %add3A_834 = vector.broadcast %add3A_833 : i32 to vector<16xi32>
      %add3A_835 = arith.addi %add3A_832, %add3A_834 : vector<16xi32>
      %gather3A_836 = tpu.vector_load_idx %arg5[%add3A_835] : memref<1088xi32, #tpu.memory_space<vmem>>[vector<16xi32>], vector<16xi32>,
      %shift_right_arithmetic3A_837 = arith.constant 4 : i32
      %shift_right_arithmetic3A_838 = vector.broadcast %shift_right_arithmetic3A_837 : i32 to vector<16xi32>
      %shift_right_arithmetic3A_839 = arith.shrsi %gather3A_818, %shift_right_arithmetic3A_838 : vector<16xi32>
      %swap3A_840 = arith.constant 480 : index
      %swap3A_841 = tpu.vector_load %arg6[%swap3A_840] {strides = array<i32>} : memref<544xi32, #tpu.memory_space<vmem>>, vector<16xi32>,
      tpu.vector_store %arg6[%swap3A_840], %shift_right_arithmetic3A_839 {strides = array<i32>} : memref<544xi32, #tpu.memory_space<vmem>>, vector<16xi32>,
      %shift_right_arithmetic3A_842 = arith.constant 4 : i32
      %shift_right_arithmetic3A_843 = vector.broadcast %shift_right_arithmetic3A_842 : i32 to vector<16xi32>
      %shift_right_arithmetic3A_844 = arith.shrsi %gather3A_822, %shift_right_arithmetic3A_843 : vector<16xi32>
      %swap3A_845 = arith.constant 496 : index
      %swap3A_846 = tpu.vector_load %arg6[%swap3A_845] {strides = array<i32>} : memref<544xi32, #tpu.memory_space<vmem>>, vector<16xi32>,
      tpu.vector_store %arg6[%swap3A_845], %shift_right_arithmetic3A_844 {strides = array<i32>} : memref<544xi32, #tpu.memory_space<vmem>>, vector<16xi32>,
      %and3A_847 = arith.constant 15 : i32
      %and3A_848 = vector.broadcast %and3A_847 : i32 to vector<16xi32>
      %and3A_849 = arith.andi %gather3A_818, %and3A_848 : vector<16xi32>
      %swap3A_850 = arith.constant 480 : index
      %swap3A_851 = tpu.vector_load %arg7[%swap3A_850] {strides = array<i32>} : memref<544xi32, #tpu.memory_space<vmem>>, vector<16xi32>,
      tpu.vector_store %arg7[%swap3A_850], %and3A_849 {strides = array<i32>} : memref<544xi32, #tpu.memory_space<vmem>>, vector<16xi32>,
      %and3A_852 = arith.constant 15 : i32
      %and3A_853 = vector.broadcast %and3A_852 : i32 to vector<16xi32>
      %and3A_854 = arith.andi %gather3A_822, %and3A_853 : vector<16xi32>
      %swap3A_855 = arith.constant 496 : index
      %swap3A_856 = tpu.vector_load %arg7[%swap3A_855] {strides = array<i32>} : memref<544xi32, #tpu.memory_space<vmem>>, vector<16xi32>,
      tpu.vector_store %arg7[%swap3A_855], %and3A_854 {strides = array<i32>} : memref<544xi32, #tpu.memory_space<vmem>>, vector<16xi32>,
      %convert_element_type3A_857 = arith.sitofp %gather3A_829 : vector<16xi32> to vector<16xf32>
      %swap3A_858 = arith.constant 480 : index
      %swap3A_859 = tpu.vector_load %arg8[%swap3A_858] {strides = array<i32>} : memref<544xf32, #tpu.memory_space<vmem>>, vector<16xf32>,
      tpu.vector_store %arg8[%swap3A_858], %convert_element_type3A_857 {strides = array<i32>} : memref<544xf32, #tpu.memory_space<vmem>>, vector<16xf32>,
      %convert_element_type3A_860 = arith.sitofp %gather3A_836 : vector<16xi32> to vector<16xf32>
      %swap3A_861 = arith.constant 496 : index
      %swap3A_862 = tpu.vector_load %arg8[%swap3A_861] {strides = array<i32>} : memref<544xf32, #tpu.memory_space<vmem>>, vector<16xf32>,
      tpu.vector_store %arg8[%swap3A_861], %convert_element_type3A_860 {strides = array<i32>} : memref<544xf32, #tpu.memory_space<vmem>>, vector<16xf32>,
      %dma_start3A_863 = arith.constant 448 : i32
      %dma_start3A_864 = arith.constant 0 : i32
      %dma_start3A_865 = tpu.memref_slice %arg9[%dma_start3A_863, %dma_start3A_864] : memref<544x16xf32, #tpu.memory_space<vmem>> -> memref<64x16xf32, #tpu.memory_space<vmem>>
      %dma_start3A_866 = arith.constant 448 : i32
      %dma_start3A_867 = tpu.memref_slice %arg6[%dma_start3A_866] : memref<544xi32, #tpu.memory_space<vmem>> -> memref<64xi32, #tpu.memory_space<vmem>>
      %dma_start3A_868 = arith.constant 0 : i32
      %dma_start3A_869 = arith.constant 0 : i32
      %dma_start3A_870 = tpu.memref_slice %arg2[%add3A, %dma_start3A_868, %dma_start3A_869] : memref<16x4096x16xf32, #tpu.memory_space<hbm>> -> memref<1x4096x16xf32, #tpu.memory_space<hbm>>
      %dma_start3A_871 = tpu.memref_squeeze %dma_start3A_870 : memref<1x4096x16xf32, #tpu.memory_space<hbm>> -> memref<4096x16xf32, #tpu.memory_space<hbm>>
      %dma_start3A_872 = arith.constant 0 : i32
      %dma_start3A_873 = arith.constant 0 : i32
      %dma_start3A_874 = tpu.memref_slice %dma_start3A_871[%dma_start3A_872, %dma_start3A_873] : memref<4096x16xf32, #tpu.memory_space<hbm>> -> memref<4096x16xf32, #tpu.memory_space<hbm>>
      tpu.enqueue_indirect_dma source(%dma_start3A_874 : memref<4096x16xf32, #tpu.memory_space<hbm>>) target(%dma_start3A_865 : memref<64x16xf32, #tpu.memory_space<vmem>>) offsets(%dma_start3A_867 : memref<64xi32, #tpu.memory_space<vmem>>) semaphore(%arg15 : memref<!tpu.dma_semaphore, #tpu.memory_space<semaphore_mem>>)
      %add3A_875 = arith.constant 32 : i32
      %add3A_876 = vector.broadcast %add3A_875 : i32 to vector<16xi32>
      %add3A_877 = arith.addi %mul3A_9, %add3A_876 : vector<16xi32>
      %gather3A_878 = tpu.vector_load_idx %arg5[%add3A_877] : memref<1088xi32, #tpu.memory_space<vmem>>[vector<16xi32>], vector<16xi32>,
      %add3A_879 = arith.constant 32 : i32
      %add3A_880 = vector.broadcast %add3A_879 : i32 to vector<16xi32>
      %add3A_881 = arith.addi %mul3A_15, %add3A_880 : vector<16xi32>
      %gather3A_882 = tpu.vector_load_idx %arg5[%add3A_881] : memref<1088xi32, #tpu.memory_space<vmem>>[vector<16xi32>], vector<16xi32>,
      %add3A_883 = arith.constant 32 : i32
      %add3A_884 = vector.broadcast %add3A_883 : i32 to vector<16xi32>
      %add3A_885 = arith.addi %mul3A_9, %add3A_884 : vector<16xi32>
      %add3A_886 = arith.constant 1 : i32
      %add3A_887 = vector.broadcast %add3A_886 : i32 to vector<16xi32>
      %add3A_888 = arith.addi %add3A_885, %add3A_887 : vector<16xi32>
      %gather3A_889 = tpu.vector_load_idx %arg5[%add3A_888] : memref<1088xi32, #tpu.memory_space<vmem>>[vector<16xi32>], vector<16xi32>,
      %add3A_890 = arith.constant 32 : i32
      %add3A_891 = vector.broadcast %add3A_890 : i32 to vector<16xi32>
      %add3A_892 = arith.addi %mul3A_15, %add3A_891 : vector<16xi32>
      %add3A_893 = arith.constant 1 : i32
      %add3A_894 = vector.broadcast %add3A_893 : i32 to vector<16xi32>
      %add3A_895 = arith.addi %add3A_892, %add3A_894 : vector<16xi32>
      %gather3A_896 = tpu.vector_load_idx %arg5[%add3A_895] : memref<1088xi32, #tpu.memory_space<vmem>>[vector<16xi32>], vector<16xi32>,
      %shift_right_arithmetic3A_897 = arith.constant 4 : i32
      %shift_right_arithmetic3A_898 = vector.broadcast %shift_right_arithmetic3A_897 : i32 to vector<16xi32>
      %shift_right_arithmetic3A_899 = arith.shrsi %gather3A_878, %shift_right_arithmetic3A_898 : vector<16xi32>
      %swap3A_900 = arith.constant 512 : index
      %swap3A_901 = tpu.vector_load %arg6[%swap3A_900] {strides = array<i32>} : memref<544xi32, #tpu.memory_space<vmem>>, vector<16xi32>,
      tpu.vector_store %arg6[%swap3A_900], %shift_right_arithmetic3A_899 {strides = array<i32>} : memref<544xi32, #tpu.memory_space<vmem>>, vector<16xi32>,
      %shift_right_arithmetic3A_902 = arith.constant 4 : i32
      %shift_right_arithmetic3A_903 = vector.broadcast %shift_right_arithmetic3A_902 : i32 to vector<16xi32>
      %shift_right_arithmetic3A_904 = arith.shrsi %gather3A_882, %shift_right_arithmetic3A_903 : vector<16xi32>
      %swap3A_905 = arith.constant 528 : index
      %swap3A_906 = tpu.vector_load %arg6[%swap3A_905] {strides = array<i32>} : memref<544xi32, #tpu.memory_space<vmem>>, vector<16xi32>,
      tpu.vector_store %arg6[%swap3A_905], %shift_right_arithmetic3A_904 {strides = array<i32>} : memref<544xi32, #tpu.memory_space<vmem>>, vector<16xi32>,
      %and3A_907 = arith.constant 15 : i32
      %and3A_908 = vector.broadcast %and3A_907 : i32 to vector<16xi32>
      %and3A_909 = arith.andi %gather3A_878, %and3A_908 : vector<16xi32>
      %swap3A_910 = arith.constant 512 : index
      %swap3A_911 = tpu.vector_load %arg7[%swap3A_910] {strides = array<i32>} : memref<544xi32, #tpu.memory_space<vmem>>, vector<16xi32>,
      tpu.vector_store %arg7[%swap3A_910], %and3A_909 {strides = array<i32>} : memref<544xi32, #tpu.memory_space<vmem>>, vector<16xi32>,
      %and3A_912 = arith.constant 15 : i32
      %and3A_913 = vector.broadcast %and3A_912 : i32 to vector<16xi32>
      %and3A_914 = arith.andi %gather3A_882, %and3A_913 : vector<16xi32>
      %swap3A_915 = arith.constant 528 : index
      %swap3A_916 = tpu.vector_load %arg7[%swap3A_915] {strides = array<i32>} : memref<544xi32, #tpu.memory_space<vmem>>, vector<16xi32>,
      tpu.vector_store %arg7[%swap3A_915], %and3A_914 {strides = array<i32>} : memref<544xi32, #tpu.memory_space<vmem>>, vector<16xi32>,
      %convert_element_type3A_917 = arith.sitofp %gather3A_889 : vector<16xi32> to vector<16xf32>
      %swap3A_918 = arith.constant 512 : index
      %swap3A_919 = tpu.vector_load %arg8[%swap3A_918] {strides = array<i32>} : memref<544xf32, #tpu.memory_space<vmem>>, vector<16xf32>,
      tpu.vector_store %arg8[%swap3A_918], %convert_element_type3A_917 {strides = array<i32>} : memref<544xf32, #tpu.memory_space<vmem>>, vector<16xf32>,
      %convert_element_type3A_920 = arith.sitofp %gather3A_896 : vector<16xi32> to vector<16xf32>
      %swap3A_921 = arith.constant 528 : index
      %swap3A_922 = tpu.vector_load %arg8[%swap3A_921] {strides = array<i32>} : memref<544xf32, #tpu.memory_space<vmem>>, vector<16xf32>,
      tpu.vector_store %arg8[%swap3A_921], %convert_element_type3A_920 {strides = array<i32>} : memref<544xf32, #tpu.memory_space<vmem>>, vector<16xf32>,
      %dma_start3A_923 = arith.constant 512 : i32
      %dma_start3A_924 = arith.constant 0 : i32
      %dma_start3A_925 = tpu.memref_slice %arg9[%dma_start3A_923, %dma_start3A_924] : memref<544x16xf32, #tpu.memory_space<vmem>> -> memref<32x16xf32, #tpu.memory_space<vmem>>
      %dma_start3A_926 = arith.constant 512 : i32
      %dma_start3A_927 = tpu.memref_slice %arg6[%dma_start3A_926] : memref<544xi32, #tpu.memory_space<vmem>> -> memref<32xi32, #tpu.memory_space<vmem>>
      %dma_start3A_928 = arith.constant 0 : i32
      %dma_start3A_929 = arith.constant 0 : i32
      %dma_start3A_930 = tpu.memref_slice %arg2[%add3A, %dma_start3A_928, %dma_start3A_929] : memref<16x4096x16xf32, #tpu.memory_space<hbm>> -> memref<1x4096x16xf32, #tpu.memory_space<hbm>>
      %dma_start3A_931 = tpu.memref_squeeze %dma_start3A_930 : memref<1x4096x16xf32, #tpu.memory_space<hbm>> -> memref<4096x16xf32, #tpu.memory_space<hbm>>
      %dma_start3A_932 = arith.constant 0 : i32
      %dma_start3A_933 = arith.constant 0 : i32
      %dma_start3A_934 = tpu.memref_slice %dma_start3A_931[%dma_start3A_932, %dma_start3A_933] : memref<4096x16xf32, #tpu.memory_space<hbm>> -> memref<4096x16xf32, #tpu.memory_space<hbm>>
      tpu.enqueue_indirect_dma source(%dma_start3A_934 : memref<4096x16xf32, #tpu.memory_space<hbm>>) target(%dma_start3A_925 : memref<32x16xf32, #tpu.memory_space<vmem>>) offsets(%dma_start3A_927 : memref<32xi32, #tpu.memory_space<vmem>>) semaphore(%arg15 : memref<!tpu.dma_semaphore, #tpu.memory_space<semaphore_mem>>)
      %broadcast_in_dim3A = arith.constant 0.000000e+00 : f32
      %broadcast_in_dim3A_935 = vector.broadcast %broadcast_in_dim3A : f32 to vector<16xf32>
      %dma_wait3A = arith.constant 0 : i32
      %dma_wait3A_936 = arith.constant 0 : i32
      %dma_wait3A_937 = tpu.memref_slice %arg9[%dma_wait3A, %dma_wait3A_936] : memref<544x16xf32, #tpu.memory_space<vmem>> -> memref<64x16xf32, #tpu.memory_space<vmem>>
      %dma_wait3A_938 = arith.constant 0 : i32
      %dma_wait3A_939 = tpu.memref_slice %arg6[%dma_wait3A_938] : memref<544xi32, #tpu.memory_space<vmem>> -> memref<64xi32, #tpu.memory_space<vmem>>
      %dma_wait3A_940 = arith.constant 0 : i32
      %dma_wait3A_941 = arith.constant 0 : i32
      %dma_wait3A_942 = tpu.memref_slice %arg2[%add3A, %dma_wait3A_940, %dma_wait3A_941] : memref<16x4096x16xf32, #tpu.memory_space<hbm>> -> memref<1x4096x16xf32, #tpu.memory_space<hbm>>
      %dma_wait3A_943 = tpu.memref_squeeze %dma_wait3A_942 : memref<1x4096x16xf32, #tpu.memory_space<hbm>> -> memref<4096x16xf32, #tpu.memory_space<hbm>>
      %dma_wait3A_944 = arith.constant 0 : i32
      %dma_wait3A_945 = arith.constant 0 : i32
      %dma_wait3A_946 = tpu.memref_slice %dma_wait3A_943[%dma_wait3A_944, %dma_wait3A_945] : memref<4096x16xf32, #tpu.memory_space<hbm>> -> memref<4096x16xf32, #tpu.memory_space<hbm>>
      tpu.wait_indirect_dma semaphore(%arg15 : memref<!tpu.dma_semaphore, #tpu.memory_space<semaphore_mem>>) src(%dma_wait3A_946 : memref<4096x16xf32, #tpu.memory_space<hbm>>) dst(%dma_wait3A_937 : memref<64x16xf32, #tpu.memory_space<vmem>>)
      %dma_wait3A_947 = arith.constant 64 : i32
      %dma_wait3A_948 = arith.constant 0 : i32
      %dma_wait3A_949 = tpu.memref_slice %arg9[%dma_wait3A_947, %dma_wait3A_948] : memref<544x16xf32, #tpu.memory_space<vmem>> -> memref<64x16xf32, #tpu.memory_space<vmem>>
      %dma_wait3A_950 = arith.constant 64 : i32
      %dma_wait3A_951 = tpu.memref_slice %arg6[%dma_wait3A_950] : memref<544xi32, #tpu.memory_space<vmem>> -> memref<64xi32, #tpu.memory_space<vmem>>
      %dma_wait3A_952 = arith.constant 0 : i32
      %dma_wait3A_953 = arith.constant 0 : i32
      %dma_wait3A_954 = tpu.memref_slice %arg2[%add3A, %dma_wait3A_952, %dma_wait3A_953] : memref<16x4096x16xf32, #tpu.memory_space<hbm>> -> memref<1x4096x16xf32, #tpu.memory_space<hbm>>
      %dma_wait3A_955 = tpu.memref_squeeze %dma_wait3A_954 : memref<1x4096x16xf32, #tpu.memory_space<hbm>> -> memref<4096x16xf32, #tpu.memory_space<hbm>>
      %dma_wait3A_956 = arith.constant 0 : i32
      %dma_wait3A_957 = arith.constant 0 : i32
      %dma_wait3A_958 = tpu.memref_slice %dma_wait3A_955[%dma_wait3A_956, %dma_wait3A_957] : memref<4096x16xf32, #tpu.memory_space<hbm>> -> memref<4096x16xf32, #tpu.memory_space<hbm>>
      tpu.wait_indirect_dma semaphore(%arg15 : memref<!tpu.dma_semaphore, #tpu.memory_space<semaphore_mem>>) src(%dma_wait3A_958 : memref<4096x16xf32, #tpu.memory_space<hbm>>) dst(%dma_wait3A_949 : memref<64x16xf32, #tpu.memory_space<vmem>>)
      %dma_wait3A_959 = arith.constant 128 : i32
      %dma_wait3A_960 = arith.constant 0 : i32
      %dma_wait3A_961 = tpu.memref_slice %arg9[%dma_wait3A_959, %dma_wait3A_960] : memref<544x16xf32, #tpu.memory_space<vmem>> -> memref<64x16xf32, #tpu.memory_space<vmem>>
      %dma_wait3A_962 = arith.constant 128 : i32
      %dma_wait3A_963 = tpu.memref_slice %arg6[%dma_wait3A_962] : memref<544xi32, #tpu.memory_space<vmem>> -> memref<64xi32, #tpu.memory_space<vmem>>
      %dma_wait3A_964 = arith.constant 0 : i32
      %dma_wait3A_965 = arith.constant 0 : i32
      %dma_wait3A_966 = tpu.memref_slice %arg2[%add3A, %dma_wait3A_964, %dma_wait3A_965] : memref<16x4096x16xf32, #tpu.memory_space<hbm>> -> memref<1x4096x16xf32, #tpu.memory_space<hbm>>
      %dma_wait3A_967 = tpu.memref_squeeze %dma_wait3A_966 : memref<1x4096x16xf32, #tpu.memory_space<hbm>> -> memref<4096x16xf32, #tpu.memory_space<hbm>>
      %dma_wait3A_968 = arith.constant 0 : i32
      %dma_wait3A_969 = arith.constant 0 : i32
      %dma_wait3A_970 = tpu.memref_slice %dma_wait3A_967[%dma_wait3A_968, %dma_wait3A_969] : memref<4096x16xf32, #tpu.memory_space<hbm>> -> memref<4096x16xf32, #tpu.memory_space<hbm>>
      tpu.wait_indirect_dma semaphore(%arg15 : memref<!tpu.dma_semaphore, #tpu.memory_space<semaphore_mem>>) src(%dma_wait3A_970 : memref<4096x16xf32, #tpu.memory_space<hbm>>) dst(%dma_wait3A_961 : memref<64x16xf32, #tpu.memory_space<vmem>>)
      %dma_wait3A_971 = arith.constant 192 : i32
      %dma_wait3A_972 = arith.constant 0 : i32
      %dma_wait3A_973 = tpu.memref_slice %arg9[%dma_wait3A_971, %dma_wait3A_972] : memref<544x16xf32, #tpu.memory_space<vmem>> -> memref<64x16xf32, #tpu.memory_space<vmem>>
      %dma_wait3A_974 = arith.constant 192 : i32
      %dma_wait3A_975 = tpu.memref_slice %arg6[%dma_wait3A_974] : memref<544xi32, #tpu.memory_space<vmem>> -> memref<64xi32, #tpu.memory_space<vmem>>
      %dma_wait3A_976 = arith.constant 0 : i32
      %dma_wait3A_977 = arith.constant 0 : i32
      %dma_wait3A_978 = tpu.memref_slice %arg2[%add3A, %dma_wait3A_976, %dma_wait3A_977] : memref<16x4096x16xf32, #tpu.memory_space<hbm>> -> memref<1x4096x16xf32, #tpu.memory_space<hbm>>
      %dma_wait3A_979 = tpu.memref_squeeze %dma_wait3A_978 : memref<1x4096x16xf32, #tpu.memory_space<hbm>> -> memref<4096x16xf32, #tpu.memory_space<hbm>>
      %dma_wait3A_980 = arith.constant 0 : i32
      %dma_wait3A_981 = arith.constant 0 : i32
      %dma_wait3A_982 = tpu.memref_slice %dma_wait3A_979[%dma_wait3A_980, %dma_wait3A_981] : memref<4096x16xf32, #tpu.memory_space<hbm>> -> memref<4096x16xf32, #tpu.memory_space<hbm>>
      tpu.wait_indirect_dma semaphore(%arg15 : memref<!tpu.dma_semaphore, #tpu.memory_space<semaphore_mem>>) src(%dma_wait3A_982 : memref<4096x16xf32, #tpu.memory_space<hbm>>) dst(%dma_wait3A_973 : memref<64x16xf32, #tpu.memory_space<vmem>>)
      %dma_wait3A_983 = arith.constant 256 : i32
      %dma_wait3A_984 = arith.constant 0 : i32
      %dma_wait3A_985 = tpu.memref_slice %arg9[%dma_wait3A_983, %dma_wait3A_984] : memref<544x16xf32, #tpu.memory_space<vmem>> -> memref<64x16xf32, #tpu.memory_space<vmem>>
      %dma_wait3A_986 = arith.constant 256 : i32
      %dma_wait3A_987 = tpu.memref_slice %arg6[%dma_wait3A_986] : memref<544xi32, #tpu.memory_space<vmem>> -> memref<64xi32, #tpu.memory_space<vmem>>
      %dma_wait3A_988 = arith.constant 0 : i32
      %dma_wait3A_989 = arith.constant 0 : i32
      %dma_wait3A_990 = tpu.memref_slice %arg2[%add3A, %dma_wait3A_988, %dma_wait3A_989] : memref<16x4096x16xf32, #tpu.memory_space<hbm>> -> memref<1x4096x16xf32, #tpu.memory_space<hbm>>
      %dma_wait3A_991 = tpu.memref_squeeze %dma_wait3A_990 : memref<1x4096x16xf32, #tpu.memory_space<hbm>> -> memref<4096x16xf32, #tpu.memory_space<hbm>>
      %dma_wait3A_992 = arith.constant 0 : i32
      %dma_wait3A_993 = arith.constant 0 : i32
      %dma_wait3A_994 = tpu.memref_slice %dma_wait3A_991[%dma_wait3A_992, %dma_wait3A_993] : memref<4096x16xf32, #tpu.memory_space<hbm>> -> memref<4096x16xf32, #tpu.memory_space<hbm>>
      tpu.wait_indirect_dma semaphore(%arg15 : memref<!tpu.dma_semaphore, #tpu.memory_space<semaphore_mem>>) src(%dma_wait3A_994 : memref<4096x16xf32, #tpu.memory_space<hbm>>) dst(%dma_wait3A_985 : memref<64x16xf32, #tpu.memory_space<vmem>>)
      %dma_wait3A_995 = arith.constant 320 : i32
      %dma_wait3A_996 = arith.constant 0 : i32
      %dma_wait3A_997 = tpu.memref_slice %arg9[%dma_wait3A_995, %dma_wait3A_996] : memref<544x16xf32, #tpu.memory_space<vmem>> -> memref<64x16xf32, #tpu.memory_space<vmem>>
      %dma_wait3A_998 = arith.constant 320 : i32
      %dma_wait3A_999 = tpu.memref_slice %arg6[%dma_wait3A_998] : memref<544xi32, #tpu.memory_space<vmem>> -> memref<64xi32, #tpu.memory_space<vmem>>
      %dma_wait3A_1000 = arith.constant 0 : i32
      %dma_wait3A_1001 = arith.constant 0 : i32
      %dma_wait3A_1002 = tpu.memref_slice %arg2[%add3A, %dma_wait3A_1000, %dma_wait3A_1001] : memref<16x4096x16xf32, #tpu.memory_space<hbm>> -> memref<1x4096x16xf32, #tpu.memory_space<hbm>>
      %dma_wait3A_1003 = tpu.memref_squeeze %dma_wait3A_1002 : memref<1x4096x16xf32, #tpu.memory_space<hbm>> -> memref<4096x16xf32, #tpu.memory_space<hbm>>
      %dma_wait3A_1004 = arith.constant 0 : i32
      %dma_wait3A_1005 = arith.constant 0 : i32
      %dma_wait3A_1006 = tpu.memref_slice %dma_wait3A_1003[%dma_wait3A_1004, %dma_wait3A_1005] : memref<4096x16xf32, #tpu.memory_space<hbm>> -> memref<4096x16xf32, #tpu.memory_space<hbm>>
      tpu.wait_indirect_dma semaphore(%arg15 : memref<!tpu.dma_semaphore, #tpu.memory_space<semaphore_mem>>) src(%dma_wait3A_1006 : memref<4096x16xf32, #tpu.memory_space<hbm>>) dst(%dma_wait3A_997 : memref<64x16xf32, #tpu.memory_space<vmem>>)
      %dma_wait3A_1007 = arith.constant 384 : i32
      %dma_wait3A_1008 = arith.constant 0 : i32
      %dma_wait3A_1009 = tpu.memref_slice %arg9[%dma_wait3A_1007, %dma_wait3A_1008] : memref<544x16xf32, #tpu.memory_space<vmem>> -> memref<64x16xf32, #tpu.memory_space<vmem>>
      %dma_wait3A_1010 = arith.constant 384 : i32
      %dma_wait3A_1011 = tpu.memref_slice %arg6[%dma_wait3A_1010] : memref<544xi32, #tpu.memory_space<vmem>> -> memref<64xi32, #tpu.memory_space<vmem>>
      %dma_wait3A_1012 = arith.constant 0 : i32
      %dma_wait3A_1013 = arith.constant 0 : i32
      %dma_wait3A_1014 = tpu.memref_slice %arg2[%add3A, %dma_wait3A_1012, %dma_wait3A_1013] : memref<16x4096x16xf32, #tpu.memory_space<hbm>> -> memref<1x4096x16xf32, #tpu.memory_space<hbm>>
      %dma_wait3A_1015 = tpu.memref_squeeze %dma_wait3A_1014 : memref<1x4096x16xf32, #tpu.memory_space<hbm>> -> memref<4096x16xf32, #tpu.memory_space<hbm>>
      %dma_wait3A_1016 = arith.constant 0 : i32
      %dma_wait3A_1017 = arith.constant 0 : i32
      %dma_wait3A_1018 = tpu.memref_slice %dma_wait3A_1015[%dma_wait3A_1016, %dma_wait3A_1017] : memref<4096x16xf32, #tpu.memory_space<hbm>> -> memref<4096x16xf32, #tpu.memory_space<hbm>>
      tpu.wait_indirect_dma semaphore(%arg15 : memref<!tpu.dma_semaphore, #tpu.memory_space<semaphore_mem>>) src(%dma_wait3A_1018 : memref<4096x16xf32, #tpu.memory_space<hbm>>) dst(%dma_wait3A_1009 : memref<64x16xf32, #tpu.memory_space<vmem>>)
      %dma_wait3A_1019 = arith.constant 448 : i32
      %dma_wait3A_1020 = arith.constant 0 : i32
      %dma_wait3A_1021 = tpu.memref_slice %arg9[%dma_wait3A_1019, %dma_wait3A_1020] : memref<544x16xf32, #tpu.memory_space<vmem>> -> memref<64x16xf32, #tpu.memory_space<vmem>>
      %dma_wait3A_1022 = arith.constant 448 : i32
      %dma_wait3A_1023 = tpu.memref_slice %arg6[%dma_wait3A_1022] : memref<544xi32, #tpu.memory_space<vmem>> -> memref<64xi32, #tpu.memory_space<vmem>>
      %dma_wait3A_1024 = arith.constant 0 : i32
      %dma_wait3A_1025 = arith.constant 0 : i32
      %dma_wait3A_1026 = tpu.memref_slice %arg2[%add3A, %dma_wait3A_1024, %dma_wait3A_1025] : memref<16x4096x16xf32, #tpu.memory_space<hbm>> -> memref<1x4096x16xf32, #tpu.memory_space<hbm>>
      %dma_wait3A_1027 = tpu.memref_squeeze %dma_wait3A_1026 : memref<1x4096x16xf32, #tpu.memory_space<hbm>> -> memref<4096x16xf32, #tpu.memory_space<hbm>>
      %dma_wait3A_1028 = arith.constant 0 : i32
      %dma_wait3A_1029 = arith.constant 0 : i32
      %dma_wait3A_1030 = tpu.memref_slice %dma_wait3A_1027[%dma_wait3A_1028, %dma_wait3A_1029] : memref<4096x16xf32, #tpu.memory_space<hbm>> -> memref<4096x16xf32, #tpu.memory_space<hbm>>
      tpu.wait_indirect_dma semaphore(%arg15 : memref<!tpu.dma_semaphore, #tpu.memory_space<semaphore_mem>>) src(%dma_wait3A_1030 : memref<4096x16xf32, #tpu.memory_space<hbm>>) dst(%dma_wait3A_1021 : memref<64x16xf32, #tpu.memory_space<vmem>>)
      %scan3A = arith.constant 0 : i32
      %scan3A_1031 = arith.constant 16 : i32
      %scan3A_1032 = arith.addi %scan3A, %scan3A_1031 : i32
      %scan3A_1033 = arith.constant 4 : i32
      %scan3A_1034:6 = scf.for %scan3A_1286 = %scan3A to %scan3A_1032 step %scan3A_1033 iter_args(%scan3A_1287 = %broadcast_in_dim3A_935, %scan3A_1288 = %broadcast_in_dim3A_935, %scan3A_1289 = %broadcast_in_dim3A_935, %scan3A_1290 = %broadcast_in_dim3A_935, %scan3A_1291 = %broadcast_in_dim3A_935, %scan3A_1292 = %broadcast_in_dim3A_935) -> (vector<16xf32>, vector<16xf32>, vector<16xf32>, vector<16xf32>, vector<16xf32>, vector<16xf32>)  : i32 {
        %mul3A_1293 = arith.constant 32 : i32
        %mul3A_1294 = arith.muli %scan3A_1286, %mul3A_1293 : i32
        %multiple_of3A_1295 = tpu.assume_multiple %mul3A_1294, 8 : i32
        %mul3A_1296 = arith.constant 32 : i32
        %mul3A_1297 = arith.muli %scan3A_1286, %mul3A_1296 : i32
        %add3A_1298 = vector.broadcast %mul3A_1297 : i32 to vector<16xi32>
        %add3A_1299 = arith.addi %add3A_1298, %iota3A : vector<16xi32>
        %get3A_1300 = arith.index_cast %multiple_of3A_1295 : i32 to index
        %get3A_1301 = tpu.vector_load %arg7[%get3A_1300] {strides = array<i32>} : memref<544xi32, #tpu.memory_space<vmem>>, vector<16xi32>,
        %gather3A_1302 = tpu.vector_load_idx %arg9[%add3A_1299, %get3A_1301] : memref<544x16xf32, #tpu.memory_space<vmem>>[vector<16xi32>, vector<16xi32>], vector<16xf32>,
        %mul3A_1303 = arith.constant 32 : i32
        %mul3A_1304 = arith.muli %scan3A_1286, %mul3A_1303 : i32
        %add3A_1305 = arith.constant 16 : i32
        %add3A_1306 = arith.addi %mul3A_1304, %add3A_1305 : i32
        %add3A_1307 = vector.broadcast %add3A_1306 : i32 to vector<16xi32>
        %add3A_1308 = arith.addi %add3A_1307, %iota3A : vector<16xi32>
        %add3A_1309 = arith.constant 16 : i32
        %add3A_1310 = arith.addi %multiple_of3A_1295, %add3A_1309 : i32
        %get3A_1311 = arith.index_cast %add3A_1310 : i32 to index
        %get3A_1312 = tpu.vector_load %arg7[%get3A_1311] {strides = array<i32>} : memref<544xi32, #tpu.memory_space<vmem>>, vector<16xi32>,
        %gather3A_1313 = tpu.vector_load_idx %arg9[%add3A_1308, %get3A_1312] : memref<544x16xf32, #tpu.memory_space<vmem>>[vector<16xi32>, vector<16xi32>], vector<16xf32>,
        %get3A_1314 = arith.index_cast %multiple_of3A_1295 : i32 to index
        %get3A_1315 = tpu.vector_load %arg8[%get3A_1314] {strides = array<i32>} : memref<544xf32, #tpu.memory_space<vmem>>, vector<16xf32>,
        %add3A_1316 = arith.constant 16 : i32
        %add3A_1317 = arith.addi %multiple_of3A_1295, %add3A_1316 : i32
        %get3A_1318 = arith.index_cast %add3A_1317 : i32 to index
        %get3A_1319 = tpu.vector_load %arg8[%get3A_1318] {strides = array<i32>} : memref<544xf32, #tpu.memory_space<vmem>>, vector<16xf32>,
        %mul3A_1320 = arith.mulf %gather3A_1302, %get3A_1315 : vector<16xf32>
        %mul3A_1321 = arith.mulf %gather3A_1313, %get3A_1319 : vector<16xf32>
        %add3A_1322 = arith.addf %scan3A_1287, %get3A_1315 : vector<16xf32>
        %add3A_1323 = arith.addf %scan3A_1288, %get3A_1319 : vector<16xf32>
        %add3A_1324 = arith.addf %scan3A_1289, %mul3A_1320 : vector<16xf32>
        %add3A_1325 = arith.addf %scan3A_1290, %mul3A_1321 : vector<16xf32>
        %mul3A_1326 = arith.mulf %gather3A_1302, %mul3A_1320 : vector<16xf32>
        %add3A_1327 = arith.addf %scan3A_1291, %mul3A_1326 : vector<16xf32>
        %mul3A_1328 = arith.mulf %gather3A_1313, %mul3A_1321 : vector<16xf32>
        %add3A_1329 = arith.addf %scan3A_1292, %mul3A_1328 : vector<16xf32>
        %scan3A_1330 = arith.constant 1 : i32
        %scan3A_1331 = arith.addi %scan3A_1286, %scan3A_1330 : i32
        %mul3A_1332 = arith.constant 32 : i32
        %mul3A_1333 = arith.muli %scan3A_1331, %mul3A_1332 : i32
        %multiple_of3A_1334 = tpu.assume_multiple %mul3A_1333, 8 : i32
        %mul3A_1335 = arith.constant 32 : i32
        %mul3A_1336 = arith.muli %scan3A_1331, %mul3A_1335 : i32
        %add3A_1337 = vector.broadcast %mul3A_1336 : i32 to vector<16xi32>
        %add3A_1338 = arith.addi %add3A_1337, %iota3A : vector<16xi32>
        %get3A_1339 = arith.index_cast %multiple_of3A_1334 : i32 to index
        %get3A_1340 = tpu.vector_load %arg7[%get3A_1339] {strides = array<i32>} : memref<544xi32, #tpu.memory_space<vmem>>, vector<16xi32>,
        %gather3A_1341 = tpu.vector_load_idx %arg9[%add3A_1338, %get3A_1340] : memref<544x16xf32, #tpu.memory_space<vmem>>[vector<16xi32>, vector<16xi32>], vector<16xf32>,
        %mul3A_1342 = arith.constant 32 : i32
        %mul3A_1343 = arith.muli %scan3A_1331, %mul3A_1342 : i32
        %add3A_1344 = arith.constant 16 : i32
        %add3A_1345 = arith.addi %mul3A_1343, %add3A_1344 : i32
        %add3A_1346 = vector.broadcast %add3A_1345 : i32 to vector<16xi32>
        %add3A_1347 = arith.addi %add3A_1346, %iota3A : vector<16xi32>
        %add3A_1348 = arith.constant 16 : i32
        %add3A_1349 = arith.addi %multiple_of3A_1334, %add3A_1348 : i32
        %get3A_1350 = arith.index_cast %add3A_1349 : i32 to index
        %get3A_1351 = tpu.vector_load %arg7[%get3A_1350] {strides = array<i32>} : memref<544xi32, #tpu.memory_space<vmem>>, vector<16xi32>,
        %gather3A_1352 = tpu.vector_load_idx %arg9[%add3A_1347, %get3A_1351] : memref<544x16xf32, #tpu.memory_space<vmem>>[vector<16xi32>, vector<16xi32>], vector<16xf32>,
        %get3A_1353 = arith.index_cast %multiple_of3A_1334 : i32 to index
        %get3A_1354 = tpu.vector_load %arg8[%get3A_1353] {strides = array<i32>} : memref<544xf32, #tpu.memory_space<vmem>>, vector<16xf32>,
        %add3A_1355 = arith.constant 16 : i32
        %add3A_1356 = arith.addi %multiple_of3A_1334, %add3A_1355 : i32
        %get3A_1357 = arith.index_cast %add3A_1356 : i32 to index
        %get3A_1358 = tpu.vector_load %arg8[%get3A_1357] {strides = array<i32>} : memref<544xf32, #tpu.memory_space<vmem>>, vector<16xf32>,
        %mul3A_1359 = arith.mulf %gather3A_1341, %get3A_1354 : vector<16xf32>
        %mul3A_1360 = arith.mulf %gather3A_1352, %get3A_1358 : vector<16xf32>
        %add3A_1361 = arith.addf %add3A_1322, %get3A_1354 : vector<16xf32>
        %add3A_1362 = arith.addf %add3A_1323, %get3A_1358 : vector<16xf32>
        %add3A_1363 = arith.addf %add3A_1324, %mul3A_1359 : vector<16xf32>
        %add3A_1364 = arith.addf %add3A_1325, %mul3A_1360 : vector<16xf32>
        %mul3A_1365 = arith.mulf %gather3A_1341, %mul3A_1359 : vector<16xf32>
        %add3A_1366 = arith.addf %add3A_1327, %mul3A_1365 : vector<16xf32>
        %mul3A_1367 = arith.mulf %gather3A_1352, %mul3A_1360 : vector<16xf32>
        %add3A_1368 = arith.addf %add3A_1329, %mul3A_1367 : vector<16xf32>
        %scan3A_1369 = arith.constant 2 : i32
        %scan3A_1370 = arith.addi %scan3A_1286, %scan3A_1369 : i32
        %mul3A_1371 = arith.constant 32 : i32
        %mul3A_1372 = arith.muli %scan3A_1370, %mul3A_1371 : i32
        %multiple_of3A_1373 = tpu.assume_multiple %mul3A_1372, 8 : i32
        %mul3A_1374 = arith.constant 32 : i32
        %mul3A_1375 = arith.muli %scan3A_1370, %mul3A_1374 : i32
        %add3A_1376 = vector.broadcast %mul3A_1375 : i32 to vector<16xi32>
        %add3A_1377 = arith.addi %add3A_1376, %iota3A : vector<16xi32>
        %get3A_1378 = arith.index_cast %multiple_of3A_1373 : i32 to index
        %get3A_1379 = tpu.vector_load %arg7[%get3A_1378] {strides = array<i32>} : memref<544xi32, #tpu.memory_space<vmem>>, vector<16xi32>,
        %gather3A_1380 = tpu.vector_load_idx %arg9[%add3A_1377, %get3A_1379] : memref<544x16xf32, #tpu.memory_space<vmem>>[vector<16xi32>, vector<16xi32>], vector<16xf32>,
        %mul3A_1381 = arith.constant 32 : i32
        %mul3A_1382 = arith.muli %scan3A_1370, %mul3A_1381 : i32
        %add3A_1383 = arith.constant 16 : i32
        %add3A_1384 = arith.addi %mul3A_1382, %add3A_1383 : i32
        %add3A_1385 = vector.broadcast %add3A_1384 : i32 to vector<16xi32>
        %add3A_1386 = arith.addi %add3A_1385, %iota3A : vector<16xi32>
        %add3A_1387 = arith.constant 16 : i32
        %add3A_1388 = arith.addi %multiple_of3A_1373, %add3A_1387 : i32
        %get3A_1389 = arith.index_cast %add3A_1388 : i32 to index
        %get3A_1390 = tpu.vector_load %arg7[%get3A_1389] {strides = array<i32>} : memref<544xi32, #tpu.memory_space<vmem>>, vector<16xi32>,
        %gather3A_1391 = tpu.vector_load_idx %arg9[%add3A_1386, %get3A_1390] : memref<544x16xf32, #tpu.memory_space<vmem>>[vector<16xi32>, vector<16xi32>], vector<16xf32>,
        %get3A_1392 = arith.index_cast %multiple_of3A_1373 : i32 to index
        %get3A_1393 = tpu.vector_load %arg8[%get3A_1392] {strides = array<i32>} : memref<544xf32, #tpu.memory_space<vmem>>, vector<16xf32>,
        %add3A_1394 = arith.constant 16 : i32
        %add3A_1395 = arith.addi %multiple_of3A_1373, %add3A_1394 : i32
        %get3A_1396 = arith.index_cast %add3A_1395 : i32 to index
        %get3A_1397 = tpu.vector_load %arg8[%get3A_1396] {strides = array<i32>} : memref<544xf32, #tpu.memory_space<vmem>>, vector<16xf32>,
        %mul3A_1398 = arith.mulf %gather3A_1380, %get3A_1393 : vector<16xf32>
        %mul3A_1399 = arith.mulf %gather3A_1391, %get3A_1397 : vector<16xf32>
        %add3A_1400 = arith.addf %add3A_1361, %get3A_1393 : vector<16xf32>
        %add3A_1401 = arith.addf %add3A_1362, %get3A_1397 : vector<16xf32>
        %add3A_1402 = arith.addf %add3A_1363, %mul3A_1398 : vector<16xf32>
        %add3A_1403 = arith.addf %add3A_1364, %mul3A_1399 : vector<16xf32>
        %mul3A_1404 = arith.mulf %gather3A_1380, %mul3A_1398 : vector<16xf32>
        %add3A_1405 = arith.addf %add3A_1366, %mul3A_1404 : vector<16xf32>
        %mul3A_1406 = arith.mulf %gather3A_1391, %mul3A_1399 : vector<16xf32>
        %add3A_1407 = arith.addf %add3A_1368, %mul3A_1406 : vector<16xf32>
        %scan3A_1408 = arith.constant 3 : i32
        %scan3A_1409 = arith.addi %scan3A_1286, %scan3A_1408 : i32
        %mul3A_1410 = arith.constant 32 : i32
        %mul3A_1411 = arith.muli %scan3A_1409, %mul3A_1410 : i32
        %multiple_of3A_1412 = tpu.assume_multiple %mul3A_1411, 8 : i32
        %mul3A_1413 = arith.constant 32 : i32
        %mul3A_1414 = arith.muli %scan3A_1409, %mul3A_1413 : i32
        %add3A_1415 = vector.broadcast %mul3A_1414 : i32 to vector<16xi32>
        %add3A_1416 = arith.addi %add3A_1415, %iota3A : vector<16xi32>
        %get3A_1417 = arith.index_cast %multiple_of3A_1412 : i32 to index
        %get3A_1418 = tpu.vector_load %arg7[%get3A_1417] {strides = array<i32>} : memref<544xi32, #tpu.memory_space<vmem>>, vector<16xi32>,
        %gather3A_1419 = tpu.vector_load_idx %arg9[%add3A_1416, %get3A_1418] : memref<544x16xf32, #tpu.memory_space<vmem>>[vector<16xi32>, vector<16xi32>], vector<16xf32>,
        %mul3A_1420 = arith.constant 32 : i32
        %mul3A_1421 = arith.muli %scan3A_1409, %mul3A_1420 : i32
        %add3A_1422 = arith.constant 16 : i32
        %add3A_1423 = arith.addi %mul3A_1421, %add3A_1422 : i32
        %add3A_1424 = vector.broadcast %add3A_1423 : i32 to vector<16xi32>
        %add3A_1425 = arith.addi %add3A_1424, %iota3A : vector<16xi32>
        %add3A_1426 = arith.constant 16 : i32
        %add3A_1427 = arith.addi %multiple_of3A_1412, %add3A_1426 : i32
        %get3A_1428 = arith.index_cast %add3A_1427 : i32 to index
        %get3A_1429 = tpu.vector_load %arg7[%get3A_1428] {strides = array<i32>} : memref<544xi32, #tpu.memory_space<vmem>>, vector<16xi32>,
        %gather3A_1430 = tpu.vector_load_idx %arg9[%add3A_1425, %get3A_1429] : memref<544x16xf32, #tpu.memory_space<vmem>>[vector<16xi32>, vector<16xi32>], vector<16xf32>,
        %get3A_1431 = arith.index_cast %multiple_of3A_1412 : i32 to index
        %get3A_1432 = tpu.vector_load %arg8[%get3A_1431] {strides = array<i32>} : memref<544xf32, #tpu.memory_space<vmem>>, vector<16xf32>,
        %add3A_1433 = arith.constant 16 : i32
        %add3A_1434 = arith.addi %multiple_of3A_1412, %add3A_1433 : i32
        %get3A_1435 = arith.index_cast %add3A_1434 : i32 to index
        %get3A_1436 = tpu.vector_load %arg8[%get3A_1435] {strides = array<i32>} : memref<544xf32, #tpu.memory_space<vmem>>, vector<16xf32>,
        %mul3A_1437 = arith.mulf %gather3A_1419, %get3A_1432 : vector<16xf32>
        %mul3A_1438 = arith.mulf %gather3A_1430, %get3A_1436 : vector<16xf32>
        %add3A_1439 = arith.addf %add3A_1400, %get3A_1432 : vector<16xf32>
        %add3A_1440 = arith.addf %add3A_1401, %get3A_1436 : vector<16xf32>
        %add3A_1441 = arith.addf %add3A_1402, %mul3A_1437 : vector<16xf32>
        %add3A_1442 = arith.addf %add3A_1403, %mul3A_1438 : vector<16xf32>
        %mul3A_1443 = arith.mulf %gather3A_1419, %mul3A_1437 : vector<16xf32>
        %add3A_1444 = arith.addf %add3A_1405, %mul3A_1443 : vector<16xf32>
        %mul3A_1445 = arith.mulf %gather3A_1430, %mul3A_1438 : vector<16xf32>
        %add3A_1446 = arith.addf %add3A_1407, %mul3A_1445 : vector<16xf32>
        scf.yield %add3A_1439, %add3A_1440, %add3A_1441, %add3A_1442, %add3A_1444, %add3A_1446 : vector<16xf32>, vector<16xf32>, vector<16xf32>, vector<16xf32>, vector<16xf32>, vector<16xf32>
      }
      %scan3A_1035 = arith.constant 16 : i32
      %dma_wait3A_1036 = arith.constant 512 : i32
      %dma_wait3A_1037 = arith.constant 0 : i32
      %dma_wait3A_1038 = tpu.memref_slice %arg9[%dma_wait3A_1036, %dma_wait3A_1037] : memref<544x16xf32, #tpu.memory_space<vmem>> -> memref<32x16xf32, #tpu.memory_space<vmem>>
      %dma_wait3A_1039 = arith.constant 512 : i32
      %dma_wait3A_1040 = tpu.memref_slice %arg6[%dma_wait3A_1039] : memref<544xi32, #tpu.memory_space<vmem>> -> memref<32xi32, #tpu.memory_space<vmem>>
      %dma_wait3A_1041 = arith.constant 0 : i32
      %dma_wait3A_1042 = arith.constant 0 : i32
      %dma_wait3A_1043 = tpu.memref_slice %arg2[%add3A, %dma_wait3A_1041, %dma_wait3A_1042] : memref<16x4096x16xf32, #tpu.memory_space<hbm>> -> memref<1x4096x16xf32, #tpu.memory_space<hbm>>
      %dma_wait3A_1044 = tpu.memref_squeeze %dma_wait3A_1043 : memref<1x4096x16xf32, #tpu.memory_space<hbm>> -> memref<4096x16xf32, #tpu.memory_space<hbm>>
      %dma_wait3A_1045 = arith.constant 0 : i32
      %dma_wait3A_1046 = arith.constant 0 : i32
      %dma_wait3A_1047 = tpu.memref_slice %dma_wait3A_1044[%dma_wait3A_1045, %dma_wait3A_1046] : memref<4096x16xf32, #tpu.memory_space<hbm>> -> memref<4096x16xf32, #tpu.memory_space<hbm>>
      tpu.wait_indirect_dma semaphore(%arg15 : memref<!tpu.dma_semaphore, #tpu.memory_space<semaphore_mem>>) src(%dma_wait3A_1047 : memref<4096x16xf32, #tpu.memory_space<hbm>>) dst(%dma_wait3A_1038 : memref<32x16xf32, #tpu.memory_space<vmem>>)
      %multiple_of3A = arith.constant 512 : i32
      %multiple_of3A_1048 = tpu.assume_multiple %multiple_of3A, 8 : i32
      %add3A_1049 = arith.constant 512 : i32
      %add3A_1050 = vector.broadcast %add3A_1049 : i32 to vector<16xi32>
      %add3A_1051 = arith.addi %add3A_1050, %iota3A : vector<16xi32>
      %get3A = arith.index_cast %multiple_of3A_1048 : i32 to index
      %get3A_1052 = tpu.vector_load %arg7[%get3A] {strides = array<i32>} : memref<544xi32, #tpu.memory_space<vmem>>, vector<16xi32>,
      %gather3A_1053 = tpu.vector_load_idx %arg9[%add3A_1051, %get3A_1052] : memref<544x16xf32, #tpu.memory_space<vmem>>[vector<16xi32>, vector<16xi32>], vector<16xf32>,
      %add3A_1054 = arith.constant 528 : i32
      %add3A_1055 = vector.broadcast %add3A_1054 : i32 to vector<16xi32>
      %add3A_1056 = arith.addi %add3A_1055, %iota3A : vector<16xi32>
      %add3A_1057 = arith.constant 16 : i32
      %add3A_1058 = arith.addi %multiple_of3A_1048, %add3A_1057 : i32
      %get3A_1059 = arith.index_cast %add3A_1058 : i32 to index
      %get3A_1060 = tpu.vector_load %arg7[%get3A_1059] {strides = array<i32>} : memref<544xi32, #tpu.memory_space<vmem>>, vector<16xi32>,
      %gather3A_1061 = tpu.vector_load_idx %arg9[%add3A_1056, %get3A_1060] : memref<544x16xf32, #tpu.memory_space<vmem>>[vector<16xi32>, vector<16xi32>], vector<16xf32>,
      %get3A_1062 = arith.index_cast %multiple_of3A_1048 : i32 to index
      %get3A_1063 = tpu.vector_load %arg8[%get3A_1062] {strides = array<i32>} : memref<544xf32, #tpu.memory_space<vmem>>, vector<16xf32>,
      %add3A_1064 = arith.constant 16 : i32
      %add3A_1065 = arith.addi %multiple_of3A_1048, %add3A_1064 : i32
      %get3A_1066 = arith.index_cast %add3A_1065 : i32 to index
      %get3A_1067 = tpu.vector_load %arg8[%get3A_1066] {strides = array<i32>} : memref<544xf32, #tpu.memory_space<vmem>>, vector<16xf32>,
      %mul3A_1068 = arith.mulf %gather3A_1053, %get3A_1063 : vector<16xf32>
      %mul3A_1069 = arith.mulf %gather3A_1061, %get3A_1067 : vector<16xf32>
      %add3A_1070 = arith.addf %scan3A_1034#0, %get3A_1063 : vector<16xf32>
      %add3A_1071 = arith.addf %scan3A_1034#1, %get3A_1067 : vector<16xf32>
      %add3A_1072 = arith.addf %scan3A_1034#2, %mul3A_1068 : vector<16xf32>
      %add3A_1073 = arith.addf %scan3A_1034#3, %mul3A_1069 : vector<16xf32>
      %mul3A_1074 = arith.mulf %gather3A_1053, %mul3A_1068 : vector<16xf32>
      %add3A_1075 = arith.addf %scan3A_1034#4, %mul3A_1074 : vector<16xf32>
      %mul3A_1076 = arith.mulf %gather3A_1061, %mul3A_1069 : vector<16xf32>
      %add3A_1077 = arith.addf %scan3A_1034#5, %mul3A_1076 : vector<16xf32>
      %convert_element_type3A_1078 = arith.fptosi %add3A_1070 : vector<16xf32> to vector<16xi32>
      %convert_element_type3A_1079 = arith.fptosi %add3A_1071 : vector<16xf32> to vector<16xi32>
      %max3A = arith.constant 1.000000e+00 : f32
      %max3A_1080 = vector.broadcast %max3A : f32 to vector<16xf32>
      %max3A_1081 = arith.maximumf %add3A_1070, %max3A_1080 : vector<16xf32>
      %bitcast3A = vector.bitcast %max3A_1081 : vector<16xf32> to vector<16xi32>
      %sub3A = arith.constant 2129859011 : i32
      %sub3A_1082 = vector.broadcast %sub3A : i32 to vector<16xi32>
      %sub3A_1083 = arith.subi %sub3A_1082, %bitcast3A : vector<16xi32>
      %bitcast3A_1084 = vector.bitcast %sub3A_1083 : vector<16xi32> to vector<16xf32>
      %mul3A_1085 = arith.mulf %max3A_1081, %bitcast3A_1084 : vector<16xf32>
      %sub3A_1086 = arith.constant 2.000000e+00 : f32
      %sub3A_1087 = vector.broadcast %sub3A_1086 : f32 to vector<16xf32>
      %sub3A_1088 = arith.subf %sub3A_1087, %mul3A_1085 : vector<16xf32>
      %mul3A_1089 = arith.mulf %bitcast3A_1084, %sub3A_1088 : vector<16xf32>
      %mul3A_1090 = arith.mulf %max3A_1081, %mul3A_1089 : vector<16xf32>
      %sub3A_1091 = arith.constant 2.000000e+00 : f32
      %sub3A_1092 = vector.broadcast %sub3A_1091 : f32 to vector<16xf32>
      %sub3A_1093 = arith.subf %sub3A_1092, %mul3A_1090 : vector<16xf32>
      %mul3A_1094 = arith.mulf %mul3A_1089, %sub3A_1093 : vector<16xf32>
      %mul3A_1095 = arith.mulf %max3A_1081, %mul3A_1094 : vector<16xf32>
      %sub3A_1096 = arith.constant 2.000000e+00 : f32
      %sub3A_1097 = vector.broadcast %sub3A_1096 : f32 to vector<16xf32>
      %sub3A_1098 = arith.subf %sub3A_1097, %mul3A_1095 : vector<16xf32>
      %mul3A_1099 = arith.mulf %mul3A_1094, %sub3A_1098 : vector<16xf32>
      %max3A_1100 = arith.constant 1.000000e+00 : f32
      %max3A_1101 = vector.broadcast %max3A_1100 : f32 to vector<16xf32>
      %max3A_1102 = arith.maximumf %add3A_1071, %max3A_1101 : vector<16xf32>
      %bitcast3A_1103 = vector.bitcast %max3A_1102 : vector<16xf32> to vector<16xi32>
      %sub3A_1104 = arith.constant 2129859011 : i32
      %sub3A_1105 = vector.broadcast %sub3A_1104 : i32 to vector<16xi32>
      %sub3A_1106 = arith.subi %sub3A_1105, %bitcast3A_1103 : vector<16xi32>
      %bitcast3A_1107 = vector.bitcast %sub3A_1106 : vector<16xi32> to vector<16xf32>
      %mul3A_1108 = arith.mulf %max3A_1102, %bitcast3A_1107 : vector<16xf32>
      %sub3A_1109 = arith.constant 2.000000e+00 : f32
      %sub3A_1110 = vector.broadcast %sub3A_1109 : f32 to vector<16xf32>
      %sub3A_1111 = arith.subf %sub3A_1110, %mul3A_1108 : vector<16xf32>
      %mul3A_1112 = arith.mulf %bitcast3A_1107, %sub3A_1111 : vector<16xf32>
      %mul3A_1113 = arith.mulf %max3A_1102, %mul3A_1112 : vector<16xf32>
      %sub3A_1114 = arith.constant 2.000000e+00 : f32
      %sub3A_1115 = vector.broadcast %sub3A_1114 : f32 to vector<16xf32>
      %sub3A_1116 = arith.subf %sub3A_1115, %mul3A_1113 : vector<16xf32>
      %mul3A_1117 = arith.mulf %mul3A_1112, %sub3A_1116 : vector<16xf32>
      %mul3A_1118 = arith.mulf %max3A_1102, %mul3A_1117 : vector<16xf32>
      %sub3A_1119 = arith.constant 2.000000e+00 : f32
      %sub3A_1120 = vector.broadcast %sub3A_1119 : f32 to vector<16xf32>
      %sub3A_1121 = arith.subf %sub3A_1120, %mul3A_1118 : vector<16xf32>
      %mul3A_1122 = arith.mulf %mul3A_1117, %sub3A_1121 : vector<16xf32>
      %mul3A_1123 = arith.mulf %add3A_1072, %mul3A_1099 : vector<16xf32>
      %mul3A_1124 = arith.mulf %add3A_1073, %mul3A_1122 : vector<16xf32>
      %mul3A_1125 = arith.constant 2.000000e+00 : f32
      %mul3A_1126 = vector.broadcast %mul3A_1125 : f32 to vector<16xf32>
      %mul3A_1127 = arith.mulf %mul3A_1126, %mul3A_1123 : vector<16xf32>
      %mul3A_1128 = arith.mulf %mul3A_1127, %add3A_1072 : vector<16xf32>
      %sub3A_1129 = arith.subf %add3A_1075, %mul3A_1128 : vector<16xf32>
      %mul3A_1130 = arith.mulf %mul3A_1123, %mul3A_1123 : vector<16xf32>
      %mul3A_1131 = arith.mulf %mul3A_1130, %add3A_1070 : vector<16xf32>
      %add3A_1132 = arith.addf %sub3A_1129, %mul3A_1131 : vector<16xf32>
      %mul3A_1133 = arith.constant 2.000000e+00 : f32
      %mul3A_1134 = vector.broadcast %mul3A_1133 : f32 to vector<16xf32>
      %mul3A_1135 = arith.mulf %mul3A_1134, %mul3A_1124 : vector<16xf32>
      %mul3A_1136 = arith.mulf %mul3A_1135, %add3A_1073 : vector<16xf32>
      %sub3A_1137 = arith.subf %add3A_1077, %mul3A_1136 : vector<16xf32>
      %mul3A_1138 = arith.mulf %mul3A_1124, %mul3A_1124 : vector<16xf32>
      %mul3A_1139 = arith.mulf %mul3A_1138, %add3A_1071 : vector<16xf32>
      %add3A_1140 = arith.addf %sub3A_1137, %mul3A_1139 : vector<16xf32>
      %gt3A = arith.constant 0 : i32
      %gt3A_1141 = vector.broadcast %gt3A : i32 to vector<16xi32>
      %gt3A_1142 = arith.cmpi sgt, %convert_element_type3A_1078, %gt3A_1141 : vector<16xi32>
      %gt3A_1143 = arith.constant 0 : i32
      %gt3A_1144 = vector.broadcast %gt3A_1143 : i32 to vector<16xi32>
      %gt3A_1145 = arith.cmpi sgt, %convert_element_type3A_1079, %gt3A_1144 : vector<16xi32>
      %broadcast_in_dim3A_1146 = arith.constant 0.000000e+00 : f32
      %broadcast_in_dim3A_1147 = vector.broadcast %broadcast_in_dim3A_1146 : f32 to vector<16xf32>
      %select_n3A = arith.select %gt3A_1142, %mul3A_1123, %broadcast_in_dim3A_1147 : vector<16xi1>, vector<16xf32>
      %select_n3A_1148 = arith.select %gt3A_1145, %mul3A_1124, %broadcast_in_dim3A_1147 : vector<16xi1>, vector<16xf32>
      %mul3A_1149 = arith.mulf %add3A_1132, %mul3A_1099 : vector<16xf32>
      %select_n3A_1150 = arith.select %gt3A_1142, %mul3A_1149, %broadcast_in_dim3A_1147 : vector<16xi1>, vector<16xf32>
      %mul3A_1151 = arith.mulf %add3A_1140, %mul3A_1122 : vector<16xf32>
      %select_n3A_1152 = arith.select %gt3A_1145, %mul3A_1151, %broadcast_in_dim3A_1147 : vector<16xi1>, vector<16xf32>
      %add3A_1153 = arith.addf %select_n3A_1150, %select_n3A_1152 : vector<16xf32>
      %reduce_sum3A = arith.constant true
      %reduce_sum3A_1154 = vector.broadcast %reduce_sum3A : i1 to vector<16xi1>
      %reduce_sum3A_1155 = tpu.scan <sum>, %add3A_1153 masked %reduce_sum3A_1154 : vector<16xf32>, vector<16xi1> -> vector<16xf32>
      %reduce_sum3A_1156 = vector.extract %reduce_sum3A_1155[15] : f32 from vector<16xf32>
      %all_reduce_population_count3A = tpu.all_reduce %gt3A_1142 {dim = 0 : i64, kind = #tpu.reduction_kind<sum>} : vector<16xi1> -> vector<16xi32>
      %all_reduce_population_count3A_1157 = tpu.all_reduce %gt3A_1145 {dim = 0 : i64, kind = #tpu.reduction_kind<sum>} : vector<16xi1> -> vector<16xi32>
      %add3A_1158 = arith.addi %all_reduce_population_count3A, %all_reduce_population_count3A_1157 : vector<16xi32>
      %add3A_1159 = arith.constant 1 : i32
      %add3A_1160 = vector.broadcast %add3A_1159 : i32 to vector<16xi32>
      %add3A_1161 = arith.addi %iota3A, %add3A_1160 : vector<16xi32>
      %convert_element_type3A_1162 = arith.sitofp %add3A_1161 : vector<16xi32> to vector<16xf32>
      %mul3A_1163 = arith.constant 1.000000e+04 : f32
      %mul3A_1164 = vector.broadcast %mul3A_1163 : f32 to vector<16xf32>
      %mul3A_1165 = arith.mulf %convert_element_type3A_1162, %mul3A_1164 : vector<16xf32>
      %add3A_1166 = arith.constant 17 : i32
      %add3A_1167 = vector.broadcast %add3A_1166 : i32 to vector<16xi32>
      %add3A_1168 = arith.addi %iota3A, %add3A_1167 : vector<16xi32>
      %convert_element_type3A_1169 = arith.sitofp %add3A_1168 : vector<16xi32> to vector<16xf32>
      %mul3A_1170 = arith.constant 1.000000e+04 : f32
      %mul3A_1171 = vector.broadcast %mul3A_1170 : f32 to vector<16xf32>
      %mul3A_1172 = arith.mulf %convert_element_type3A_1169, %mul3A_1171 : vector<16xf32>
      %lt3A_1173 = arith.cmpi slt, %iota3A, %add3A_1158 : vector<16xi32>
      %select_n3A_1174 = arith.select %lt3A_1173, %select_n3A, %mul3A_1165 : vector<16xi1>, vector<16xf32>
      %swap3A_1175 = arith.constant 0 : index
      %swap3A_1176 = tpu.vector_load %arg10[%swap3A_1175] {strides = array<i32>} : memref<32xf32, #tpu.memory_space<vmem>>, vector<16xf32>,
      tpu.vector_store %arg10[%swap3A_1175], %select_n3A_1174 {strides = array<i32>} : memref<32xf32, #tpu.memory_space<vmem>>, vector<16xf32>,
      %add3A_1177 = arith.constant 16 : i32
      %add3A_1178 = vector.broadcast %add3A_1177 : i32 to vector<16xi32>
      %add3A_1179 = arith.addi %iota3A, %add3A_1178 : vector<16xi32>
      %lt3A_1180 = arith.cmpi slt, %add3A_1179, %add3A_1158 : vector<16xi32>
      %select_n3A_1181 = arith.select %lt3A_1180, %select_n3A_1148, %mul3A_1172 : vector<16xi1>, vector<16xf32>
      %swap3A_1182 = arith.constant 16 : index
      %swap3A_1183 = tpu.vector_load %arg10[%swap3A_1182] {strides = array<i32>} : memref<32xf32, #tpu.memory_space<vmem>>, vector<16xf32>,
      tpu.vector_store %arg10[%swap3A_1182], %select_n3A_1181 {strides = array<i32>} : memref<32xf32, #tpu.memory_space<vmem>>, vector<16xf32>,
      %get3A_1184 = arith.constant 0 : index
      %get3A_1185 = tpu.vector_load %arg10[%get3A_1184] {strides = array<i32>} : memref<32xf32, #tpu.memory_space<vmem>>, vector<16xf32>,
      %get3A_1186 = arith.constant 16 : index
      %get3A_1187 = tpu.vector_load %arg10[%get3A_1186] {strides = array<i32>} : memref<32xf32, #tpu.memory_space<vmem>>, vector<16xf32>,
      %scan3A_1188 = arith.constant 0 : i32
      %scan3A_1189 = arith.constant 30 : i32
      %scan3A_1190 = arith.addi %scan3A_1188, %scan3A_1189 : i32
      %scan3A_1191 = arith.constant 5 : i32
      %scan3A_1192 = scf.for %scan3A_1286 = %scan3A_1188 to %scan3A_1190 step %scan3A_1191 iter_args(%scan3A_1287 = %broadcast_in_dim3A_1147) -> (vector<16xf32>)  : i32 {
        %broadcast_in_dim3A_1288 = arith.constant 0 : i32
        %broadcast_in_dim3A_1289 = vector.broadcast %broadcast_in_dim3A_1288 : i32 to vector<16xi32>
        %add3A_1290 = vector.broadcast %scan3A_1286 : i32 to vector<16xi32>
        %add3A_1291 = arith.addi %broadcast_in_dim3A_1289, %add3A_1290 : vector<16xi32>
        %gather3A_1292 = tpu.vector_load_idx %arg10[%add3A_1291] : memref<32xf32, #tpu.memory_space<vmem>>[vector<16xi32>], vector<16xf32>,
        %sub3A_1293 = arith.subf %get3A_1185, %gather3A_1292 : vector<16xf32>
        %sub3A_1294 = arith.subf %get3A_1187, %gather3A_1292 : vector<16xf32>
        %mul3A_1295 = arith.mulf %sub3A_1293, %sub3A_1293 : vector<16xf32>
        %neg3A = arith.constant 0.000000e+00 : f32
        %neg3A_1296 = vector.broadcast %neg3A : f32 to vector<16xf32>
        %neg3A_1297 = arith.subf %neg3A_1296, %mul3A_1295 : vector<16xf32>
        %exp3A = math.exp %neg3A_1297 : vector<16xf32>
        %add3A_1298 = arith.addf %scan3A_1287, %exp3A : vector<16xf32>
        %mul3A_1299 = arith.mulf %sub3A_1294, %sub3A_1294 : vector<16xf32>
        %neg3A_1300 = arith.constant 0.000000e+00 : f32
        %neg3A_1301 = vector.broadcast %neg3A_1300 : f32 to vector<16xf32>
        %neg3A_1302 = arith.subf %neg3A_1301, %mul3A_1299 : vector<16xf32>
        %exp3A_1303 = math.exp %neg3A_1302 : vector<16xf32>
        %add3A_1304 = arith.addf %add3A_1298, %exp3A_1303 : vector<16xf32>
        %scan3A_1305 = arith.constant 1 : i32
        %scan3A_1306 = arith.addi %scan3A_1286, %scan3A_1305 : i32
        %broadcast_in_dim3A_1307 = arith.constant 0 : i32
        %broadcast_in_dim3A_1308 = vector.broadcast %broadcast_in_dim3A_1307 : i32 to vector<16xi32>
        %add3A_1309 = vector.broadcast %scan3A_1306 : i32 to vector<16xi32>
        %add3A_1310 = arith.addi %broadcast_in_dim3A_1308, %add3A_1309 : vector<16xi32>
        %gather3A_1311 = tpu.vector_load_idx %arg10[%add3A_1310] : memref<32xf32, #tpu.memory_space<vmem>>[vector<16xi32>], vector<16xf32>,
        %sub3A_1312 = arith.subf %get3A_1185, %gather3A_1311 : vector<16xf32>
        %sub3A_1313 = arith.subf %get3A_1187, %gather3A_1311 : vector<16xf32>
        %mul3A_1314 = arith.mulf %sub3A_1312, %sub3A_1312 : vector<16xf32>
        %neg3A_1315 = arith.constant 0.000000e+00 : f32
        %neg3A_1316 = vector.broadcast %neg3A_1315 : f32 to vector<16xf32>
        %neg3A_1317 = arith.subf %neg3A_1316, %mul3A_1314 : vector<16xf32>
        %exp3A_1318 = math.exp %neg3A_1317 : vector<16xf32>
        %add3A_1319 = arith.addf %add3A_1304, %exp3A_1318 : vector<16xf32>
        %mul3A_1320 = arith.mulf %sub3A_1313, %sub3A_1313 : vector<16xf32>
        %neg3A_1321 = arith.constant 0.000000e+00 : f32
        %neg3A_1322 = vector.broadcast %neg3A_1321 : f32 to vector<16xf32>
        %neg3A_1323 = arith.subf %neg3A_1322, %mul3A_1320 : vector<16xf32>
        %exp3A_1324 = math.exp %neg3A_1323 : vector<16xf32>
        %add3A_1325 = arith.addf %add3A_1319, %exp3A_1324 : vector<16xf32>
        %scan3A_1326 = arith.constant 2 : i32
        %scan3A_1327 = arith.addi %scan3A_1286, %scan3A_1326 : i32
        %broadcast_in_dim3A_1328 = arith.constant 0 : i32
        %broadcast_in_dim3A_1329 = vector.broadcast %broadcast_in_dim3A_1328 : i32 to vector<16xi32>
        %add3A_1330 = vector.broadcast %scan3A_1327 : i32 to vector<16xi32>
        %add3A_1331 = arith.addi %broadcast_in_dim3A_1329, %add3A_1330 : vector<16xi32>
        %gather3A_1332 = tpu.vector_load_idx %arg10[%add3A_1331] : memref<32xf32, #tpu.memory_space<vmem>>[vector<16xi32>], vector<16xf32>,
        %sub3A_1333 = arith.subf %get3A_1185, %gather3A_1332 : vector<16xf32>
        %sub3A_1334 = arith.subf %get3A_1187, %gather3A_1332 : vector<16xf32>
        %mul3A_1335 = arith.mulf %sub3A_1333, %sub3A_1333 : vector<16xf32>
        %neg3A_1336 = arith.constant 0.000000e+00 : f32
        %neg3A_1337 = vector.broadcast %neg3A_1336 : f32 to vector<16xf32>
        %neg3A_1338 = arith.subf %neg3A_1337, %mul3A_1335 : vector<16xf32>
        %exp3A_1339 = math.exp %neg3A_1338 : vector<16xf32>
        %add3A_1340 = arith.addf %add3A_1325, %exp3A_1339 : vector<16xf32>
        %mul3A_1341 = arith.mulf %sub3A_1334, %sub3A_1334 : vector<16xf32>
        %neg3A_1342 = arith.constant 0.000000e+00 : f32
        %neg3A_1343 = vector.broadcast %neg3A_1342 : f32 to vector<16xf32>
        %neg3A_1344 = arith.subf %neg3A_1343, %mul3A_1341 : vector<16xf32>
        %exp3A_1345 = math.exp %neg3A_1344 : vector<16xf32>
        %add3A_1346 = arith.addf %add3A_1340, %exp3A_1345 : vector<16xf32>
        %scan3A_1347 = arith.constant 3 : i32
        %scan3A_1348 = arith.addi %scan3A_1286, %scan3A_1347 : i32
        %broadcast_in_dim3A_1349 = arith.constant 0 : i32
        %broadcast_in_dim3A_1350 = vector.broadcast %broadcast_in_dim3A_1349 : i32 to vector<16xi32>
        %add3A_1351 = vector.broadcast %scan3A_1348 : i32 to vector<16xi32>
        %add3A_1352 = arith.addi %broadcast_in_dim3A_1350, %add3A_1351 : vector<16xi32>
        %gather3A_1353 = tpu.vector_load_idx %arg10[%add3A_1352] : memref<32xf32, #tpu.memory_space<vmem>>[vector<16xi32>], vector<16xf32>,
        %sub3A_1354 = arith.subf %get3A_1185, %gather3A_1353 : vector<16xf32>
        %sub3A_1355 = arith.subf %get3A_1187, %gather3A_1353 : vector<16xf32>
        %mul3A_1356 = arith.mulf %sub3A_1354, %sub3A_1354 : vector<16xf32>
        %neg3A_1357 = arith.constant 0.000000e+00 : f32
        %neg3A_1358 = vector.broadcast %neg3A_1357 : f32 to vector<16xf32>
        %neg3A_1359 = arith.subf %neg3A_1358, %mul3A_1356 : vector<16xf32>
        %exp3A_1360 = math.exp %neg3A_1359 : vector<16xf32>
        %add3A_1361 = arith.addf %add3A_1346, %exp3A_1360 : vector<16xf32>
        %mul3A_1362 = arith.mulf %sub3A_1355, %sub3A_1355 : vector<16xf32>
        %neg3A_1363 = arith.constant 0.000000e+00 : f32
        %neg3A_1364 = vector.broadcast %neg3A_1363 : f32 to vector<16xf32>
        %neg3A_1365 = arith.subf %neg3A_1364, %mul3A_1362 : vector<16xf32>
        %exp3A_1366 = math.exp %neg3A_1365 : vector<16xf32>
        %add3A_1367 = arith.addf %add3A_1361, %exp3A_1366 : vector<16xf32>
        %scan3A_1368 = arith.constant 4 : i32
        %scan3A_1369 = arith.addi %scan3A_1286, %scan3A_1368 : i32
        %broadcast_in_dim3A_1370 = arith.constant 0 : i32
        %broadcast_in_dim3A_1371 = vector.broadcast %broadcast_in_dim3A_1370 : i32 to vector<16xi32>
        %add3A_1372 = vector.broadcast %scan3A_1369 : i32 to vector<16xi32>
        %add3A_1373 = arith.addi %broadcast_in_dim3A_1371, %add3A_1372 : vector<16xi32>
        %gather3A_1374 = tpu.vector_load_idx %arg10[%add3A_1373] : memref<32xf32, #tpu.memory_space<vmem>>[vector<16xi32>], vector<16xf32>,
        %sub3A_1375 = arith.subf %get3A_1185, %gather3A_1374 : vector<16xf32>
        %sub3A_1376 = arith.subf %get3A_1187, %gather3A_1374 : vector<16xf32>
        %mul3A_1377 = arith.mulf %sub3A_1375, %sub3A_1375 : vector<16xf32>
        %neg3A_1378 = arith.constant 0.000000e+00 : f32
        %neg3A_1379 = vector.broadcast %neg3A_1378 : f32 to vector<16xf32>
        %neg3A_1380 = arith.subf %neg3A_1379, %mul3A_1377 : vector<16xf32>
        %exp3A_1381 = math.exp %neg3A_1380 : vector<16xf32>
        %add3A_1382 = arith.addf %add3A_1367, %exp3A_1381 : vector<16xf32>
        %mul3A_1383 = arith.mulf %sub3A_1376, %sub3A_1376 : vector<16xf32>
        %neg3A_1384 = arith.constant 0.000000e+00 : f32
        %neg3A_1385 = vector.broadcast %neg3A_1384 : f32 to vector<16xf32>
        %neg3A_1386 = arith.subf %neg3A_1385, %mul3A_1383 : vector<16xf32>
        %exp3A_1387 = math.exp %neg3A_1386 : vector<16xf32>
        %add3A_1388 = arith.addf %add3A_1382, %exp3A_1387 : vector<16xf32>
        scf.yield %add3A_1388 : vector<16xf32>
      }
      %scan3A_1193 = arith.constant 30 : i32
      %reduce_sum3A_1194 = arith.constant true
      %reduce_sum3A_1195 = vector.broadcast %reduce_sum3A_1194 : i1 to vector<16xi1>
      %reduce_sum3A_1196 = tpu.scan <sum>, %scan3A_1192 masked %reduce_sum3A_1195 : vector<16xf32>, vector<16xi1> -> vector<16xf32>
      %reduce_sum3A_1197 = vector.extract %reduce_sum3A_1196[15] : f32 from vector<16xf32>
      %convert_element_type3A_1198 = arith.sitofp %add3A_1158 : vector<16xi32> to vector<16xf32>
      %max3A_1199 = arith.constant 1.000000e+00 : f32
      %max3A_1200 = vector.broadcast %max3A_1199 : f32 to vector<16xf32>
      %max3A_1201 = arith.maximumf %convert_element_type3A_1198, %max3A_1200 : vector<16xf32>
      %bitcast3A_1202 = vector.bitcast %max3A_1201 : vector<16xf32> to vector<16xi32>
      %sub3A_1203 = arith.constant 2129859011 : i32
      %sub3A_1204 = vector.broadcast %sub3A_1203 : i32 to vector<16xi32>
      %sub3A_1205 = arith.subi %sub3A_1204, %bitcast3A_1202 : vector<16xi32>
      %bitcast3A_1206 = vector.bitcast %sub3A_1205 : vector<16xi32> to vector<16xf32>
      %mul3A_1207 = arith.mulf %max3A_1201, %bitcast3A_1206 : vector<16xf32>
      %sub3A_1208 = arith.constant 2.000000e+00 : f32
      %sub3A_1209 = vector.broadcast %sub3A_1208 : f32 to vector<16xf32>
      %sub3A_1210 = arith.subf %sub3A_1209, %mul3A_1207 : vector<16xf32>
      %mul3A_1211 = arith.mulf %bitcast3A_1206, %sub3A_1210 : vector<16xf32>
      %mul3A_1212 = arith.mulf %max3A_1201, %mul3A_1211 : vector<16xf32>
      %sub3A_1213 = arith.constant 2.000000e+00 : f32
      %sub3A_1214 = vector.broadcast %sub3A_1213 : f32 to vector<16xf32>
      %sub3A_1215 = arith.subf %sub3A_1214, %mul3A_1212 : vector<16xf32>
      %mul3A_1216 = arith.mulf %mul3A_1211, %sub3A_1215 : vector<16xf32>
      %mul3A_1217 = arith.mulf %max3A_1201, %mul3A_1216 : vector<16xf32>
      %sub3A_1218 = arith.constant 2.000000e+00 : f32
      %sub3A_1219 = vector.broadcast %sub3A_1218 : f32 to vector<16xf32>
      %sub3A_1220 = arith.subf %sub3A_1219, %mul3A_1217 : vector<16xf32>
      %mul3A_1221 = arith.mulf %mul3A_1216, %sub3A_1220 : vector<16xf32>
      %sub3A_1222 = arith.constant 1.000000e+00 : f32
      %sub3A_1223 = vector.broadcast %sub3A_1222 : f32 to vector<16xf32>
      %sub3A_1224 = arith.subf %max3A_1201, %sub3A_1223 : vector<16xf32>
      %mul3A_1225 = arith.mulf %max3A_1201, %sub3A_1224 : vector<16xf32>
      %mul3A_1226 = arith.constant 5.000000e-01 : f32
      %mul3A_1227 = vector.broadcast %mul3A_1226 : f32 to vector<16xf32>
      %mul3A_1228 = arith.mulf %mul3A_1225, %mul3A_1227 : vector<16xf32>
      %max3A_1229 = arith.constant 1.000000e+00 : f32
      %max3A_1230 = vector.broadcast %max3A_1229 : f32 to vector<16xf32>
      %max3A_1231 = arith.maximumf %mul3A_1228, %max3A_1230 : vector<16xf32>
      %bitcast3A_1232 = vector.bitcast %max3A_1231 : vector<16xf32> to vector<16xi32>
      %sub3A_1233 = arith.constant 2129859011 : i32
      %sub3A_1234 = vector.broadcast %sub3A_1233 : i32 to vector<16xi32>
      %sub3A_1235 = arith.subi %sub3A_1234, %bitcast3A_1232 : vector<16xi32>
      %bitcast3A_1236 = vector.bitcast %sub3A_1235 : vector<16xi32> to vector<16xf32>
      %mul3A_1237 = arith.mulf %max3A_1231, %bitcast3A_1236 : vector<16xf32>
      %sub3A_1238 = arith.constant 2.000000e+00 : f32
      %sub3A_1239 = vector.broadcast %sub3A_1238 : f32 to vector<16xf32>
      %sub3A_1240 = arith.subf %sub3A_1239, %mul3A_1237 : vector<16xf32>
      %mul3A_1241 = arith.mulf %bitcast3A_1236, %sub3A_1240 : vector<16xf32>
      %mul3A_1242 = arith.mulf %max3A_1231, %mul3A_1241 : vector<16xf32>
      %sub3A_1243 = arith.constant 2.000000e+00 : f32
      %sub3A_1244 = vector.broadcast %sub3A_1243 : f32 to vector<16xf32>
      %sub3A_1245 = arith.subf %sub3A_1244, %mul3A_1242 : vector<16xf32>
      %mul3A_1246 = arith.mulf %mul3A_1241, %sub3A_1245 : vector<16xf32>
      %mul3A_1247 = arith.mulf %max3A_1231, %mul3A_1246 : vector<16xf32>
      %sub3A_1248 = arith.constant 2.000000e+00 : f32
      %sub3A_1249 = vector.broadcast %sub3A_1248 : f32 to vector<16xf32>
      %sub3A_1250 = arith.subf %sub3A_1249, %mul3A_1247 : vector<16xf32>
      %mul3A_1251 = arith.mulf %mul3A_1246, %sub3A_1250 : vector<16xf32>
      %sub3A_1252 = arith.constant 3.000000e+01 : f32
      %sub3A_1253 = arith.subf %reduce_sum3A_1197, %sub3A_1252 : f32
      %mul3A_1254 = arith.constant 5.000000e-01 : f32
      %mul3A_1255 = arith.mulf %sub3A_1253, %mul3A_1254 : f32
      %gt3A_1256 = arith.constant 1 : i32
      %gt3A_1257 = vector.broadcast %gt3A_1256 : i32 to vector<16xi32>
      %gt3A_1258 = arith.cmpi sgt, %add3A_1158, %gt3A_1257 : vector<16xi32>
      %mul3A_1259 = vector.broadcast %mul3A_1255 : f32 to vector<16xf32>
      %mul3A_1260 = arith.mulf %mul3A_1259, %mul3A_1251 : vector<16xf32>
      %add3A_1261 = vector.broadcast %mul3A_1255 : f32 to vector<16xf32>
      %add3A_1262 = arith.addf %broadcast_in_dim3A_1147, %add3A_1261 : vector<16xf32>
      %select_n3A_1263 = arith.select %gt3A_1258, %mul3A_1260, %add3A_1262 : vector<16xi1>, vector<16xf32>
      %mul3A_1264 = arith.constant 5.000000e-01 : f32
      %mul3A_1265 = vector.broadcast %mul3A_1264 : f32 to vector<16xf32>
      %mul3A_1266 = arith.mulf %select_n3A_1263, %mul3A_1265 : vector<16xf32>
      %gt3A_1267 = arith.constant 0 : i32
      %gt3A_1268 = vector.broadcast %gt3A_1267 : i32 to vector<16xi32>
      %gt3A_1269 = arith.cmpi sgt, %add3A_1158, %gt3A_1268 : vector<16xi32>
      %mul3A_1270 = vector.broadcast %reduce_sum3A_1156 : f32 to vector<16xf32>
      %mul3A_1271 = arith.mulf %mul3A_1270, %mul3A_1221 : vector<16xf32>
      %add3A_1272 = vector.broadcast %reduce_sum3A_1156 : f32 to vector<16xf32>
      %add3A_1273 = arith.addf %broadcast_in_dim3A_1147, %add3A_1272 : vector<16xf32>
      %select_n3A_1274 = arith.select %gt3A_1269, %mul3A_1271, %add3A_1273 : vector<16xi1>, vector<16xf32>
      %eq3A_1275 = arith.constant 0 : i32
      %eq3A_1276 = vector.broadcast %eq3A_1275 : i32 to vector<16xi32>
      %eq3A_1277 = arith.cmpi eq, %iota3A, %eq3A_1276 : vector<16xi32>
      %eq3A_1278 = arith.constant 1 : i32
      %eq3A_1279 = vector.broadcast %eq3A_1278 : i32 to vector<16xi32>
      %eq3A_1280 = arith.cmpi eq, %iota3A, %eq3A_1279 : vector<16xi32>
      %jit3A = arith.constant 0.000000e+00 : f32
      %broadcast_in_dim3A_1281 = vector.broadcast %jit3A : f32 to vector<16xf32>
      %select_n3A_1282 = arith.select %eq3A_1280, %select_n3A_1274, %broadcast_in_dim3A_1281 : vector<16xi1>, vector<16xf32>
      %select_n3A_1283 = arith.select %eq3A_1277, %mul3A_1266, %select_n3A_1282 : vector<16xi1>, vector<16xf32>
      %swap3A_1284 = arith.constant 0 : index
      %swap3A_1285 = tpu.vector_load %arg11[%swap3A_1284] {strides = array<i32>} : memref<16xf32, #tpu.memory_space<vmem>>, vector<16xf32>,
      tpu.vector_store %arg11[%swap3A_1284], %select_n3A_1283 {strides = array<i32>} : memref<16xf32, #tpu.memory_space<vmem>>, vector<16xf32>,
      "tpu.region"() ({
        %run_scoped3A = tpu.sem_alloc : memref<!tpu.dma_semaphore, #tpu.memory_space<semaphore_mem>>
        %dma_start3A_1286 = arith.constant 0 : i32
        %dma_start3A_1287 = tpu.memref_slice %arg14[%arg1, %dma_start3A_1286] : memref<8x16xf32, #tpu.memory_space<vmem_shared>> -> memref<1x16xf32, #tpu.memory_space<vmem_shared>>
        %dma_start3A_1288 = tpu.memref_squeeze %dma_start3A_1287 : memref<1x16xf32, #tpu.memory_space<vmem_shared>> -> memref<16xf32, #tpu.memory_space<vmem_shared>>
        %dma_start3A_1289 = arith.constant 0 : i32
        %dma_start3A_1290 = tpu.memref_slice %arg14[%arg1, %dma_start3A_1289] : memref<8x16xf32, #tpu.memory_space<vmem_shared>> -> memref<1x16xf32, #tpu.memory_space<vmem_shared>>
        %dma_start3A_1291 = tpu.memref_squeeze %dma_start3A_1290 : memref<1x16xf32, #tpu.memory_space<vmem_shared>> -> memref<16xf32, #tpu.memory_space<vmem_shared>>
        tpu.enqueue_dma source(%arg11 : memref<16xf32, #tpu.memory_space<vmem>>) target(%dma_start3A_1291 : memref<16xf32, #tpu.memory_space<vmem_shared>>) target_semaphore(%run_scoped3A : memref<!tpu.dma_semaphore, #tpu.memory_space<semaphore_mem>>)
        %dma_wait3A_1292 = arith.constant 0 : i32
        %dma_wait3A_1293 = tpu.memref_slice %arg14[%arg1, %dma_wait3A_1292] : memref<8x16xf32, #tpu.memory_space<vmem_shared>> -> memref<1x16xf32, #tpu.memory_space<vmem_shared>>
        %dma_wait3A_1294 = tpu.memref_squeeze %dma_wait3A_1293 : memref<1x16xf32, #tpu.memory_space<vmem_shared>> -> memref<16xf32, #tpu.memory_space<vmem_shared>>
        %dma_wait3A_1295 = arith.constant 0 : i32
        %dma_wait3A_1296 = tpu.memref_slice %arg14[%arg1, %dma_wait3A_1295] : memref<8x16xf32, #tpu.memory_space<vmem_shared>> -> memref<1x16xf32, #tpu.memory_space<vmem_shared>>
        %dma_wait3A_1297 = tpu.memref_squeeze %dma_wait3A_1296 : memref<1x16xf32, #tpu.memory_space<vmem_shared>> -> memref<16xf32, #tpu.memory_space<vmem_shared>>
        tpu.wait_dma2 semaphore(%run_scoped3A : memref<!tpu.dma_semaphore, #tpu.memory_space<semaphore_mem>>) src(%arg11 : memref<16xf32, #tpu.memory_space<vmem>>) dst(%dma_wait3A_1297 : memref<16xf32, #tpu.memory_space<vmem_shared>>)
        tpu.yield
      }) : () -> ()
    } else {
    }
    %barrier3A = arith.constant 0 : index
    tpu.barrier barrier_id(%barrier3A)
    %eq3A = arith.constant 0 : i32
    %eq3A_2 = arith.cmpi eq, %arg1, %eq3A : i32
    %convert_element_type3A_3 = arith.extui %eq3A_2 : i1 to i32
    %cond3A_4 = arith.constant 0 : i32
    %cond3A_5 = arith.cmpi ne, %convert_element_type3A_3, %cond3A_4 : i32
    scf.if %cond3A_5 {
      "tpu.region"() ({
        %run_scoped3A = tpu.sem_alloc : memref<!tpu.dma_semaphore, #tpu.memory_space<semaphore_mem>>
        tpu.enqueue_dma source(%arg14 : memref<8x16xf32, #tpu.memory_space<vmem_shared>>) target(%arg12 : memref<8x16xf32, #tpu.memory_space<vmem>>) target_semaphore(%run_scoped3A : memref<!tpu.dma_semaphore, #tpu.memory_space<semaphore_mem>>)
        tpu.wait_dma2 semaphore(%run_scoped3A : memref<!tpu.dma_semaphore, #tpu.memory_space<semaphore_mem>>) src(%arg14 : memref<8x16xf32, #tpu.memory_space<vmem_shared>>) dst(%arg12 : memref<8x16xf32, #tpu.memory_space<vmem>>)
        tpu.yield
      }) : () -> ()
      %and3A = arith.constant 7 : i32
      %and3A_6 = vector.broadcast %and3A : i32 to vector<16xi32>
      %and3A_7 = arith.andi %iota3A, %and3A_6 : vector<16xi32>
      %shift_right_arithmetic3A = arith.constant 3 : i32
      %shift_right_arithmetic3A_8 = vector.broadcast %shift_right_arithmetic3A : i32 to vector<16xi32>
      %shift_right_arithmetic3A_9 = arith.shrsi %iota3A, %shift_right_arithmetic3A_8 : vector<16xi32>
      %gather3A = tpu.vector_load_idx %arg12[%and3A_7, %shift_right_arithmetic3A_9] : memref<8x16xf32, #tpu.memory_space<vmem>>[vector<16xi32>, vector<16xi32>], vector<16xf32>,
      %swap3A = arith.constant 0 : index
      %swap3A_10 = tpu.vector_load %arg13[%swap3A] {strides = array<i32>} : memref<16xf32, #tpu.memory_space<vmem>>, vector<16xf32>,
      tpu.vector_store %arg13[%swap3A], %gather3A {strides = array<i32>} : memref<16xf32, #tpu.memory_space<vmem>>, vector<16xf32>,
      %mul3A = arith.constant 8 : i32
      %mul3A_11 = arith.muli %arg0, %mul3A : i32
      "tpu.region"() ({
        %run_scoped3A = tpu.sem_alloc : memref<!tpu.dma_semaphore, #tpu.memory_space<semaphore_mem>>
        %dma_start3A = arith.constant 0 : i32
        %dma_start3A_15 = tpu.memref_slice %arg13[%dma_start3A] : memref<16xf32, #tpu.memory_space<vmem>> -> memref<8xf32, #tpu.memory_space<vmem>>
        %dma_start3A_16 = tpu.memref_slice %arg4[%mul3A_11] : memref<32xf32, #tpu.memory_space<hbm>> -> memref<8xf32, #tpu.memory_space<hbm>>
        %dma_start3A_17 = tpu.memref_slice %arg4[%mul3A_11] : memref<32xf32, #tpu.memory_space<hbm>> -> memref<8xf32, #tpu.memory_space<hbm>>
        %dma_start3A_18 = arith.constant 0 : i32
        %dma_start3A_19 = tpu.memref_slice %arg13[%dma_start3A_18] : memref<16xf32, #tpu.memory_space<vmem>> -> memref<8xf32, #tpu.memory_space<vmem>>
        tpu.enqueue_dma source(%dma_start3A_19 : memref<8xf32, #tpu.memory_space<vmem>>) target(%dma_start3A_17 : memref<8xf32, #tpu.memory_space<hbm>>) target_semaphore(%run_scoped3A : memref<!tpu.dma_semaphore, #tpu.memory_space<semaphore_mem>>)
        %dma_wait3A = arith.constant 0 : i32
        %dma_wait3A_20 = tpu.memref_slice %arg13[%dma_wait3A] : memref<16xf32, #tpu.memory_space<vmem>> -> memref<8xf32, #tpu.memory_space<vmem>>
        %dma_wait3A_21 = tpu.memref_slice %arg4[%mul3A_11] : memref<32xf32, #tpu.memory_space<hbm>> -> memref<8xf32, #tpu.memory_space<hbm>>
        %dma_wait3A_22 = tpu.memref_slice %arg4[%mul3A_11] : memref<32xf32, #tpu.memory_space<hbm>> -> memref<8xf32, #tpu.memory_space<hbm>>
        %dma_wait3A_23 = arith.constant 0 : i32
        %dma_wait3A_24 = tpu.memref_slice %arg13[%dma_wait3A_23] : memref<16xf32, #tpu.memory_space<vmem>> -> memref<8xf32, #tpu.memory_space<vmem>>
        tpu.wait_dma2 semaphore(%run_scoped3A : memref<!tpu.dma_semaphore, #tpu.memory_space<semaphore_mem>>) src(%dma_wait3A_24 : memref<8xf32, #tpu.memory_space<vmem>>) dst(%dma_wait3A_22 : memref<8xf32, #tpu.memory_space<hbm>>)
        tpu.yield
      }) : () -> ()
      %mul3A_12 = arith.constant 8 : i32
      %mul3A_13 = arith.muli %arg0, %mul3A_12 : i32
      %add3A = arith.constant 16 : i32
      %add3A_14 = arith.addi %add3A, %mul3A_13 : i32
      "tpu.region"() ({
        %run_scoped3A = tpu.sem_alloc : memref<!tpu.dma_semaphore, #tpu.memory_space<semaphore_mem>>
        %dma_start3A = arith.constant 8 : i32
        %dma_start3A_15 = tpu.memref_slice %arg13[%dma_start3A] : memref<16xf32, #tpu.memory_space<vmem>> -> memref<8xf32, #tpu.memory_space<vmem>>
        %dma_start3A_16 = tpu.memref_slice %arg4[%add3A_14] : memref<32xf32, #tpu.memory_space<hbm>> -> memref<8xf32, #tpu.memory_space<hbm>>
        %dma_start3A_17 = tpu.memref_slice %arg4[%add3A_14] : memref<32xf32, #tpu.memory_space<hbm>> -> memref<8xf32, #tpu.memory_space<hbm>>
        %dma_start3A_18 = arith.constant 8 : i32
        %dma_start3A_19 = tpu.memref_slice %arg13[%dma_start3A_18] : memref<16xf32, #tpu.memory_space<vmem>> -> memref<8xf32, #tpu.memory_space<vmem>>
        tpu.enqueue_dma source(%dma_start3A_19 : memref<8xf32, #tpu.memory_space<vmem>>) target(%dma_start3A_17 : memref<8xf32, #tpu.memory_space<hbm>>) target_semaphore(%run_scoped3A : memref<!tpu.dma_semaphore, #tpu.memory_space<semaphore_mem>>)
        %dma_wait3A = arith.constant 8 : i32
        %dma_wait3A_20 = tpu.memref_slice %arg13[%dma_wait3A] : memref<16xf32, #tpu.memory_space<vmem>> -> memref<8xf32, #tpu.memory_space<vmem>>
        %dma_wait3A_21 = tpu.memref_slice %arg4[%add3A_14] : memref<32xf32, #tpu.memory_space<hbm>> -> memref<8xf32, #tpu.memory_space<hbm>>
        %dma_wait3A_22 = tpu.memref_slice %arg4[%add3A_14] : memref<32xf32, #tpu.memory_space<hbm>> -> memref<8xf32, #tpu.memory_space<hbm>>
        %dma_wait3A_23 = arith.constant 8 : i32
        %dma_wait3A_24 = tpu.memref_slice %arg13[%dma_wait3A_23] : memref<16xf32, #tpu.memory_space<vmem>> -> memref<8xf32, #tpu.memory_space<vmem>>
        tpu.wait_dma2 semaphore(%run_scoped3A : memref<!tpu.dma_semaphore, #tpu.memory_space<semaphore_mem>>) src(%dma_wait3A_24 : memref<8xf32, #tpu.memory_space<vmem>>) dst(%dma_wait3A_22 : memref<8xf32, #tpu.memory_space<hbm>>)
        tpu.yield
      }) : () -> ()
    } else {
    }
    return
  }
}

</mosaic_0001>

<sc_bundles>
// kernel: kernel.3.cloned.1.call-start
scs
__scs_entry_jumppad:
0x0: {  	(pc) =	sbr.rel $0x88, $3  }
0x1: {  	(tag) =	ssettag $0x0;
	lr =	simm.s32 $0x1  }
0x2: {  	[smem:$0x3F9F] =	sst lr;
	_ =	strace $0xD0000000  }
0x3: {  	_ = 	snop  }
0x4: {  	_ = 	snop  }
0x5: {  	_ = 	snop  }
0x6: {  	_ = 	snop  }
0x7: {  	_ = 	snop  }
__scs_overlays_trampoline_lowered:
0x8: {  	[smem:$0x3FAE] =	sst s0  }
0x9: {  	[smem:$0x3FAF] =	sst s1  }
0xa: {  	[smem:$0x3FB0] =	sst s2  }
0xb: {  	[smem:$0x3FB1] =	sst s3  }
0xc: {  	[smem:$0x3FB2] =	sst s4  }
0xd: {  	[smem:$0x3FB3] =	sst s5  }
0xe: {  	[smem:$0x3FB4] =	sst s6  }
0xf: {  	[smem:$0x3FB5] =	sst s7  }
0x10: {  	[smem:$0x3FB6] =	sst s8  }
0x11: {  	[smem:$0x3FB7] =	sst s9;
	s0 =	simm.s32 @!p0 $0x0  }
0x12: {  	s1 =	sld [smem:$0x3F9D];
	s0 =	simm.s32 @p0 $0x1  }
0x13: {  	[smem:$0x3FB8] =	sst s0;
	s0 =	simm.s32 @!p1 $0x0  }
0x14: {  	s2 =	sld [smem:$0x3F9C];
	s0 =	simm.s32 @p1 $0x1  }
0x15: {  	[smem:$0x3FB9] =	sst s0;
	s0 =	simm.s32 @!p2 $0x0  }
0x16: {  	s3 =	sld [smem:$0x3FDB];
	s0 =	simm.s32 @p2 $0x1  }
0x17: {  	s4 =	simm.s32 $0x1BF5;
	[smem:$0x3FBB] =	sst s0  }
0x18: {  	s0 =	sld [smem:$0x3F9E];
	_ =	swait.ge [sflag:s4], $0x0  }
0x19: {  	s7 =	sld [smem:$0x3F9F]  }
0x1a: {  	s8 =	sadd.s32 $0xFFFFE003, lr  }
0x1b: {  	s9 =	sadd.s32 $0xFFFFFEF7, lr;
	s5 =	simm.s32 $0xFFFFFFFF;
	p2 =	slt.u32 s8, $0xFFFFF086  }
0x1c: {  	p1 =	slt.u32 s9, $0xF7A;
	s5 =	simm.s32 @!p2 $0x0  }
0x1d: {  	s5 =	simm.s32 @p1 $0x1;
	p0 =	seq.s32 s7, s2  }
0x1e: {  	s7 =	smul.u32 @!p0 $0xF7A, s2;
	p2 =	seq.s32 @!p0 s5, $0x0  }
0x1f: {  	s9 =	smul.u32 $0xF7A, s1;
	s8 =	simm.s32 @!p0 $0x1BF5;
	p2 =	por !p2, p0  }
0x20: {  	[sflag:s8] =	ssyncset.s32 @!p0 $0xFFFFF086;
	s6 =	sadd.s32 @!p0 s3, s7;
	s7 =	simm.s32 @!p0 $0x108  }
0x21: {  	s3 =	sadd.s32 s3, s9;
	s6 =	sadd.s32 @!p0 $0x88, s6;
	s7 =	simm.s32 @p2 $0x1082  }
0x22: {  	[simem:s7], [sflag:s8] =	dma.local @!p0 [hbm:s6], $0xF7A  }
0x23: {  	s9 =	sor.u32 $0xD0000000, s2;
	s6 =	simm.s32 $0x108;
	_ =	swait.ge @!p0 [sflag:s8], $0x0  }
0x24: {  	s3 =	sadd.s32 $0x88, s3;
	s6 =	simm.s32 @!p1 $0x1082;
	[sflag:s4] =	ssyncset.s32 $0xFFFFF086  }
0x25: {  	[simem:s6], [sflag:s4] =	dma.local [hbm:s3], $0xF7A  }
0x26: {  	[smem:$0x3F9F] =	sst s1;
	(tag) =	ssettag s2;
	_ =	strace s9  }
0x27: {  	s1 =	sld [smem:$0x3FAF]  }
0x28: {  	s2 =	sld [smem:$0x3FB0]  }
0x29: {  	s4 =	sld [smem:$0x3FB2]  }
0x2a: {  	p0 =	seq.s32 s5, $0x0;
	s5 =	sld [smem:$0x3FB3]  }
0x2b: {  	s6 =	sld [smem:$0x3FB4]  }
0x2c: {  	s7 =	sld [smem:$0x3FB5]  }
0x2d: {  	s3 =	simm.s32 $0x108;
	s8 =	sld [smem:$0x3FB6]  }
0x2e: {  	s3 =	simm.s32 @!p0 $0x1082;
	s9 =	sld [smem:$0x3FB7]  }
0x2f: {  	lr =	sadd.s32 s0, s3;
	s0 =	sld [smem:$0x3FAE]  }
0x30: {  	s3 =	sld [smem:$0x3FB1]  }
0x31: {  	[smem:$0x3FBA] =	sst s10  }
0x32: {  	s10 =	sld [smem:$0x3FB8];
	_ =	sdelay $0x3  }
0x33: {  	p0 =	seq.s32 s10, $0x1;
	s10 =	sld [smem:$0x3FBA];
	_ =	sdelay $0x3  }
0x34: {  	[smem:$0x3FBA] =	sst s10  }
0x35: {  	s10 =	sld [smem:$0x3FB9];
	_ =	sdelay $0x3  }
0x36: {  	p1 =	seq.s32 s10, $0x1;
	s10 =	sld [smem:$0x3FBA];
	_ =	sdelay $0x3  }
0x37: {  	[smem:$0x3FBA] =	sst s10  }
0x38: {  	s10 =	sld [smem:$0x3FBB]  }
0x39: {  	_ = 	snop;
	(pc) =	sbr.ind lr, $3  }
0x3a: {  	_ = 	snop  }
0x3b: {  	_ = 	snop  }
0x3c: {  	p2 =	seq.s32 s10, $0x1;
	s10 =	sld [smem:$0x3FBA]  }
0x3d: {  	_ =	shalt  }
0x3e: {  	_ =	shalt  }
0x3f: {  	_ =	shalt  }
0x40: {  	_ =	shalt  }
0x41: {  	_ =	shalt  }
0x42: {  	_ =	shalt  }
0x43: {  	_ =	shalt  }
0x44: {  	_ =	shalt  }
0x45: {  	_ =	shalt  }
0x46: {  	_ =	shalt  }
0x47: {  	_ =	shalt  }
0x48: {  	_ =	shalt  }
0x49: {  	_ =	shalt  }
0x4a: {  	_ =	shalt  }
0x4b: {  	_ =	shalt  }
0x4c: {  	_ =	shalt  }
0x4d: {  	_ =	shalt  }
0x4e: {  	_ =	shalt  }
0x4f: {  	_ =	shalt  }
0x50: {  	_ =	shalt  }
0x51: {  	_ =	shalt  }
0x52: {  	_ =	shalt  }
0x53: {  	_ =	shalt  }
0x54: {  	_ =	shalt  }
0x55: {  	_ =	shalt  }
0x56: {  	_ =	shalt  }
0x57: {  	_ =	shalt  }
0x58: {  	_ =	shalt  }
0x59: {  	_ =	shalt  }
0x5a: {  	_ =	shalt  }
0x5b: {  	_ =	shalt  }
0x5c: {  	_ =	shalt  }
0x5d: {  	_ =	shalt  }
0x5e: {  	_ =	shalt  }
0x5f: {  	_ =	shalt  }
0x60: {  	_ =	shalt  }
0x61: {  	_ =	shalt  }
0x62: {  	_ =	shalt  }
0x63: {  	_ =	shalt  }
0x64: {  	_ =	shalt  }
0x65: {  	_ =	shalt  }
0x66: {  	_ =	shalt  }
0x67: {  	_ =	shalt  }
0x68: {  	_ =	shalt  }
0x69: {  	_ =	shalt  }
0x6a: {  	_ =	shalt  }
0x6b: {  	_ =	shalt  }
0x6c: {  	_ =	shalt  }
0x6d: {  	_ =	shalt  }
0x6e: {  	_ =	shalt  }
0x6f: {  	_ =	shalt  }
0x70: {  	_ =	shalt  }
0x71: {  	_ =	shalt  }
0x72: {  	_ =	shalt  }
0x73: {  	_ =	shalt  }
0x74: {  	_ =	shalt  }
0x75: {  	_ =	shalt  }
0x76: {  	_ =	shalt  }
0x77: {  	_ =	shalt  }
0x78: {  	_ =	shalt  }
0x79: {  	_ =	shalt  }
0x7a: {  	_ =	shalt  }
0x7b: {  	_ =	shalt  }
0x7c: {  	_ =	shalt  }
0x7d: {  	_ =	shalt  }
0x7e: {  	_ =	shalt  }
0x7f: {  	_ =	shalt  }
0x80: {  	_ =	shalt  }
0x81: {  	_ =	shalt  }
0x82: {  	_ =	shalt  }
0x83: {  	_ =	shalt  }
0x84: {  	_ =	shalt  }
0x85: {  	_ =	shalt  }
0x86: {  	_ =	shalt  }
0x87: {  	_ =	shalt  }
.Lfunc_end0:
.L_simem_size_0:
called_computation_lowered:
.L_overlay_start_0:
0x88: {  	s2 =	sld [smem:$0x3FD9]  }
0x89: {  	s3 =	sld [smem:$0x3FFE];
	_ =	sdelay $0x1  }
0x8a: {  	s1 =	srdreg.scid  }
0x8b: {  	s0 =	sand.u32 $0x1, s1  }
0x8c: {  	s17 =	sshll.u32 s0, $0xA;
	s2 =	sadd.s32 s3, s2  }
0x8d: {  	s2 =	sadd.s32 s2, s17  }
0x8e: {  	[smem:$0x3FC6] =	sst s2  }
0x8f: {  	_ = 	snop  }
0x90: {  	s2 =	sld [smem:$0x3FC9];
	(tm) =	ssettm $0x1  }
0x91: {  	s18 =	sld [smem:$0x3FFB];
	_ =	sdelay $0x3  }
0x92: {  	_ =	strace s18  }
0x93: {  	s3 =	sld [smem:$0x3FFC];
	_ =	sdelay $0x3  }
0x94: {  	_ =	strace s3  }
0x95: {  	s3 =	sld [smem:$0x3FFD];
	_ =	sdelay $0x3  }
0x96: {  	_ =	strace s3  }
0x97: {  	_ =	strace $0x8FFFFFFF  }
0x98: {  	s19 =	sld [smem:$0x3FDB];
	_ =	sdelay $0x1  }
0x99: {  	s4 =	simm.s32 $_scs_section_size  }
0x9a: {  	s5 =	simm.s32 $_size__tile_overlayer_lowered;
	s6 =	simm.s32 $_tile_overlayer_lowered  }
0x9b: {  	s22 =	simm.s32 $0x1BFF;
	s21 =	sshll.u32 s6, $0x1;
	s3 =	sadd.s32 s4, s19  }
0x9c: {  	s7 =	simm.s32 $0x0;
	s20 =	sshll.u32 s5, $0x1;
	s5 =	sadd.s32 s21, s3  }
0x9d: {  	[timem:s7], [sflag:s22] =	dma.local [hbm:s5], s20  }
0x9e: {  	_ =	swait.ge [sflag:s22], s20  }
0x9f: {  	s4 =	ssub.s32 $0x0, s20;
	[sflag:s22] =	ssyncset.done $0x0  }
0xa0: {  	[sflag:s22] =	ssyncadd.s32 s4;
	_ =	sdelay $0x1  }
0xa1: {  	s23 =	simm.s32 $0x1B8B  }
0xa2: {  	_ =	swait.ge [sflag:s23], $0x1  }
0xa3: {  	[sflag:s23] =	ssyncset.done $0x0  }
0xa4: {  	s25 =	simm.s32 $0x1B8E;
	s24 =	sld [smem:$0x3FFE];
	[sflag:s23] =	ssyncadd.s32 $0xFFFFFFFF  }
0xa5: {  	s26 =	simm.s32 $execute0_lowered;
	[smem:$0x3FD2] =	sst s25  }
0xa6: {  	s5 =	sshll.u32 s26, $0x1;
	_ =	strace $0x80000046;
	[dreg:$0x1] =	wrdreg $0xFFFFFFFF  }
0xa7: {  	s28 =	simm.s32 $_size_execute0_lowered;
	s3 =	sadd.s32 s3, s5;
	[dreg:$0x0] =	wrdreg $0x0  }
0xa8: {  	s5 =	sshll.u32 s28, $0x1;
	[dreg:$0x2] =	wrdreg s3  }
0xa9: {  	[dreg:$0x3] =	wrdreg s5  }
0xaa: {  	[dreg:$0x4] =	wrdreg $0xC0  }
0xab: {  	_ =	task [dreg:s7], $0x5FFFF  }
0xac: {  	[dreg:$0x1] =	wrdreg $0xFFFFFFFF  }
0xad: {  	[dreg:$0x0] =	wrdreg $0x60  }
0xae: {  	[dreg:$0x2] =	wrdreg s2  }
0xaf: {  	[dreg:$0x3] =	wrdreg s24  }
0xb0: {  	[dreg:$0x4] =	wrdreg $0x2D600  }
0xb1: {  	[dreg:$0x5] =	wrdreg $0x9  }
0xb2: {  	_ =	task.clear_ibuf [dreg:s7], $0x6FFFF;
	_ =	strace $0x90000046  }
0xb3: {  	s29 =	simm.s32 $0x9;
	_ =	strace $0x80000048  }
0xb4: {  	_ =	swait.ge [sflag:s29], $0x1  }
0xb5: {  	[sflag:s29] =	ssyncadd.s32 $0xFFFFFFFF  }
0xb6: {  	_ =	strace $0x90000048  }
0xb7: {  	_ =	sfence  }
0xb8: {  	s30 =	sld [smem:$0x0];
	_ =	sdelay $0x2  }
0xb9: {  	s31 =	sshll.u32 s1, $0xD;
	s1 =	sshrl.u32 s1, $0x2  }
0xba: {  	s3 =	sand.u32 $0x4000, s31;
	s1 =	sadd.s32 s1, s30  }
0xbb: {  	s0 =	sor.u32 s3, s0;
	s1 =	sshll.u32 s1, $0x11  }
0xbc: {  	s0 =	sor.u32 s1, s0  }
0xbd: {  	s0 =	sadd.s32 $0x8F2B, s0  }
0xbe: {  	[sflag:s0] =	ssyncadd.remote.s32 $0x1  }
0xbf: {  	_ =	sfence.sel $0xFFFF  }
0xc0: {  	[dreg:$0x0] =	wrdreg $0xFFFFFFFF;
	(pc) =	sbr.abs _section_cstart, $3  }
0xc1: {  	[dreg:$0x1] =	wrdreg $0xFFFFFFFF  }
0xc2: {  	_ =	task.clear_ibuf [dreg:s7], $0x2FFFF;
	_ =	strace $0x9FFFFFFF  }
0xc3: {  	(tm) =	ssettm $0x7FFFFFFF  }
tec
execute0_lowered:
.L_overlay_start_1:
0x0: {  	(tag) =	ssettag $0x1  }
0x1: {  	v0 =	vlaneseq.u32  }
0x2: {  	v1 =	vmul.u32 $0x22, v0;
	_ =	sdelay $0x1  }
0x3: {  	v2 =	vadd.s32 $0x220, v1  }
0x4: {  	[tilespmem:$0x1FDA0] =	vst v2;
	v2 =	vor.u32 $0x1, v1  }
0x5: {  	[tilespmem:$0x1FDB0] =	vst v2;
	v2 =	vadd.s32 $0x221, v1  }
0x6: {  	[tilespmem:$0x1FDC0] =	vst v2;
	v2 =	vadd.s32 $0x2, v1  }
0x7: {  	[tilespmem:$0x1FDD0] =	vst v2;
	v2 =	vadd.s32 $0x222, v1  }
0x8: {  	[tilespmem:$0x1FDE0] =	vst v2;
	v2 =	vadd.s32 $0x3, v1  }
0x9: {  	[tilespmem:$0x1FDF0] =	vst v2;
	v2 =	vadd.s32 $0x223, v1  }
0xa: {  	[tilespmem:$0x1FE00] =	vst v2;
	v2 =	vadd.s32 $0x4, v1  }
0xb: {  	[tilespmem:$0x1FE10] =	vst v2;
	v2 =	vadd.s32 $0x224, v1  }
0xc: {  	[tilespmem:$0x1FE20] =	vst v2;
	v2 =	vadd.s32 $0x5, v1  }
0xd: {  	[tilespmem:$0x1FE30] =	vst v2;
	v2 =	vadd.s32 $0x225, v1  }
0xe: {  	[tilespmem:$0x1FE40] =	vst v2;
	v2 =	vadd.s32 $0x6, v1  }
0xf: {  	[tilespmem:$0x1FE50] =	vst v2;
	v2 =	vadd.s32 $0x226, v1  }
0x10: {  	[tilespmem:$0x1FE60] =	vst v2;
	v2 =	vadd.s32 $0x7, v1  }
0x11: {  	[tilespmem:$0x1FE70] =	vst v2;
	v2 =	vadd.s32 $0x227, v1  }
0x12: {  	[tilespmem:$0x1FE80] =	vst v2;
	v2 =	vadd.s32 $0x228, v1  }
0x13: {  	[tilespmem:$0x1FE90] =	vst v2;
	v2 =	vadd.s32 $0x9, v1  }
0x14: {  	[tilespmem:$0x1FEA0] =	vst v2;
	v2 =	vadd.s32 $0x229, v1  }
0x15: {  	[tilespmem:$0x1FEB0] =	vst v2;
	v2 =	vadd.s32 $0xA, v1  }
0x16: {  	[tilespmem:$0x1FEC0] =	vst v2;
	v2 =	vadd.s32 $0x22A, v1  }
0x17: {  	[tilespmem:$0x1FED0] =	vst v2;
	v2 =	vadd.s32 $0xB, v1  }
0x18: {  	[tilespmem:$0x1FEE0] =	vst v2;
	v2 =	vadd.s32 $0x22B, v1  }
0x19: {  	[tilespmem:$0x1FEF0] =	vst v2;
	v2 =	vadd.s32 $0xC, v1  }
0x1a: {  	[tilespmem:$0x1FF00] =	vst v2;
	v2 =	vadd.s32 $0x22C, v1  }
0x1b: {  	[tilespmem:$0x1FF10] =	vst v2;
	v2 =	vadd.s32 $0xD, v1  }
0x1c: {  	[tilespmem:$0x1FF20] =	vst v2;
	v2 =	vadd.s32 $0x22D, v1  }
0x1d: {  	[tilespmem:$0x1FF30] =	vst v2;
	v2 =	vadd.s32 $0xE, v1  }
0x1e: {  	vm0 =	vcmask $0x300;
	v3 =	vimm.f32 $3.200000000e+05;
	[tilespmem:$0x1FF40] =	vst v2;
	v2 =	vadd.s32 $0x22E, v1  }
0x1f: {  	vm1 =	vcmask $0x704;
	v3 =	vsel vm0, $0x48260400, v3;
	[tilespmem:$0x1FF50] =	vst v2;
	v2 =	vadd.s32 $0xF, v1  }
0x20: {  	vm2 =	vcmask $0xB08;
	v3 =	vsel vm1, $0x482FC800, v3;
	[tilespmem:$0x1FF60] =	vst v2;
	v2 =	vadd.s32 $0x22F, v1  }
0x21: {  	v40 =	vadd.s32 $0x14, v1;
	v41 =	vadd.s32 $0x234, v1;
	[tilespmem:$0x1FF70] =	vst v2;
	v2 =	vadd.s32 $0x10, v1  }
0x22: {  	v42 =	vadd.s32 $0x15, v1;
	v43 =	vadd.s32 $0x235, v1;
	[tilespmem:$0x1FF80] =	vst v2;
	v2 =	vadd.s32 $0x230, v1  }
0x23: {  	v44 =	vadd.s32 $0x16, v1;
	v45 =	vadd.s32 $0x236, v1;
	[tilespmem:$0x1FF90] =	vst v2;
	v2 =	vadd.s32 $0x11, v1  }
0x24: {  	v46 =	vadd.s32 $0x17, v1;
	v47 =	vadd.s32 $0x237, v1;
	[tilespmem:$0x1FFA0] =	vst v2;
	v2 =	vadd.s32 $0x231, v1  }
0x25: {  	v48 =	vadd.s32 $0x18, v1;
	v49 =	vadd.s32 $0x238, v1;
	[tilespmem:$0x1FFB0] =	vst v2;
	v2 =	vadd.s32 $0x12, v1  }
0x26: {  	v50 =	vadd.s32 $0x19, v1;
	v51 =	vadd.s32 $0x239, v1;
	[tilespmem:$0x1FFC0] =	vst v2;
	v2 =	vadd.s32 $0x232, v1  }
0x27: {  	v52 =	vadd.s32 $0x1A, v1;
	v53 =	vadd.s32 $0x23A, v1;
	[tilespmem:$0x1FFD0] =	vst v2;
	v2 =	vadd.s32 $0x13, v1  }
0x28: {  	v54 =	vadd.s32 $0x1B, v1;
	v55 =	vadd.s32 $0x23B, v1;
	[tilespmem:$0x1FFE0] =	vst v2;
	v2 =	vadd.s32 $0x233, v1  }
0x29: {  	v56 =	vadd.s32 $0x1C, v1;
	v57 =	vadd.s32 $0x23C, v1;
	[tilespmem:$0x1FFF0] =	vst v2;
	v2 =	vimm.f32 $1.600000000e+05  }
0x2a: {  	v58 =	vadd.s32 $0x1D, v1;
	v59 =	vadd.s32 $0x23D, v1;
	v2 =	vsel vm0, $0x461C4000, v2  }
0x2b: {  	s6 =	rddreg [dreg:$0x0];
	v3 =	vsel vm2, $0x48398C00, v3;
	v60 =	vadd.s32 $0x8, v1;
	v2 =	vsel vm1, $0x469C4000, v2  }
0x2c: {  	s0 =	srdreg.scid;
	s3 =	rddreg [dreg:$0x1];
	v62 =	vadd.s32 $0x1E, v1;
	vm0 =	vcmask $0xF0C;
	v2 =	vsel vm2, $0x46EA6000, v2  }
0x2d: {  	s25 =	stileid.u32;
	s1 =	rddreg [dreg:$0x2];
	s22 =	simm.s32 $0x5C0;
	v4 =	vadd.s32 $0x23F, v1;
	vm1 =	vcmask $0x1310;
	v2 =	vsel vm0, $0x471C4000, v2  }
0x2e: {  	s24 =	simm.s32 $0x22A0;
	s29 =	simm.s32 $0x640;
	s30 =	simm.s32 $0x2AA0;
	v3 =	vsel vm0, $0x48435000, v3;
	vm2 =	vcmask $0x1714;
	v2 =	vsel vm1, $0x47435000, v2  }
0x2f: {  	s8 =	sand.u32 $0x1, s0;
	s26 =	sshll.u32 s25, $0x4;
	p0 =	slt.u32 s25, $0x8;
	v3 =	vsel vm1, $0x484D1400, v3;
	vm0 =	vcmask $0x1B18;
	v2 =	vsel vm2, $0x476A6000, v2  }
0x30: {  	p1 =	sne.s32 s25, $0x0;
	s0 =	simm.s32 $0x2CA0;
	s2 =	sshll.u32 s8, $0x3;
	v3 =	vsel vm2, $0x4856D800, v3;
	vm1 =	vcmask $0x1F1C;
	v2 =	vsel vm0, $0x4788B800, v2  }
0x31: {  	s16 =	sadd.s32 s26, s1;
	s26 =	simm.s32 $0x26A0;
	s4 =	sadd.s32 s25, s2;
	v3 =	vsel vm0, $0x48609C00, v3;
	vm2 =	vcmask $0x2320;
	v2 =	vsel vm1, $0x479C4000, v2  }
0x32: {  	s2 =	simm.s32 $0x0;
	s25 =	simm.s32 $0x600;
	s5 =	smul.u32 $0x88, s4;
	v3 =	vsel vm1, $0x486A6000, v3;
	vm0 =	vcmask $0x2724;
	v2 =	vsel vm2, $0x47AFC800, v2  }
0x33: {  	s7 =	sadd.s32 s8, s3;
	[smem:$0x7FF] =	sst s2;
	s9 =	sshll.u32 s4, $0xD;
	v3 =	vsel vm2, $0x48742400, v3;
	vm1 =	vcmask $0x2B28;
	v2 =	vsel vm0, $0x47C35000, v2  }
0x34: {  	s21 =	simm.s32 $0x2;
	s4 =	sadd.s32 $0xE00, s7;
	s15 =	sadd.s32 s6, s9;
	v3 =	vsel vm0, $0x487DE800, v3;
	vm2 =	vcmask $0x2F2C;
	v2 =	vsel vm1, $0x47D6D800, v2  }
.Ltmp0:
0x35: {  	s6 =	simm.s32 $0x2CC0;
	s5 =	sadd.s32 s5, s3;
	v3 =	vsel vm1, $0x4883D600, v3;
	vm0 =	vcmask $0x3330;
	v2 =	vsel vm2, $0x47EA6000, v2;
	(pc) =	sbr.rel .LBB2_1-.Ltmp0, $4  }
0x36: {  	s23 =	simm.s32 $0x40;
	s8 =	ssub.s32 $0x2, s8;
	s3 =	sadd.s32 $0x400, s5;
	v3 =	vsel vm2, $0x4888B800, v3;
	vm1 =	vcmask $0x3734;
	v2 =	vsel vm0, $0x47FDE800, v2  }
0x37: {  	s28 =	simm.s32 $0x20;
	s10 =	sshrl.u32 s8, $0x1;
	s5 =	sadd.s32 $0xE02, s7;
	v3 =	vsel vm0, $0x488D9A00, v3;
	vm2 =	vcmask $0x3B38;
	v2 =	vsel vm1, $0x4808B800, v2  }
0x38: {  	s31 =	simm.s32 $0x1;
	s8 =	ssub.s32 s8, s10;
	s7 =	simm.s32 $0xAA0;
	vm0 =	vcmask $0x3F08;
	v61 =	vsel vm2, $0x48127C00, v2;
	v2 =	vsel vm1, $0x48927C00, v3  }
0x39: {  	s18 =	smax.u32 s8, $0x1;
	s8 =	simm.s32 $0x0;
	_ =	strace $0x80000047;
	v3 =	vadd.s32 $0x1F, v1;
	v63 =	vsel vm2, $0x48975E00, v2;
	v2 =	vadd.s32 $0x23E, v1  }
.LBB2_2:
0x3a: {  	[bflag:$0x0] =	sbarrier.arrive $0xFFFF  }
.LBB2_8:
0x3b: {  	s8 =	sadd.s32 $0x1, s8  }
0x3c: {  	p2 =	sne.s32 s8, s18  }
.Ltmp1:
0x3d: {  	_ = 	snop;
	(pc) =	sbr.rel @!p2 .LBB2_9-.Ltmp1, $1  }
0x3e: {  	_ =	sdelay $0x3  }
.LBB2_1:
.Ltmp2:
0x3f: {  	(pc) =	sbr.rel @!p0 .LBB2_2-.Ltmp2, $1  }
0x40: {  	_ =	sdelay $0x3  }
0x41: {  	[tilespmem:s2], [sflag:$0x2] =	stream.linear.gather [hbm4b:s3+s2], $0x440, $0x38;
	[tilespmem:$0x2D68] =	vst v63  }
0x42: {  	_ =	swait.ge [sflag:s21], $0x440  }
0x43: {  	v6 =	vld [tilespmem:$0x1FDA0]  }
0x44: {  	v8 =	vld [tilespmem:$0x1FDC0]  }
0x45: {  	v7 =	vld [tilespmem:$0x1FDB0];
	_ =	sdelay $0x2  }
0x46: {  	[sflag:s21] =	ssyncset.done $0x0  }
0x47: {  	[sflag:s21] =	ssyncadd.s32 $0xFFFFFBC0  }
0x48: {  	v5 =	vld.idx.msk [tilespmem:v1+s2+$0x0], $0xffff  }
0x49: {  	v6 =	vld.idx.msk [tilespmem:v6+s2+$0x0], $0xffff  }
0x4a: {  	v8 =	vld.idx.msk [tilespmem:v8+s2+$0x0], $0xffff  }
0x4b: {  	v7 =	vld.idx.msk [tilespmem:v7+s2+$0x0], $0xffff;
	_ =	sdelay $0x1  }
0x4c: {  	v9 =	vshra.s32 v5, $0x4;
	v5 =	vand.u32 $0xF, v5  }
0x4d: {  	[tilespmem:$0x660] =	vst v5;
	v5 =	vand.u32 $0xF, v6  }
0x4e: {  	[tilespmem:$0x670] =	vst v5;
	v5 =	vcvt.s32.f32 v8  }
0x4f: {  	[tilespmem:$0x440] =	vst v9;
	v9 =	vshra.s32 v6, $0x4;
	v6 =	vcvt.s32.f32 v7  }
0x50: {  	[tilespmem:$0x890] =	vst v5;
	v5 =	vld [tilespmem:$0x1FDD0]  }
0x51: {  	[tilespmem:$0x880] =	vst v6;
	v6 =	vld [tilespmem:$0x1FDE0]  }
0x52: {  	v8 =	vld [tilespmem:$0x1FE00]  }
0x53: {  	v7 =	vld [tilespmem:$0x1FDF0];
	_ =	sdelay $0x3  }
0x54: {  	[tilespmem:$0x450] =	vst v9  }
0x55: {  	v5 =	vld.idx.msk [tilespmem:v5+s2+$0x0], $0xffff  }
0x56: {  	v6 =	vld.idx.msk [tilespmem:v6+s2+$0x0], $0xffff  }
0x57: {  	v8 =	vld.idx.msk [tilespmem:v8+s2+$0x0], $0xffff  }
0x58: {  	v7 =	vld.idx.msk [tilespmem:v7+s2+$0x0], $0xffff;
	_ =	sdelay $0x1  }
0x59: {  	v9 =	vshra.s32 v5, $0x4;
	v5 =	vand.u32 $0xF, v5  }
0x5a: {  	[tilespmem:$0x680] =	vst v5;
	v5 =	vand.u32 $0xF, v6  }
0x5b: {  	[tilespmem:$0x690] =	vst v5;
	v5 =	vcvt.s32.f32 v8  }
0x5c: {  	[tilespmem:$0x460] =	vst v9;
	v9 =	vshra.s32 v6, $0x4;
	v6 =	vcvt.s32.f32 v7  }
0x5d: {  	[tilespmem:$0x8B0] =	vst v5;
	v5 =	vld [tilespmem:$0x1FE10]  }
0x5e: {  	[tilespmem:$0x8A0] =	vst v6;
	v6 =	vld [tilespmem:$0x1FE20]  }
0x5f: {  	v8 =	vld [tilespmem:$0x1FE40];
	_ =	sdelay $0x1  }
0x60: {  	v7 =	vld [tilespmem:$0x1FE30];
	_ =	sdelay $0x1  }
0x61: {  	s1 =	simm.s32 $0x440;
	[tilespmem:$0x470] =	vst v9  }
0x62: {  	[tilespmem:s7], [sflag:$0x1] =	stream.indirect.gather [hbm4b:s15+s23], $0x10, s1, s23, $0xb8;
	[tilespmem:$0x2D68] =	vst v63  }
0x63: {  	v5 =	vld.idx.msk [tilespmem:v5+s2+$0x0], $0xffff  }
0x64: {  	v6 =	vld.idx.msk [tilespmem:v6+s2+$0x0], $0xffff  }
0x65: {  	v8 =	vld.idx.msk [tilespmem:v8+s2+$0x0], $0xffff;
	_ =	sdelay $0x1  }
0x66: {  	v7 =	vld.idx.msk [tilespmem:v7+s2+$0x0], $0xffff  }
0x67: {  	v9 =	vshra.s32 v5, $0x4;
	v5 =	vand.u32 $0xF, v5  }
0x68: {  	[tilespmem:$0x6A0] =	vst v5;
	v5 =	vand.u32 $0xF, v6  }
0x69: {  	[tilespmem:$0x6B0] =	vst v5;
	v5 =	vcvt.s32.f32 v8  }
0x6a: {  	[tilespmem:$0x480] =	vst v9  }
0x6b: {  	v9 =	vshra.s32 v6, $0x4;
	v6 =	vcvt.s32.f32 v7;
	[tilespmem:$0x8D0] =	vst v5;
	v5 =	vld [tilespmem:$0x1FE50]  }
0x6c: {  	v7 =	vld [tilespmem:$0x1FE70]  }
0x6d: {  	[tilespmem:$0x8C0] =	vst v6;
	v6 =	vld [tilespmem:$0x1FE60];
	_ =	sdelay $0x2  }
0x6e: {  	v8 =	vld [tilespmem:$0x1FE80];
	_ =	sdelay $0x1  }
0x6f: {  	[tilespmem:$0x490] =	vst v9  }
0x70: {  	v5 =	vld.idx.msk [tilespmem:v5+s2+$0x0], $0xffff  }
0x71: {  	v7 =	vld.idx.msk [tilespmem:v7+s2+$0x0], $0xffff  }
0x72: {  	v6 =	vld.idx.msk [tilespmem:v6+s2+$0x0], $0xffff;
	_ =	sdelay $0x2  }
0x73: {  	v8 =	vld.idx.msk [tilespmem:v8+s2+$0x0], $0xffff;
	v9 =	vshra.s32 v5, $0x4  }
0x74: {  	v5 =	vand.u32 $0xF, v5;
	[tilespmem:$0x4A0] =	vst v9  }
0x75: {  	v9 =	vshra.s32 v6, $0x4;
	[tilespmem:$0x6C0] =	vst v5;
	v5 =	vand.u32 $0xF, v6;
	v6 =	vcvt.s32.f32 v7;
	_ =	sdelay $0x1  }
0x76: {  	[tilespmem:$0x8E0] =	vst v6;
	v6 =	vld [tilespmem:$0x1FE90]  }
0x77: {  	[tilespmem:$0x6D0] =	vst v5;
	v5 =	vcvt.s32.f32 v8;
	v8 =	vld [tilespmem:$0x1FEB0]  }
0x78: {  	v7 =	vld [tilespmem:$0x1FEA0];
	_ =	sdelay $0x1  }
0x79: {  	[tilespmem:$0x4B0] =	vst v9  }
0x7a: {  	s13 =	simm.s32 $0x480;
	s9 =	simm.s32 $0xEA0;
	[tilespmem:$0x8F0] =	vst v5  }
0x7b: {  	[tilespmem:s9], [sflag:$0x1] =	stream.indirect.gather [hbm4b:s15+s23], $0x10, s13, s23, $0xb8;
	[tilespmem:$0x2D68] =	vst v63  }
0x7c: {  	v5 =	vld.idx.msk [tilespmem:v60+s2+$0x0], $0xffff  }
0x7d: {  	v6 =	vld.idx.msk [tilespmem:v6+s2+$0x0], $0xffff  }
0x7e: {  	v8 =	vld.idx.msk [tilespmem:v8+s2+$0x0], $0xffff  }
0x7f: {  	v7 =	vld.idx.msk [tilespmem:v7+s2+$0x0], $0xffff;
	_ =	sdelay $0x1  }
0x80: {  	v9 =	vshra.s32 v5, $0x4;
	v5 =	vand.u32 $0xF, v5  }
0x81: {  	[tilespmem:$0x6E0] =	vst v5;
	v5 =	vand.u32 $0xF, v6  }
0x82: {  	[tilespmem:$0x6F0] =	vst v5;
	v5 =	vcvt.s32.f32 v8  }
0x83: {  	[tilespmem:$0x4C0] =	vst v9;
	v9 =	vshra.s32 v6, $0x4;
	v6 =	vcvt.s32.f32 v7  }
0x84: {  	[tilespmem:$0x910] =	vst v5;
	v5 =	vld [tilespmem:$0x1FEC0]  }
0x85: {  	[tilespmem:$0x900] =	vst v6;
	v6 =	vld [tilespmem:$0x1FED0]  }
0x86: {  	v8 =	vld [tilespmem:$0x1FEF0]  }
0x87: {  	v7 =	vld [tilespmem:$0x1FEE0];
	_ =	sdelay $0x3  }
0x88: {  	[tilespmem:$0x4D0] =	vst v9  }
0x89: {  	v5 =	vld.idx.msk [tilespmem:v5+s2+$0x0], $0xffff  }
0x8a: {  	v6 =	vld.idx.msk [tilespmem:v6+s2+$0x0], $0xffff  }
0x8b: {  	v8 =	vld.idx.msk [tilespmem:v8+s2+$0x0], $0xffff  }
0x8c: {  	v7 =	vld.idx.msk [tilespmem:v7+s2+$0x0], $0xffff;
	_ =	sdelay $0x1  }
0x8d: {  	v9 =	vshra.s32 v5, $0x4;
	v5 =	vand.u32 $0xF, v5  }
0x8e: {  	[tilespmem:$0x700] =	vst v5;
	v5 =	vand.u32 $0xF, v6  }
0x8f: {  	[tilespmem:$0x710] =	vst v5;
	v5 =	vcvt.s32.f32 v8  }
0x90: {  	[tilespmem:$0x4E0] =	vst v9;
	v9 =	vshra.s32 v6, $0x4;
	v6 =	vcvt.s32.f32 v7  }
0x91: {  	[tilespmem:$0x930] =	vst v5;
	v5 =	vld [tilespmem:$0x1FF00]  }
0x92: {  	[tilespmem:$0x920] =	vst v6;
	v6 =	vld [tilespmem:$0x1FF10]  }
0x93: {  	v8 =	vld [tilespmem:$0x1FF30]  }
0x94: {  	v7 =	vld [tilespmem:$0x1FF20];
	_ =	sdelay $0x2  }
0x95: {  	s14 =	simm.s32 $0x4C0;
	s17 =	simm.s32 $0x12A0;
	[tilespmem:$0x4F0] =	vst v9  }
0x96: {  	[tilespmem:s17], [sflag:$0x1] =	stream.indirect.gather [hbm4b:s15+s23], $0x10, s14, s23, $0xb8;
	[tilespmem:$0x2D68] =	vst v63  }
0x97: {  	v5 =	vld.idx.msk [tilespmem:v5+s2+$0x0], $0xffff  }
0x98: {  	v6 =	vld.idx.msk [tilespmem:v6+s2+$0x0], $0xffff  }
0x99: {  	v8 =	vld.idx.msk [tilespmem:v8+s2+$0x0], $0xffff  }
0x9a: {  	v7 =	vld.idx.msk [tilespmem:v7+s2+$0x0], $0xffff;
	_ =	sdelay $0x1  }
0x9b: {  	v9 =	vshra.s32 v5, $0x4;
	v5 =	vand.u32 $0xF, v5  }
0x9c: {  	[tilespmem:$0x720] =	vst v5;
	v5 =	vand.u32 $0xF, v6  }
0x9d: {  	[tilespmem:$0x730] =	vst v5;
	v5 =	vcvt.s32.f32 v8  }
0x9e: {  	[tilespmem:$0x500] =	vst v9;
	v9 =	vshra.s32 v6, $0x4;
	v6 =	vcvt.s32.f32 v7  }
0x9f: {  	[tilespmem:$0x950] =	vst v5;
	v5 =	vld [tilespmem:$0x1FF40]  }
0xa0: {  	[tilespmem:$0x940] =	vst v6;
	v6 =	vld [tilespmem:$0x1FF50]  }
0xa1: {  	v8 =	vld [tilespmem:$0x1FF70]  }
0xa2: {  	v7 =	vld [tilespmem:$0x1FF60];
	_ =	sdelay $0x3  }
0xa3: {  	[tilespmem:$0x510] =	vst v9  }
0xa4: {  	v5 =	vld.idx.msk [tilespmem:v5+s2+$0x0], $0xffff  }
0xa5: {  	v6 =	vld.idx.msk [tilespmem:v6+s2+$0x0], $0xffff  }
0xa6: {  	v8 =	vld.idx.msk [tilespmem:v8+s2+$0x0], $0xffff  }
0xa7: {  	v7 =	vld.idx.msk [tilespmem:v7+s2+$0x0], $0xffff;
	_ =	sdelay $0x1  }
0xa8: {  	v9 =	vshra.s32 v5, $0x4;
	v5 =	vand.u32 $0xF, v5  }
0xa9: {  	[tilespmem:$0x740] =	vst v5;
	v5 =	vand.u32 $0xF, v6  }
0xaa: {  	[tilespmem:$0x750] =	vst v5;
	v5 =	vcvt.s32.f32 v8  }
0xab: {  	[tilespmem:$0x520] =	vst v9;
	v9 =	vshra.s32 v6, $0x4;
	v6 =	vcvt.s32.f32 v7  }
0xac: {  	[tilespmem:$0x970] =	vst v5;
	v5 =	vld [tilespmem:$0x1FF80]  }
0xad: {  	[tilespmem:$0x960] =	vst v6;
	v6 =	vld [tilespmem:$0x1FF90]  }
0xae: {  	v8 =	vld [tilespmem:$0x1FFB0];
	_ =	sdelay $0x1  }
0xaf: {  	v7 =	vld [tilespmem:$0x1FFA0];
	_ =	sdelay $0x1  }
0xb0: {  	s19 =	simm.s32 $0x500;
	s20 =	simm.s32 $0x16A0;
	[tilespmem:$0x530] =	vst v9  }
0xb1: {  	[tilespmem:s20], [sflag:$0x1] =	stream.indirect.gather [hbm4b:s15+s23], $0x10, s19, s23, $0xb8;
	[tilespmem:$0x2D68] =	vst v63  }
0xb2: {  	v5 =	vld.idx.msk [tilespmem:v5+s2+$0x0], $0xffff  }
0xb3: {  	v6 =	vld.idx.msk [tilespmem:v6+s2+$0x0], $0xffff  }
0xb4: {  	v8 =	vld.idx.msk [tilespmem:v8+s2+$0x0], $0xffff;
	_ =	sdelay $0x1  }
0xb5: {  	v7 =	vld.idx.msk [tilespmem:v7+s2+$0x0], $0xffff  }
0xb6: {  	v9 =	vshra.s32 v5, $0x4;
	v5 =	vand.u32 $0xF, v5  }
0xb7: {  	[tilespmem:$0x760] =	vst v5;
	v5 =	vand.u32 $0xF, v6  }
0xb8: {  	[tilespmem:$0x770] =	vst v5;
	v5 =	vcvt.s32.f32 v8  }
0xb9: {  	[tilespmem:$0x540] =	vst v9  }
0xba: {  	v9 =	vshra.s32 v6, $0x4;
	v6 =	vcvt.s32.f32 v7;
	[tilespmem:$0x990] =	vst v5;
	v5 =	vld [tilespmem:$0x1FFC0];
	_ =	sdelay $0x1  }
0xbb: {  	[tilespmem:$0x980] =	vst v6;
	v6 =	vld [tilespmem:$0x1FFD0]  }
0xbc: {  	v7 =	vld [tilespmem:$0x1FFE0]  }
0xbd: {  	v8 =	vld [tilespmem:$0x1FFF0];
	_ =	sdelay $0x2  }
0xbe: {  	[tilespmem:$0x550] =	vst v9  }
0xbf: {  	v5 =	vld.idx.msk [tilespmem:v5+s2+$0x0], $0xffff;
	_ =	sdelay $0x1  }
0xc0: {  	v6 =	vld.idx.msk [tilespmem:v6+s2+$0x0], $0xffff  }
0xc1: {  	v7 =	vld.idx.msk [tilespmem:v7+s2+$0x0], $0xffff  }
0xc2: {  	v8 =	vld.idx.msk [tilespmem:v8+s2+$0x0], $0xffff  }
0xc3: {  	v9 =	vshra.s32 v5, $0x4  }
0xc4: {  	v5 =	vand.u32 $0xF, v5;
	[tilespmem:$0x560] =	vst v9  }
0xc5: {  	v9 =	vshra.s32 v6, $0x4;
	[tilespmem:$0x780] =	vst v5  }
0xc6: {  	v5 =	vand.u32 $0xF, v6;
	v6 =	vcvt.s32.f32 v7;
	[tilespmem:$0x570] =	vst v9  }
0xc7: {  	[tilespmem:$0x790] =	vst v5;
	v5 =	vcvt.s32.f32 v8  }
0xc8: {  	[tilespmem:$0x9A0] =	vst v6  }
0xc9: {  	s10 =	simm.s32 $0x1AA0;
	s9 =	simm.s32 $0x540;
	[tilespmem:$0x9B0] =	vst v5  }
0xca: {  	[tilespmem:s10], [sflag:$0x1] =	stream.indirect.gather [hbm4b:s15+s23], $0x10, s9, s23, $0xb8;
	[tilespmem:$0x2D68] =	vst v63  }
0xcb: {  	v5 =	vld.idx.msk [tilespmem:v40+s2+$0x0], $0xffff;
	_ =	sdelay $0x1  }
0xcc: {  	v6 =	vld.idx.msk [tilespmem:v41+s2+$0x0], $0xffff  }
0xcd: {  	v7 =	vld.idx.msk [tilespmem:v42+s2+$0x0], $0xffff  }
0xce: {  	v8 =	vld.idx.msk [tilespmem:v43+s2+$0x0], $0xffff  }
0xcf: {  	v9 =	vshra.s32 v5, $0x4  }
0xd0: {  	v5 =	vand.u32 $0xF, v5;
	[tilespmem:$0x580] =	vst v9  }
0xd1: {  	v9 =	vshra.s32 v6, $0x4;
	[tilespmem:$0x7A0] =	vst v5  }
0xd2: {  	v5 =	vand.u32 $0xF, v6;
	v6 =	vcvt.s32.f32 v7;
	[tilespmem:$0x590] =	vst v9  }
0xd3: {  	[tilespmem:$0x7B0] =	vst v5;
	v5 =	vcvt.s32.f32 v8  }
0xd4: {  	[tilespmem:$0x9C0] =	vst v6  }
0xd5: {  	[tilespmem:$0x9D0] =	vst v5  }
0xd6: {  	v5 =	vld.idx.msk [tilespmem:v44+s2+$0x0], $0xffff;
	_ =	sdelay $0x1  }
0xd7: {  	v6 =	vld.idx.msk [tilespmem:v45+s2+$0x0], $0xffff  }
0xd8: {  	v7 =	vld.idx.msk [tilespmem:v46+s2+$0x0], $0xffff  }
0xd9: {  	v8 =	vld.idx.msk [tilespmem:v47+s2+$0x0], $0xffff  }
0xda: {  	v9 =	vshra.s32 v5, $0x4  }
0xdb: {  	v5 =	vand.u32 $0xF, v5;
	[tilespmem:$0x5A0] =	vst v9  }
0xdc: {  	v9 =	vshra.s32 v6, $0x4;
	[tilespmem:$0x7C0] =	vst v5  }
0xdd: {  	v5 =	vand.u32 $0xF, v6;
	v6 =	vcvt.s32.f32 v7;
	[tilespmem:$0x5B0] =	vst v9  }
0xde: {  	[tilespmem:$0x7D0] =	vst v5;
	v5 =	vcvt.s32.f32 v8  }
0xdf: {  	[tilespmem:$0x9E0] =	vst v6  }
0xe0: {  	s11 =	simm.s32 $0x580;
	s12 =	simm.s32 $0x1EA0;
	[tilespmem:$0x9F0] =	vst v5  }
0xe1: {  	[tilespmem:s12], [sflag:$0x1] =	stream.indirect.gather [hbm4b:s15+s23], $0x10, s11, s23, $0xb8;
	[tilespmem:$0x2D68] =	vst v63  }
0xe2: {  	v5 =	vld.idx.msk [tilespmem:v48+s2+$0x0], $0xffff;
	_ =	sdelay $0x1  }
0xe3: {  	v6 =	vld.idx.msk [tilespmem:v49+s2+$0x0], $0xffff  }
0xe4: {  	v7 =	vld.idx.msk [tilespmem:v50+s2+$0x0], $0xffff  }
0xe5: {  	v8 =	vld.idx.msk [tilespmem:v51+s2+$0x0], $0xffff  }
0xe6: {  	v9 =	vshra.s32 v5, $0x4  }
0xe7: {  	v5 =	vand.u32 $0xF, v5;
	[tilespmem:$0x5C0] =	vst v9  }
0xe8: {  	v9 =	vshra.s32 v6, $0x4;
	[tilespmem:$0x7E0] =	vst v5  }
0xe9: {  	v5 =	vand.u32 $0xF, v6;
	v6 =	vcvt.s32.f32 v7;
	[tilespmem:$0x5D0] =	vst v9  }
0xea: {  	[tilespmem:$0x7F0] =	vst v5;
	v5 =	vcvt.s32.f32 v8  }
0xeb: {  	[tilespmem:$0xA00] =	vst v6  }
0xec: {  	[tilespmem:$0xA10] =	vst v5  }
0xed: {  	v5 =	vld.idx.msk [tilespmem:v52+s2+$0x0], $0xffff;
	_ =	sdelay $0x1  }
0xee: {  	v6 =	vld.idx.msk [tilespmem:v53+s2+$0x0], $0xffff  }
0xef: {  	v7 =	vld.idx.msk [tilespmem:v54+s2+$0x0], $0xffff  }
0xf0: {  	v8 =	vld.idx.msk [tilespmem:v55+s2+$0x0], $0xffff  }
0xf1: {  	v9 =	vshra.s32 v5, $0x4  }
0xf2: {  	v5 =	vand.u32 $0xF, v5;
	[tilespmem:$0x5E0] =	vst v9  }
0xf3: {  	v9 =	vshra.s32 v6, $0x4;
	[tilespmem:$0x800] =	vst v5  }
0xf4: {  	v5 =	vand.u32 $0xF, v6;
	v6 =	vcvt.s32.f32 v7;
	[tilespmem:$0x5F0] =	vst v9  }
0xf5: {  	[tilespmem:$0x810] =	vst v5;
	v5 =	vcvt.s32.f32 v8  }
0xf6: {  	[tilespmem:$0xA20] =	vst v6  }
0xf7: {  	[tilespmem:$0xA30] =	vst v5  }
0xf8: {  	[tilespmem:s24], [sflag:$0x1] =	stream.indirect.gather [hbm4b:s15+s23], $0x10, s22, s23, $0xb8;
	[tilespmem:$0x2D68] =	vst v63  }
0xf9: {  	v5 =	vld.idx.msk [tilespmem:v56+s2+$0x0], $0xffff;
	_ =	sdelay $0x1  }
0xfa: {  	v6 =	vld.idx.msk [tilespmem:v57+s2+$0x0], $0xffff  }
0xfb: {  	v7 =	vld.idx.msk [tilespmem:v58+s2+$0x0], $0xffff  }
0xfc: {  	v8 =	vld.idx.msk [tilespmem:v59+s2+$0x0], $0xffff  }
0xfd: {  	v9 =	vshra.s32 v5, $0x4  }
0xfe: {  	v5 =	vand.u32 $0xF, v5;
	[tilespmem:$0x600] =	vst v9  }
0xff: {  	v9 =	vshra.s32 v6, $0x4;
	[tilespmem:$0x820] =	vst v5  }
0x100: {  	v5 =	vand.u32 $0xF, v6;
	v6 =	vcvt.s32.f32 v7;
	[tilespmem:$0x610] =	vst v9  }
0x101: {  	[tilespmem:$0x830] =	vst v5;
	v5 =	vcvt.s32.f32 v8  }
0x102: {  	[tilespmem:$0xA40] =	vst v6  }
0x103: {  	[tilespmem:$0xA50] =	vst v5  }
0x104: {  	v5 =	vld.idx.msk [tilespmem:v62+s2+$0x0], $0xffff;
	_ =	sdelay $0x1  }
0x105: {  	v6 =	vld.idx.msk [tilespmem:v2+s2+$0x0], $0xffff  }
0x106: {  	v7 =	vld.idx.msk [tilespmem:v3+s2+$0x0], $0xffff  }
0x107: {  	v8 =	vld.idx.msk [tilespmem:v4+s2+$0x0], $0xffff  }
0x108: {  	v9 =	vshra.s32 v5, $0x4  }
0x109: {  	v5 =	vand.u32 $0xF, v5;
	[tilespmem:$0x620] =	vst v9  }
0x10a: {  	v9 =	vshra.s32 v6, $0x4;
	[tilespmem:$0x840] =	vst v5  }
0x10b: {  	v5 =	vand.u32 $0xF, v6;
	v6 =	vcvt.s32.f32 v7;
	v7 =	vadd.s32 $0x20, v1;
	[tilespmem:$0x630] =	vst v9  }
0x10c: {  	[tilespmem:$0x850] =	vst v5;
	v5 =	vcvt.s32.f32 v8  }
0x10d: {  	v8 =	vadd.s32 $0x240, v1;
	[tilespmem:$0xA60] =	vst v6  }
0x10e: {  	v6 =	vadd.s32 $0x241, v1;
	[tilespmem:$0xA70] =	vst v5  }
0x10f: {  	v5 =	vadd.s32 $0x21, v1;
	[tilespmem:s26], [sflag:$0x1] =	stream.indirect.gather [hbm4b:s15+s23], $0x10, s25, s23, $0xb8;
	[tilespmem:$0x2D68] =	vst v63  }
0x110: {  	v7 =	vld.idx.msk [tilespmem:v7+s2+$0x0], $0xffff;
	_ =	sdelay $0x1  }
0x111: {  	v8 =	vld.idx.msk [tilespmem:v8+s2+$0x0], $0xffff  }
0x112: {  	v6 =	vld.idx.msk [tilespmem:v6+s2+$0x0], $0xffff  }
0x113: {  	v5 =	vld.idx.msk [tilespmem:v5+s2+$0x0], $0xffff  }
0x114: {  	v9 =	vshra.s32 v7, $0x4  }
0x115: {  	v7 =	vand.u32 $0xF, v7;
	[tilespmem:$0x640] =	vst v9  }
0x116: {  	v9 =	vshra.s32 v8, $0x4;
	[tilespmem:$0x860] =	vst v7  }
0x117: {  	v7 =	vand.u32 $0xF, v8;
	[tilespmem:$0x650] =	vst v9;
	v6 =	vcvt.s32.f32 v6  }
0x118: {  	[tilespmem:$0x870] =	vst v7;
	v5 =	vcvt.s32.f32 v5  }
0x119: {  	[tilespmem:$0xA90] =	vst v6  }
0x11a: {  	[tilespmem:$0xA80] =	vst v5  }
0x11b: {  	[tilespmem:s30], [sflag:$0x1] =	stream.indirect.gather [hbm4b:s15+s28], $0x10, s29, s28, $0xb8;
	[tilespmem:$0x2D68] =	vst v63  }
0x11c: {  	_ =	swait.ge [sflag:s31], $0x400  }
0x11d: {  	[sflag:s31] =	ssyncset.done $0x0  }
0x11e: {  	[sflag:s31] =	ssyncadd.s32 $0xFFFFFC00  }
0x11f: {  	_ =	swait.ge [sflag:s31], $0x400  }
0x120: {  	[sflag:s31] =	ssyncset.done $0x0  }
0x121: {  	[sflag:s31] =	ssyncadd.s32 $0xFFFFFC00  }
0x122: {  	_ =	swait.ge [sflag:s31], $0x400  }
0x123: {  	[sflag:s31] =	ssyncset.done $0x0  }
0x124: {  	[sflag:s31] =	ssyncadd.s32 $0xFFFFFC00  }
0x125: {  	_ =	swait.ge [sflag:s31], $0x400  }
0x126: {  	[sflag:s31] =	ssyncset.done $0x0  }
0x127: {  	[sflag:s31] =	ssyncadd.s32 $0xFFFFFC00  }
0x128: {  	_ =	swait.ge [sflag:s31], $0x400  }
0x129: {  	[sflag:s31] =	ssyncset.done $0x0  }
0x12a: {  	[sflag:s31] =	ssyncadd.s32 $0xFFFFFC00  }
0x12b: {  	_ =	swait.ge [sflag:s31], $0x400  }
0x12c: {  	[sflag:s31] =	ssyncset.done $0x0  }
0x12d: {  	[sflag:s31] =	ssyncadd.s32 $0xFFFFFC00  }
0x12e: {  	_ =	swait.ge [sflag:s31], $0x400  }
0x12f: {  	[sflag:s31] =	ssyncset.done $0x0  }
0x130: {  	[sflag:s31] =	ssyncadd.s32 $0xFFFFFC00  }
0x131: {  	s14 =	simm.s32 $0x0;
	s17 =	simm.s32 $0x20;
	_ =	swait.ge [sflag:s31], $0x400  }
0x132: {  	v11 =	vmov s14;
	v13 =	vmov s17;
	s19 =	simm.s32 $0x30;
	s20 =	simm.s32 $0x10;
	[sflag:s31] =	ssyncset.done $0x0  }
0x133: {  	v13 =	vshll.u32 v13, $0x4;
	v14 =	vmov s19;
	v15 =	vmov s20;
	s9 =	simm.s32 $0x6A0;
	[sflag:s31] =	ssyncadd.s32 $0xFFFFFC00  }
0x134: {  	s13 =	simm.s32 $0x40;
	v11 =	vshll.u32 v11, $0x4;
	v14 =	vshll.u32 v14, $0x4;
	v15 =	vshll.u32 v15, $0x4;
	s12 =	simm.s32 $0x60;
	v12 =	vld [tilespmem:s9+$0x20]  }
0x135: {  	s11 =	simm.s32 $0x50;
	v10 =	vmov s12;
	v8 =	vmov s13;
	v7 =	vmul.u32 $0x10, v0;
	v16 =	vld [tilespmem:s9+$0x30]  }
0x136: {  	s10 =	simm.s32 $0x70;
	v10 =	vshll.u32 v10, $0x4;
	v9 =	vmov s11;
	v8 =	vshll.u32 v8, $0x4;
	v17 =	vld [tilespmem:s9+$0x0]  }
0x137: {  	v9 =	vshll.u32 v9, $0x4;
	v6 =	vmov s10;
	v10 =	vor.u32 v7, v10;
	v18 =	vld [tilespmem:s9+$0x10]  }
0x138: {  	v8 =	vor.u32 v7, v8;
	v20 =	vor.u32 v7, v13;
	v21 =	vor.u32 v7, v14;
	v19 =	vld [tilespmem:s9+$0xFFFFFFE0]  }
0x139: {  	v14 =	vor.u32 v7, v9;
	v11 =	vor.u32 v7, v11;
	v6 =	vshll.u32 v6, $0x4;
	v23 =	vld [tilespmem:s9+$0xFFFFFFF0]  }
0x13a: {  	v22 =	vor.u32 v7, v15;
	v5 =	vimm.f32 $0.0e+00;
	v6 =	vor.u32 v7, v6  }
0x13b: {  	s10 =	simm.s32 $0x8C0;
	v24 =	vld [tilespmem:s9+$0xFFFFFFC0];
	v13 =	vand.u32 $0x7, v12;
	v12 =	vand.u32 $0xFFFFFFF8, v12;
	v15 =	vand.u32 $0xFFFFFFF8, v16  }
0x13c: {  	v9 =	vld [tilespmem:s10+$0x20];
	v16 =	vand.u32 $0x7, v16;
	v25 =	vand.u32 $0xFFFFFFF8, v17;
	v17 =	vand.u32 $0x7, v17  }
0x13d: {  	v27 =	vld [tilespmem:s9+$0xFFFFFFD0];
	v26 =	vand.u32 $0x7, v18;
	v28 =	vand.u32 $0x7, v19;
	v29 =	vand.u32 $0xFFFFFFF8, v18  }
0x13e: {  	v19 =	vand.u32 $0xFFFFFFF8, v19;
	v31 =	vand.u32 $0xFFFFFFF8, v23;
	v12 =	vadd.s32 v10, v12;
	v10 =	vld [tilespmem:s10+$0x30]  }
0x13f: {  	v6 =	vadd.s32 v6, v15;
	v8 =	vadd.s32 v8, v25;
	v15 =	vld [tilespmem:s10+$0xFFFFFFE0];
	v30 =	vor.u32 v13, v12  }
0x140: {  	v12 =	vld [tilespmem:s10+$0x0];
	v32 =	vor.u32 v16, v6;
	v6 =	vand.u32 $0x7, v24;
	v18 =	vor.u32 v17, v8  }
0x141: {  	v13 =	vld [tilespmem:s10+$0x10];
	v8 =	vadd.s32 v14, v29;
	v16 =	vand.u32 $0xFFFFFFF8, v24;
	v17 =	vadd.s32 v20, v19  }
0x142: {  	v14 =	vld [tilespmem:s10+$0xFFFFFFF0];
	v20 =	vand.u32 $0x7, v27;
	v25 =	vor.u32 v26, v8;
	v8 =	vadd.s32 v11, v16  }
0x143: {  	v11 =	vand.u32 $0xFFFFFFF8, v27;
	v16 =	vld [tilespmem:s10+$0xFFFFFFC0];
	v26 =	vor.u32 v28, v17;
	v27 =	vand.u32 $0x7, v23  }
0x144: {  	v17 =	vld [tilespmem:s10+$0xFFFFFFD0];
	v28 =	vadd.s32 v21, v31;
	v21 =	vimm.f32 $0.0e+00;
	v11 =	vadd.s32 v22, v11  }
0x145: {  	v19 =	vor.u32 v6, v8;
	v6 =	vimm.f32 $0.0e+00;
	v8 =	vimm.f32 $0.0e+00;
	v23 =	vld.idx.msk [tilespmem:v30+s7+$0x0], $0xffff  }
0x146: {  	s12 =	simm.s32 $0xF0;
	s11 =	simm.s32 $0x0;
	v24 =	vor.u32 v20, v11;
	v11 =	vimm.f32 $0.0e+00;
	v20 =	vimm.f32 $0.0e+00;
	v22 =	vld.idx.msk [tilespmem:v32+s7+$0x0], $0xffff  }
.LBB2_4:
0x147: {  	v29 =	vmov s12;
	v27 =	vor.u32 v27, v28;
	v18 =	vld.idx.msk [tilespmem:v18+s7+$0x0], $0xffff  }
0x148: {  	s13 =	sadd.s32 $0xFFFFFFD0, s12;
	s14 =	sadd.s32 $0xFFFFFFE0, s12;
	s17 =	sadd.s32 $0xFFFFFFF0, s12;
	v28 =	vshll.u32 v29, $0x4;
	v25 =	vld.idx.msk [tilespmem:v25+s7+$0x0], $0xffff  }
0x149: {  	s19 =	sadd.s32 $0xFFFFFF90, s12;
	s20 =	sadd.s32 $0xFFFFFFB0, s12;
	s1 =	sadd.s32 $0xFFFFFFC0, s12;
	v29 =	vmov s13;
	v30 =	vmov s14;
	v31 =	vmov s17;
	v26 =	vld.idx.msk [tilespmem:v26+s7+$0x0], $0xffff  }
0x14a: {  	v32 =	vmov s19;
	s13 =	sadd.s32 $0xFFFFFFA0, s12;
	v33 =	vmov s20;
	v34 =	vmov s1;
	v19 =	vld.idx.msk [tilespmem:v19+s7+$0x0], $0xffff  }
0x14b: {  	v35 =	vmov s13;
	v31 =	vshll.u32 v31, $0x4;
	v28 =	vor.u32 v7, v28;
	v24 =	vld.idx.msk [tilespmem:v24+s7+$0x0], $0xffff  }
0x14c: {  	v33 =	vshll.u32 v33, $0x4;
	v29 =	vshll.u32 v29, $0x4;
	v30 =	vshll.u32 v30, $0x4;
	v27 =	vld.idx.msk [tilespmem:v27+s7+$0x0], $0xffff  }
0x14d: {  	v5 =	vadd.f32 v16, v5;
	v6 =	vadd.f32 v17, v6;
	v36 =	vmul.f32 v9, v23  }
0x14e: {  	v34 =	vshll.u32 v34, $0x4;
	v38 =	vmul.f32 v10, v22;
	v37 =	vmul.f32 v12, v18  }
0x14f: {  	v5 =	vadd.f32 v15, v5;
	v6 =	vadd.f32 v14, v6;
	v39 =	vmul.f32 v13, v25  }
0x150: {  	v32 =	vshll.u32 v32, $0x4;
	v15 =	vmul.f32 v15, v26;
	v16 =	vmul.f32 v16, v19  }
0x151: {  	v5 =	vadd.f32 v12, v5;
	v6 =	vadd.f32 v13, v6;
	v17 =	vmul.f32 v17, v24  }
0x152: {  	v12 =	vshll.u32 v35, $0x4;
	v13 =	vmul.f32 v16, v19;
	v14 =	vmul.f32 v14, v27  }
0x153: {  	v5 =	vadd.f32 v9, v5;
	v6 =	vadd.f32 v10, v6;
	v19 =	vmul.f32 v17, v24  }
0x154: {  	v8 =	vadd.f32 v16, v8;
	v10 =	vadd.f32 v17, v11;
	v11 =	vmul.f32 v15, v26  }
0x155: {  	s10 =	sadd.s32 $0x80, s10;
	v13 =	vadd.f32 v13, v20;
	v17 =	vmul.f32 v14, v27;
	v16 =	vadd.f32 v19, v21  }
0x156: {  	s9 =	sadd.s32 $0x80, s9;
	v8 =	vadd.f32 v15, v8;
	v10 =	vadd.f32 v14, v10;
	v14 =	vmul.f32 v37, v18;
	v9 =	vld [tilespmem:s10+$0x20]  }
0x157: {  	v11 =	vadd.f32 v11, v13;
	v13 =	vadd.f32 v17, v16;
	v16 =	vmul.f32 v39, v25;
	v15 =	vld [tilespmem:s9+$0x20]  }
0x158: {  	v18 =	vmul.f32 v36, v23;
	v8 =	vadd.f32 v37, v8;
	v10 =	vadd.f32 v39, v10;
	v17 =	vld [tilespmem:s9+$0x30]  }
0x159: {  	v14 =	vadd.f32 v14, v11;
	v13 =	vadd.f32 v16, v13;
	v16 =	vmul.f32 v38, v22;
	v19 =	vld [tilespmem:s9+$0x0]  }
0x15a: {  	v23 =	vor.u32 v7, v31;
	v8 =	vadd.f32 v36, v8;
	v11 =	vadd.f32 v38, v10;
	v22 =	vld [tilespmem:s9+$0x10]  }
0x15b: {  	v25 =	vor.u32 v7, v29;
	v20 =	vadd.f32 v18, v14;
	v21 =	vadd.f32 v16, v13;
	v24 =	vld [tilespmem:s9+$0xFFFFFFE0]  }
0x15c: {  	v26 =	vor.u32 v7, v33;
	v29 =	vor.u32 v7, v34;
	v16 =	vor.u32 v7, v30;
	v10 =	vld [tilespmem:s10+$0x30]  }
0x15d: {  	v27 =	vor.u32 v7, v32;
	v30 =	vor.u32 v7, v12;
	v14 =	vand.u32 $0x7, v15;
	v31 =	vld [tilespmem:s9+$0xFFFFFFF0]  }
0x15e: {  	v13 =	vand.u32 $0xFFFFFFF8, v15;
	v15 =	vand.u32 $0xFFFFFFF8, v17;
	v17 =	vand.u32 $0x7, v17;
	v32 =	vld [tilespmem:s9+$0xFFFFFFC0]  }
0x15f: {  	v18 =	vand.u32 $0xFFFFFFF8, v19;
	v19 =	vand.u32 $0x7, v19;
	v33 =	vand.u32 $0x7, v22;
	v12 =	vld [tilespmem:s10+$0x0]  }
0x160: {  	s11 =	sadd.s32 $0x4, s11;
	v23 =	vadd.s32 v23, v13;
	v22 =	vand.u32 $0xFFFFFFF8, v22;
	v34 =	vld [tilespmem:s9+$0xFFFFFFD0];
	v35 =	vand.u32 $0x7, v24  }
0x161: {  	p2 =	slt.u32 s11, $0xC;
	v23 =	vor.u32 v14, v23;
	v14 =	vadd.s32 v28, v15;
	v24 =	vand.u32 $0xFFFFFFF8, v24;
	v13 =	vld [tilespmem:s10+$0x10]  }
0x162: {  	v18 =	vadd.s32 v25, v18;
	v36 =	vor.u32 v17, v14;
	v28 =	vand.u32 $0xFFFFFFF8, v31;
	v15 =	vld [tilespmem:s10+$0xFFFFFFE0]  }
.Ltmp3:
0x163: {  	v18 =	vor.u32 v19, v18;
	v17 =	vadd.s32 v16, v22;
	v37 =	vand.u32 $0x7, v32;
	v14 =	vld [tilespmem:s10+$0xFFFFFFF0];
	(pc) =	sbr.rel @p2 .LBB2_4-.Ltmp3, $4  }
0x164: {  	v22 =	vadd.s32 v26, v24;
	v25 =	vor.u32 v33, v17;
	v19 =	vand.u32 $0xFFFFFFF8, v32;
	v16 =	vld [tilespmem:s10+$0xFFFFFFC0]  }
0x165: {  	v26 =	vor.u32 v35, v22;
	v19 =	vadd.s32 v27, v19;
	v24 =	vand.u32 $0xFFFFFFF8, v34;
	v17 =	vld [tilespmem:s10+$0xFFFFFFD0]  }
0x166: {  	v19 =	vor.u32 v37, v19;
	v22 =	vand.u32 $0x7, v34;
	v24 =	vadd.s32 v30, v24;
	v23 =	vld.idx.msk [tilespmem:v23+s7+$0x0], $0xffff  }
0x167: {  	s12 =	sadd.s32 $0x80, s12;
	v28 =	vadd.s32 v29, v28;
	v27 =	vand.u32 $0x7, v31;
	v24 =	vor.u32 v22, v24;
	v22 =	vld.idx.msk [tilespmem:v36+s7+$0x0], $0xffff  }
0x168: {  	_ =	sdelay $0x3  }
0x169: {  	v27 =	vor.u32 v27, v28;
	v28 =	vld.idx.msk [tilespmem:v18+s7+$0x0], $0xffff  }
0x16a: {  	v25 =	vld.idx.msk [tilespmem:v25+s7+$0x0], $0xffff  }
0x16b: {  	v26 =	vld.idx.msk [tilespmem:v26+s7+$0x0], $0xffff  }
0x16c: {  	v29 =	vld.idx.msk [tilespmem:v19+s7+$0x0], $0xffff  }
0x16d: {  	v24 =	vld.idx.msk [tilespmem:v24+s7+$0x0], $0xffff  }
0x16e: {  	v5 =	vadd.f32 v16, v5;
	v27 =	vld.idx.msk [tilespmem:v27+s7+$0x0], $0xffff;
	_ =	swait.ge [sflag:s31], $0x200  }
0x16f: {  	v6 =	vadd.f32 v17, v6;
	[sflag:s31] =	ssyncset.done $0x0  }
0x170: {  	v5 =	vadd.f32 v15, v5;
	[sflag:s31] =	ssyncadd.s32 $0xFFFFFE00  }
0x171: {  	v6 =	vadd.f32 v14, v6;
	v18 =	vld [tilespmem:$0xA80]  }
0x172: {  	v5 =	vadd.f32 v12, v5;
	v19 =	vld [tilespmem:$0xA90]  }
0x173: {  	v6 =	vadd.f32 v13, v6  }
0x174: {  	v5 =	vadd.f32 v9, v5  }
0x175: {  	v30 =	vadd.f32 v10, v6  }
0x176: {  	v6 =	vadd.f32 v18, v5  }
0x177: {  	v5 =	vadd.f32 v19, v30  }
0x178: {  	v30 =	vld [tilespmem:$0x860];
	v31 =	vmax.f32 v6, $1.000000000e+00  }
0x179: {  	v33 =	vmax.f32 v5, $1.000000000e+00;
	v32 =	vsub.s32 $0x7EF311C3, v31  }
0x17a: {  	v35 =	vsub.s32 $0x7EF311C3, v33;
	v34 =	vmul.f32 v32, v31  }
0x17b: {  	v36 =	vld [tilespmem:$0x870];
	v37 =	vmul.f32 v35, v33  }
0x17c: {  	v38 =	vor.u32 $0x2000, v7;
	v34 =	vsub.f32 $2.000000000e+00, v34  }
0x17d: {  	v39 =	vmul.f32 v16, v29;
	v16 =	vadd.s32 v38, v30;
	v30 =	vsub.f32 $2.000000000e+00, v37  }
0x17e: {  	v37 =	vmul.f32 v15, v26;
	v15 =	vmul.f32 v32, v34  }
0x17f: {  	v7 =	vor.u32 $0x2100, v7;
	v32 =	vmul.f32 v17, v24;
	v17 =	vmul.f32 v35, v30  }
0x180: {  	v8 =	vadd.f32 v39, v8;
	v7 =	vadd.s32 v7, v36;
	v30 =	vmul.f32 v15, v31  }
0x181: {  	v34 =	vmul.f32 v14, v27;
	v11 =	vadd.f32 v32, v11;
	v14 =	vmul.f32 v17, v33  }
0x182: {  	v35 =	vmul.f32 v12, v28;
	v12 =	vadd.f32 v37, v8;
	v8 =	vld.idx.msk [tilespmem:v16+s7+$0x0], $0xffff;
	v16 =	vsub.f32 $2.000000000e+00, v30  }
0x183: {  	v30 =	vmul.f32 v13, v25;
	v11 =	vadd.f32 v34, v11;
	v13 =	vsub.f32 $2.000000000e+00, v14  }
0x184: {  	v36 =	vmul.f32 v9, v23;
	v38 =	vmul.f32 v10, v22  }
0x185: {  	v14 =	vmul.f32 v16, v15;
	v10 =	vadd.f32 v30, v11;
	v11 =	vld.idx.msk [tilespmem:v7+s7+$0x0], $0xffff;
	v7 =	vmul.f32 v13, v17  }
0x186: {  	v9 =	vadd.f32 v35, v12;
	v15 =	vtrunc.f32 v6;
	v17 =	vtrunc.f32 v5  }
0x187: {  	v13 =	vmul.f32 v14, v31;
	v16 =	vadd.f32 v38, v10;
	v10 =	vmul.f32 v7, v33  }
0x188: {  	v9 =	vadd.f32 v36, v9;
	v12 =	vmul.f32 v18, v8;
	v17 =	vcvt.f32.s32 v17  }
0x189: {  	v31 =	vcvt.f32.s32 v15;
	v18 =	vsub.f32 $2.000000000e+00, v13;
	v10 =	vsub.f32 $2.000000000e+00, v10  }
0x18a: {  	vm2 =	vgt.s32 v17, $0x0;
	v13 =	vadd.f32 v12, v9;
	v15 =	vmul.f32 v19, v11  }
0x18b: {  	vm1 =	vgt.s32 v31, $0x0;
	v9 =	vmul.f32 v18, v14;
	v10 =	vmul.f32 v10, v7  }
0x18c: {  	v7 =	vmpcnt.ones.xlane vm1;
	v18 =	vmpcnt.ones.xlane vm2;
	v14 =	vadd.f32 v15, v16  }
0x18d: {  	s1 =	simm.s32 $0x0;
	v17 =	vmul.f32 v9, v13  }
0x18e: {  	v31 =	vmov s1;
	v7 =	vadd.s32 v7, v18;
	v16 =	vmul.f32 v10, v14  }
0x18f: {  	v33 =	vor.u32 $0x10, v0;
	vm3 =	vgt.s32 v7, v0;
	v18 =	vnsel vm1, $0x0, v17  }
0x190: {  	s20 =	simm.s32 $0x1;
	v19 =	vsel vm3, v18, v61;
	v18 =	vnsel vm2, $0x0, v16;
	vm3 =	vgt.s32 v7, v33  }
0x191: {  	v29 =	vmul.f32 v39, v29;
	v33 =	vmov s20;
	[tilespmem:$0x2CA0] =	vst v19;
	v18 =	vsel vm3, v18, v63  }
0x192: {  	[tilespmem:$0x2CB0] =	vst v18  }
0x193: {  	s9 =	simm.s32 $0x2;
	v20 =	vadd.f32 v29, v20;
	v26 =	vmul.f32 v37, v26;
	v24 =	vmul.f32 v32, v24;
	v31 =	vld.idx.msk [tilespmem:v31+s0+$0x0], $0xffff  }
0x194: {  	v39 =	vmov s9;
	v28 =	vmul.f32 v35, v28  }
0x195: {  	v20 =	vadd.f32 v26, v20;
	v21 =	vadd.f32 v24, v21;
	v24 =	vmul.f32 v34, v27  }
0x196: {  	v27 =	vld.idx.msk [tilespmem:v33+s0+$0x0], $0xffff  }
0x197: {  	s10 =	simm.s32 $0x3;
	v23 =	vmul.f32 v36, v23;
	v20 =	vadd.f32 v28, v20;
	v21 =	vadd.f32 v24, v21  }
0x198: {  	v24 =	vmul.f32 v30, v25;
	v25 =	vmov s10;
	v26 =	vsub.f32 v19, v31  }
0x199: {  	v22 =	vmul.f32 v38, v22;
	v30 =	vld.idx.msk [tilespmem:v39+s0+$0x0], $0xffff;
	v29 =	vsub.f32 v18, v31  }
0x19a: {  	s11 =	simm.s32 $0x4;
	v20 =	vadd.f32 v23, v20;
	v21 =	vadd.f32 v24, v21;
	v26 =	vmul.f32 v26, v26  }
0x19b: {  	v24 =	vmul.f32 v29, v29;
	v28 =	vsub.f32 v19, v27;
	v29 =	vmov s11  }
0x19c: {  	v27 =	vsub.f32 v18, v27;
	v26 =	vsub.f32 $0.0e+00, v26  }
0x19d: {  	v21 =	vadd.f32 v22, v21;
	v25 =	vld.idx.msk [tilespmem:v25+s0+$0x0], $0xffff;
	v28 =	vmul.f32 v28, v28;
	v24 =	vsub.f32 $0.0e+00, v24  }
0x19e: {  	v23 =	vmul.f32 v27, v27;
	v27 =	vsub.f32 v19, v30;
	v26 =	vmul.f32 $1.442695020e+00, v26  }
0x19f: {  	v22 =	vsub.f32 v18, v30;
	v28 =	vsub.f32 $0.0e+00, v28;
	v24 =	vmul.f32 $1.442695020e+00, v24  }
0x1a0: {  	(erf) = vpow2.f32 v26;
	v26 =	vmul.f32 v27, v27;
	v27 =	vld.idx.msk [tilespmem:v29+s0+$0x0], $0xffff  }
0x1a1: {  	s12 =	simm.s32 $0x5;
	v22 =	vmul.f32 v22, v22;
	v23 =	vsub.f32 $0.0e+00, v23;
	v28 =	vmul.f32 $1.442695020e+00, v28  }
0x1a2: {  	v29 =	vsub.f32 v19, v25;
	(erf) = vpow2.f32 v24;
	v24 =	vmov s12  }
0x1a3: {  	v23 =	vmul.f32 $1.442695020e+00, v23;
	v25 =	vsub.f32 v18, v25;
	v26 =	vsub.f32 $0.0e+00, v26  }
0x1a4: {  	v22 =	vsub.f32 $0.0e+00, v22;
	(erf) = vpow2.f32 v28;
	v29 =	vmul.f32 v29, v29  }
0x1a5: {  	s13 =	simm.s32 $0x6;
	v25 =	vmul.f32 v25, v25;
	v26 =	vmul.f32 $1.442695020e+00, v26;
	v30 =	vsub.f32 v19, v27  }
0x1a6: {  	(erf) = vpow2.f32 v23;
	v23 =	vmov s13;
	v29 =	vsub.f32 $0.0e+00, v29  }
0x1a7: {  	v24 =	vld.idx.msk [tilespmem:v24+s0+$0x0], $0xffff;
	(erf) = vpow2.f32 v26;
	v26 =	vsub.f32 v18, v27;
	v27 =	vmul.f32 v30, v30  }
0x1a8: {  	v22 =	vmul.f32 $1.442695020e+00, v22  }
0x1a9: {  	v28 =	vimm.f32 $0.0e+00;
	v25 =	vsub.f32 $0.0e+00, v25;
	v29 =	vmul.f32 $1.442695020e+00, v29;
	v30 =	vpop (erf)  }
0x1aa: {  	v28 =	vadd.f32 v30, v28  }
0x1ab: {  	s14 =	simm.s32 $0x7;
	v25 =	vmul.f32 $1.442695020e+00, v25;
	(erf) = vpow2.f32 v22;
	v22 =	vsub.f32 $0.0e+00, v27;
	v27 =	vpop (erf)  }
0x1ac: {  	v31 =	vld.idx.msk [tilespmem:v23+s0+$0x0], $0xffff;
	v30 =	vmov s14;
	v23 =	vadd.f32 v28, v27;
	v27 =	vsub.f32 v19, v24  }
0x1ad: {  	v26 =	vmul.f32 v26, v26;
	(erf) = vpow2.f32 v29;
	v29 =	vpop (erf)  }
0x1ae: {  	s19 =	simm.s32 $0x9;
	v23 =	vadd.f32 v23, v29;
	v29 =	vmul.f32 $1.442695020e+00, v22  }
0x1af: {  	s17 =	simm.s32 $0x8;
	v36 =	vmov s19;
	v26 =	vsub.f32 $0.0e+00, v26;
	(erf) = vpow2.f32 v25  }
0x1b0: {  	v28 =	vmov s17;
	v24 =	vsub.f32 v18, v24;
	v25 =	vmul.f32 v27, v27;
	v27 =	vpop (erf)  }
0x1b1: {  	v26 =	vmul.f32 $1.442695020e+00, v26;
	v30 =	vld.idx.msk [tilespmem:v30+s0+$0x0], $0xffff;
	(erf) = vpow2.f32 v29;
	v23 =	vadd.f32 v23, v27  }
0x1b2: {  	s9 =	simm.s32 $0xA;
	v25 =	vsub.f32 $0.0e+00, v25;
	v27 =	vmul.f32 v24, v24;
	v24 =	vsub.f32 v19, v31;
	v29 =	vpop (erf)  }
0x1b3: {  	v22 =	vmov s9;
	(erf) = vpow2.f32 v26;
	v29 =	vadd.f32 v23, v29  }
0x1b4: {  	s20 =	simm.s32 $0xB;
	v26 =	vsub.f32 v18, v31;
	v25 =	vmul.f32 $1.442695020e+00, v25;
	v31 =	vmul.f32 v24, v24;
	v37 =	vpop (erf)  }
0x1b5: {  	v23 =	vmov s20;
	v24 =	vld.idx.msk [tilespmem:v28+s0+$0x0], $0xffff;
	v27 =	vsub.f32 $0.0e+00, v27;
	v28 =	vadd.f32 v29, v37  }
0x1b6: {  	v26 =	vmul.f32 v26, v26;
	v38 =	vpop (erf);
	v29 =	vsub.f32 $0.0e+00, v31;
	v31 =	vsub.f32 v19, v30  }
0x1b7: {  	(erf) = vpow2.f32 v25;
	v27 =	vmul.f32 $1.442695020e+00, v27;
	v25 =	vadd.f32 v28, v38  }
0x1b8: {  	v26 =	vsub.f32 $0.0e+00, v26;
	v30 =	vsub.f32 v18, v30;
	v39 =	vpop (erf);
	v31 =	vmul.f32 v31, v31  }
0x1b9: {  	v28 =	vmul.f32 $1.442695020e+00, v29;
	(erf) = vpow2.f32 v27;
	v29 =	vadd.f32 v25, v39;
	v25 =	vld.idx.msk [tilespmem:v36+s0+$0x0], $0xffff  }
0x1ba: {  	s10 =	simm.s32 $0xF;
	v27 =	vsub.f32 $0.0e+00, v31;
	v31 =	vmul.f32 v30, v30;
	v30 =	vsub.f32 v19, v24;
	v32 =	vpop (erf)  }
.LBB2_6:
0x1bb: {  	p2 =	slt.u32 s10, $0x19;
	v26 =	vmul.f32 $1.442695020e+00, v26;
	(erf) = vpow2.f32 v28;
	v28 =	vadd.f32 v29, v32  }
0x1bc: {  	v24 =	vsub.f32 v18, v24;
	v29 =	vsub.f32 $0.0e+00, v31;
	v30 =	vmul.f32 v30, v30;
	v31 =	vpop (erf)  }
0x1bd: {  	s1 =	sadd.s32 $0x2, s9;
	v32 =	vmul.f32 $1.442695020e+00, v27;
	(erf) = vpow2.f32 v26;
	v26 =	vadd.f32 v28, v31  }
0x1be: {  	v31 =	vmov s1;
	v28 =	vld.idx.msk [tilespmem:v22+s0+$0x0], $0xffff;
	v22 =	vmul.f32 v24, v24;
	v24 =	vsub.f32 v19, v25  }
0x1bf: {  	v29 =	vmul.f32 $1.442695020e+00, v29;
	v30 =	vsub.f32 $0.0e+00, v30;
	(erf) = vpow2.f32 v32  }
0x1c0: {  	v32 =	vsub.f32 v18, v25;
	v22 =	vsub.f32 $0.0e+00, v22;
	v24 =	vmul.f32 v24, v24;
	v27 =	vpop (erf)  }
0x1c1: {  	v26 =	vadd.f32 v27, v26;
	v27 =	vmul.f32 $1.442695020e+00, v30;
	(erf) = vpow2.f32 v29  }
0x1c2: {  	v29 =	vld.idx.msk [tilespmem:v23+s0+$0x0], $0xffff;
	v23 =	vsub.f32 $0.0e+00, v24;
	v24 =	vmul.f32 v32, v32;
	v25 =	vpop (erf)  }
0x1c3: {  	s1 =	sadd.s32 $0x3, s9;
	v22 =	vmul.f32 $1.442695020e+00, v22;
	v25 =	vadd.f32 v26, v25;
	(erf) = vpow2.f32 v27  }
0x1c4: {  	v26 =	vsub.f32 v19, v28;
	v27 =	vmov s1;
	v24 =	vsub.f32 $0.0e+00, v24;
	v30 =	vpop (erf)  }
0x1c5: {  	v33 =	vmul.f32 $1.442695020e+00, v23;
	v25 =	vadd.f32 v25, v30;
	(erf) = vpow2.f32 v22  }
0x1c6: {  	v28 =	vsub.f32 v18, v28;
	v22 =	vmov s10;
	v26 =	vmul.f32 v26, v26;
	v30 =	vld.idx.msk [tilespmem:v31+s0+$0x0], $0xffff;
	v31 =	vpop (erf)  }
0x1c7: {  	s1 =	sadd.s32 $0x4, s9;
	s9 =	smov.u32 s10;
	v24 =	vmul.f32 $1.442695020e+00, v24;
	v25 =	vadd.f32 v25, v31;
	(erf) = vpow2.f32 v33  }
0x1c8: {  	v32 =	vmov s1;
	v28 =	vmul.f32 v28, v28;
	v31 =	vsub.f32 v19, v29;
	v23 =	vpop (erf)  }
0x1c9: {  	s1 =	sadd.s32 $0x1, s10;
	v26 =	vsub.f32 $0.0e+00, v26;
	v25 =	vadd.f32 v25, v23;
	(erf) = vpow2.f32 v24  }
0x1ca: {  	v29 =	vsub.f32 v18, v29;
	v23 =	vmov s1;
	v31 =	vmul.f32 v31, v31;
	v24 =	vld.idx.msk [tilespmem:v27+s0+$0x0], $0xffff;
	v27 =	vpop (erf)  }
0x1cb: {  	v28 =	vsub.f32 $0.0e+00, v28;
	v26 =	vmul.f32 $1.442695020e+00, v26;
	v25 =	vadd.f32 v25, v27  }
.Ltmp4:
0x1cc: {  	v35 =	vmul.f32 v29, v29;
	v27 =	vsub.f32 $0.0e+00, v31;
	v31 =	vsub.f32 v19, v30;
	v33 =	vpop (erf);
	(pc) =	sbr.rel @p2 .LBB2_6-.Ltmp4, $4  }
0x1cd: {  	v34 =	vmul.f32 $1.442695020e+00, v28;
	(erf) = vpow2.f32 v26;
	v33 =	vadd.f32 v25, v33  }
0x1ce: {  	v30 =	vsub.f32 v18, v30;
	v26 =	vsub.f32 $0.0e+00, v35;
	v31 =	vmul.f32 v31, v31;
	v25 =	vld.idx.msk [tilespmem:v32+s0+$0x0], $0xffff;
	v29 =	vpop (erf)  }
0x1cf: {  	v28 =	vmul.f32 $1.442695020e+00, v27;
	(erf) = vpow2.f32 v34;
	v29 =	vadd.f32 v33, v29  }
0x1d0: {  	s10 =	sadd.s32 $0x5, s10;
	v27 =	vsub.f32 $0.0e+00, v31;
	v31 =	vmul.f32 v30, v30;
	v30 =	vsub.f32 v19, v24;
	v32 =	vpop (erf)  }
0x1d1: {  	(erf) = vpow2.f32 v28;
	v34 =	vadd.f32 v29, v32  }
0x1d2: {  	v26 =	vmul.f32 $1.442695020e+00, v26;
	v24 =	vsub.f32 v18, v24;
	s1 =	sadd.s32 $0x2, s9;
	v35 =	vsub.f32 $0.0e+00, v31  }
0x1d3: {  	v30 =	vmul.f32 v30, v30;
	v36 =	vpop (erf);
	v27 =	vmul.f32 $1.442695020e+00, v27;
	v28 =	vmov s1  }
0x1d4: {  	(erf) = vpow2.f32 v26;
	v37 =	vadd.f32 v34, v36;
	v38 =	vsub.f32 v19, v25  }
0x1d5: {  	v22 =	vld.idx.msk [tilespmem:v22+s0+$0x0], $0xffff;
	v24 =	vmul.f32 v24, v24;
	v33 =	vsub.f32 v18, v25;
	v29 =	vmul.f32 $1.442695020e+00, v35  }
0x1d6: {  	s17 =	sadd.s32 $0x3, s9;
	v30 =	vsub.f32 $0.0e+00, v30;
	(erf) = vpow2.f32 v27;
	v31 =	vmul.f32 v38, v38  }
0x1d7: {  	v24 =	vsub.f32 $0.0e+00, v24;
	v25 =	vmul.f32 v33, v33;
	v33 =	vmov s17;
	v39 =	vpop (erf)  }
0x1d8: {  	v23 =	vld.idx.msk [tilespmem:v23+s0+$0x0], $0xffff;
	s19 =	sadd.s32 $0x4, s9;
	v34 =	vmul.f32 $1.442695020e+00, v30;
	(erf) = vpow2.f32 v29;
	v26 =	vadd.f32 v39, v37  }
0x1d9: {  	v30 =	vmov s19;
	v36 =	vsub.f32 $0.0e+00, v31;
	v24 =	vmul.f32 $1.442695020e+00, v24;
	v35 =	vpop (erf)  }
0x1da: {  	v37 =	vsub.f32 v19, v22;
	(erf) = vpow2.f32 v34;
	v26 =	vadd.f32 v26, v35  }
0x1db: {  	v25 =	vsub.f32 $0.0e+00, v25;
	v22 =	vsub.f32 v18, v22;
	v39 =	vmul.f32 $1.442695020e+00, v36;
	v38 =	vpop (erf)  }
0x1dc: {  	v28 =	vld.idx.msk [tilespmem:v28+s0+$0x0], $0xffff;
	v27 =	vmul.f32 v37, v37;
	(erf) = vpow2.f32 v24;
	v26 =	vadd.f32 v26, v38  }
0x1dd: {  	v25 =	vmul.f32 $1.442695020e+00, v25;
	v22 =	vmul.f32 v22, v22;
	v35 =	vsub.f32 v19, v23;
	v34 =	vpop (erf)  }
0x1de: {  	v27 =	vsub.f32 $0.0e+00, v27;
	(erf) = vpow2.f32 v39;
	v26 =	vadd.f32 v26, v34  }
0x1df: {  	v23 =	vsub.f32 v18, v23;
	v37 =	vmul.f32 v35, v35;
	v22 =	vsub.f32 $0.0e+00, v22;
	v36 =	vpop (erf)  }
0x1e0: {  	(erf) = vpow2.f32 v25;
	v27 =	vmul.f32 $1.442695020e+00, v27;
	v26 =	vadd.f32 v26, v36  }
0x1e1: {  	v24 =	vld.idx.msk [tilespmem:v33+s0+$0x0], $0xffff;
	v23 =	vmul.f32 v23, v23;
	v39 =	vsub.f32 v19, v28;
	v25 =	vsub.f32 $0.0e+00, v37;
	v38 =	vpop (erf)  }
0x1e2: {  	v22 =	vmul.f32 $1.442695020e+00, v22;
	(erf) = vpow2.f32 v27;
	v26 =	vadd.f32 v26, v38  }
0x1e3: {  	v23 =	vsub.f32 $0.0e+00, v23;
	v34 =	vmul.f32 v39, v39;
	v36 =	vsub.f32 v18, v28;
	v33 =	vpop (erf)  }
0x1e4: {  	v37 =	vld.idx.msk [tilespmem:v30+s0+$0x0], $0xffff;
	v25 =	vmul.f32 $1.442695020e+00, v25;
	(erf) = vpow2.f32 v22;
	v26 =	vadd.f32 v26, v33  }
0x1e5: {  	v23 =	vmul.f32 $1.442695020e+00, v23;
	v27 =	vsub.f32 $0.0e+00, v34;
	v22 =	vmul.f32 v36, v36;
	v35 =	vpop (erf)  }
0x1e6: {  	v38 =	vsub.f32 v19, v24;
	(erf) = vpow2.f32 v25;
	v26 =	vadd.f32 v26, v35  }
0x1e7: {  	v30 =	vsub.f32 v18, v24;
	v22 =	vsub.f32 $0.0e+00, v22;
	v39 =	vpop (erf);
	(erf) = vpow2.f32 v23  }
0x1e8: {  	v27 =	vmul.f32 $1.442695020e+00, v27;
	v25 =	vmul.f32 v38, v38;
	v26 =	vadd.f32 v26, v39  }
0x1e9: {  	v32 =	vsub.f32 v19, v37;
	v23 =	vmul.f32 v30, v30;
	v22 =	vmul.f32 $1.442695020e+00, v22;
	v31 =	vpop (erf)  }
0x1ea: {  	v25 =	vsub.f32 $0.0e+00, v25;
	(erf) = vpow2.f32 v27;
	v24 =	vadd.f32 v26, v31  }
0x1eb: {  	v34 =	vsub.f32 v18, v37;
	v19 =	vmul.f32 v32, v32;
	v23 =	vsub.f32 $0.0e+00, v23;
	v33 =	vpop (erf)  }
0x1ec: {  	v25 =	vmul.f32 $1.442695020e+00, v25;
	(erf) = vpow2.f32 v22;
	v24 =	vadd.f32 v33, v24  }
0x1ed: {  	v8 =	vmul.f32 v12, v8;
	v18 =	vmul.f32 v34, v34;
	v19 =	vsub.f32 $0.0e+00, v19;
	v35 =	vpop (erf)  }
0x1ee: {  	v23 =	vmul.f32 $1.442695020e+00, v23;
	(erf) = vpow2.f32 v25;
	v36 =	vadd.f32 v24, v35  }
0x1ef: {  	v11 =	vmul.f32 v15, v11;
	v8 =	vadd.f32 v8, v20;
	v18 =	vsub.f32 $0.0e+00, v18;
	v37 =	vpop (erf)  }
0x1f0: {  	v19 =	vmul.f32 $1.442695020e+00, v19;
	v38 =	vpop (erf);
	(erf) = vpow2.f32 v23;
	v22 =	vadd.f32 v36, v37  }
0x1f1: {  	v27 =	vmul.f32 v16, v16;
	v18 =	vmul.f32 $1.442695020e+00, v18;
	v24 =	vadd.f32 v16, v16  }
0x1f2: {  	v23 =	vadd.f32 v17, v17;
	(erf) = vpow2.f32 v19;
	v22 =	vadd.f32 v22, v38  }
0x1f3: {  	v11 =	vadd.f32 v11, v21;
	v25 =	vmul.f32 v17, v17;
	v39 =	vpop (erf);
	v14 =	vmul.f32 v24, v14  }
0x1f4: {  	(erf) = vpow2.f32 v18;
	v12 =	vmul.f32 v23, v13;
	v19 =	vadd.f32 v22, v39  }
0x1f5: {  	v5 =	vmul.f32 v27, v5;
	v26 =	vpop (erf);
	v11 =	vsub.f32 v11, v14  }
0x1f6: {  	v6 =	vmul.f32 v25, v6;
	v8 =	vsub.f32 v8, v12;
	v28 =	vadd.f32 v19, v26  }
0x1f7: {  	v29 =	vpop (erf);
	v5 =	vadd.f32 v11, v5  }
0x1f8: {  	v6 =	vadd.f32 v8, v6;
	v12 =	vadd.f32 v28, v29  }
0x1f9: {  	v30 =	vpop (erf)  }
0x1fa: {  	v5 =	vmul.f32 v5, v10;
	v6 =	vmul.f32 v6, v9;
	v8 =	vadd.f32 v12, v30  }
0x1fb: {  	v31 =	vpop (erf)  }
0x1fc: {  	v5 =	vnsel vm2, $0x0, v5;
	v6 =	vnsel vm1, $0x0, v6;
	v8 =	vadd.f32 v8, v31  }
0x1fd: {  	v32 =	vpop (erf);
	v5 =	vadd.f32 v5, v6  }
0x1fe: {  	v6 =	vadd.f32 v8, v32  }
0x1ff: {  	(xrf2) =	vadd.scan.msk.f32 $0xffff, v5  }
0x200: {  	(xrf2) =	vadd.scan.msk.f32 $0xffff, v6;
	_ =	sdelay $0x2  }
0x201: {  	v5 =	vcvt.s32.f32 v7;
	_ =	sdelay $0x1  }
0x202: {  	v5 =	vmax.f32 v5, $1.000000000e+00  }
0x203: {  	v6 =	vadd.f32 $-1.000000000e+00, v5;
	_ =	sdelay $0x1  }
0x204: {  	v6 =	vmul.f32 v6, v5  }
0x205: {  	v33, _, _ =	vpop (xrf2)  }
0x206: {  	v6 =	vmul.f32 $5.000000000e-01, v6;
	v34, _, _ =	vpop (xrf2)  }
0x207: {  	(v2sf) =	vpush v34, $0xF  }
0x208: {  	v6 =	vmax.f32 v6, $1.000000000e+00  }
0x209: {  	v35 =	vsub.s32 $0x7EF311C3, v6  }
0x20a: {  	v36 =	vsub.s32 $0x7EF311C3, v5;
	v37 =	vmul.f32 v35, v6  }
0x20b: {  	v38 =	vmul.f32 v36, v5  }
0x20c: {  	v11 =	vsub.f32 $2.000000000e+00, v37  }
0x20d: {  	v12 =	vsub.f32 $2.000000000e+00, v38  }
0x20e: {  	v9 =	vmul.f32 v35, v11  }
0x20f: {  	v10 =	vmul.f32 v36, v12  }
0x210: {  	v11 =	vmul.f32 v9, v6  }
0x211: {  	v12 =	vmul.f32 v10, v5  }
0x212: {  	v11 =	vsub.f32 $2.000000000e+00, v11  }
0x213: {  	v12 =	vsub.f32 $2.000000000e+00, v12  }
0x214: {  	v9 =	vmul.f32 v11, v9  }
0x215: {  	v10 =	vmul.f32 v12, v10  }
0x216: {  	v6 =	vmul.f32 v9, v6;
	s20 =	spop (v2sf)  }
0x217: {  	v5 =	vmul.f32 v10, v5;
	s1 =	sadd.f32 $-3.000000000e+01, s20  }
0x218: {  	v6 =	vsub.f32 $2.000000000e+00, v6  }
0x219: {  	v5 =	vsub.f32 $2.000000000e+00, v5;
	s1 =	smul.f32 $5.000000000e-01, s1  }
0x21a: {  	v6 =	vmul.f32 v6, v9  }
0x21b: {  	v8 =	vbroadcast v33, $0xF;
	v5 =	vmul.f32 v5, v10;
	v39 =	vmov s1  }
0x21c: {  	v6 =	vmul.f32 s1, v6;
	v9 =	vadd.f32 $0.0e+00, v39  }
0x21d: {  	vm1 =	vgt.s32 v7, $0x1;
	v5 =	vmul.f32 v8, v5;
	v8 =	vadd.f32 $0.0e+00, v8  }
0x21e: {  	v6 =	vsel vm1, v6, v9;
	vm1 =	vgt.s32 v7, $0x0  }
0x21f: {  	v6 =	vmul.f32 $5.000000000e-01, v6;
	v5 =	vsel vm1, v5, v8  }
0x220: {  	vm1 =	vmmov $0x1;
	v5 =	vsel vm0, $0x0, v5  }
0x221: {  	v5 =	vsel vm1, v6, v5  }
0x222: {  	[tilespmem:$0x2CC0] =	vst v5  }
0x223: {  	v7 =	vimm.s32 @!p1 $0x30201000;
	v8 =	vimm.s32 @!p1 $0x70605040;
	[spmem:s16] =	stream.linear.scatter [tilespmem:s6], [sflag:$0x2], $0x10, $0x38;
	[tilespmem:$0x2D68] =	vst v63  }
0x224: {  	v7 =	vunpack.c.0.s8.s32 @!p1 v7;
	v6 =	vimm.s32 @!p1 $0x71615141;
	v5 =	vimm.s32 @!p1 $0x31211101;
	_ =	swait.ge [sflag:s21], $0x10  }
0x225: {  	v8 =	vunpack.c.0.s8.s32 @!p1 v8;
	v6 =	vunpack.c.0.s8.s32 @!p1 v6;
	v5 =	vunpack.c.0.s8.s32 @!p1 v5;
	[sflag:s21] =	ssyncset.done $0x0  }
0x226: {  	vm1 =	vcmask @!p1 $0x1F10;
	[sflag:s21] =	ssyncadd.s32 $0xFFFFFFF0  }
0x227: {  	v5 =	vsel @!p1 vm1, v6, v5;
	v6 =	vsel @!p1 vm1, v8, v7;
	[bflag:$0x0] =	sbarrier.arrive $0xFFFF  }
0x228: {  	s1 =	simm.s32 @!p1 $0x2CD0;
	v5 =	vcombine.low @!p1 v6, v5;
	s9 =	rddreg [dreg:$0x2]  }
0x229: {  	[tilespmem:s1], [sflag:$0x2] =	stream.linear.gather @!p1 [spmem:s9], $0x80, $0x38;
	[tilespmem:$0x2D68] =	vst v63  }
0x22a: {  	s9 =	simm.s32 @!p1 $0x2  }
0x22b: {  	_ =	swait.ge @!p1 [sflag:s9], $0x80  }
0x22c: {  	[sflag:s9] =	ssyncset.done @!p1 $0x0  }
0x22d: {  	[sflag:s9] =	ssyncadd.s32 @!p1 $0xFFFFFF80  }
0x22e: {  	v5 =	vld.idx.msk @!p1 [tilespmem:v5+s1+$0x0], $0xffff;
	_ =	sdelay $0x4  }
0x22f: {  	s10 =	simm.s32 @!p1 $0x2D50;
	s1 =	simm.s32 @!p1 $0x0;
	[tilespmem:$0x2D50] =	vst @!p1 v5  }
0x230: {  	[hbm4b:s4+s1] =	stream.linear.scatter @!p1 [tilespmem:s10], [sflag:$0x2], $0x8, $0x38;
	[tilespmem:$0x2D68] =	vst v63  }
0x231: {  	_ =	swait.ge @!p1 [sflag:s9], $0x8  }
0x232: {  	[sflag:s9] =	ssyncset.done @!p1 $0x0  }
.Ltmp5:
0x233: {  	s10 =	simm.s32 @!p1 $0x2D58;
	[sflag:s9] =	ssyncadd.s32 @!p1 $0xFFFFFFF8;
	(pc) =	sbr.rel .LBB2_8-.Ltmp5, $4  }
0x234: {  	[hbm4b:s5+s1] =	stream.linear.scatter @!p1 [tilespmem:s10], [sflag:$0x2], $0x8, $0x38;
	[tilespmem:$0x2D68] =	vst v63  }
0x235: {  	_ =	swait.ge @!p1 [sflag:s9], $0x8  }
0x236: {  	[sflag:s9] =	ssyncset.done @!p1 $0x0  }
0x237: {  	[sflag:s9] =	ssyncadd.s32 @!p1 $0xFFFFFFF8  }
.LBB2_9:
0x238: {  	_ =	sfence.sel $0x180000  }
0x239: {  	[bflag:$0x0] =	sbarrier.arrive $0xFFFF  }
0x23a: {  	_ =	strace $0x90000047  }
0x23b: {  	[bflag:$0x2] =	sbarrier.arrive $0xFFFF  }
0x23c: {  	s0 =	rddreg [dreg:$0x3]  }
0x23d: {  	s0 =	sadd.s32 @!p1 $0x100000, s0  }
0x23e: {  	[sflag:s0] =	ssyncadd.tile.s32 @!p1 $0x1;
	_ =	shalt  }
.Lfunc_end2:
_tile_overlayer_lowered:
.L_overlay_start_2:
0x23f: {  	(tag) =	ssettag $0x2  }
0x240: {  	s0 =	rddreg [dreg:$0x0];
	s2 =	stileid.u32  }
0x241: {  	s1 =	rddreg [dreg:$0x1];
	p0 =	sne.s32 s2, $0x0  }
0x242: {  	s3 =	rddreg [dreg:$0x2];
	[bflag:$0x3] =	sbarrier.arrive $0xFFFF;
	s2 =	simm.s32 @!p0 $0x1C02  }
0x243: {  	[timem:s3], [sflag:s2] =	dma.local @!p0 [hbm:s0], s1  }
0x244: {  	s0 =	simm.s32 @!p0 $0x2  }
0x245: {  	_ =	swait.ge @!p0 [sflag:s0], s1  }
0x246: {  	s1 =	ssub.s32 @!p0 $0x0, s1;
	[sflag:s0] =	ssyncset.done @!p0 $0x0  }
0x247: {  	[sflag:s0] =	ssyncadd.s32 @!p0 s1  }
0x248: {  	[bflag:$0x3] =	sbarrier.arrive $0xFFFF  }
0x249: {  	_ =	shalt  }

</sc_bundles>
